<compile_context>
chip_gen: v7x
topology: tpu7x:2x2x1
jax: 0.10.2.dev20260603
libtpu: 0.0.44.dev20260713+nightly
codegen_flags: <defaults>
</compile_context>

<pallas_src>
import functools

import jax
import jax.numpy as jnp
import numpy as np
from jax import lax
from jax.experimental import pallas as pl
from jax.experimental.pallas import tpu as pltpu
from jax.experimental.pallas import tpu_sc as plsc

D = 128
DM = 256
H = 512
BQ = 2048
BS = 256
NB = 64
ROWS = 2 * BQ + 2 * BS

NC = 2
NS = 16
NW = NC * NS
RPW = ROWS // NW
IDX_ROWS = RPW * NB // 128
SELF_MINOR = RPW // 2



def _bf16_bits(x):
    h = lax.bitcast_convert_type(x.astype(jnp.bfloat16), jnp.int16)
    return jnp.bitwise_and(h.astype(jnp.int32), jnp.int32(0xFFFF))


def _bf16_bits(x):
    h = lax.bitcast_convert_type(x.astype(jnp.bfloat16), jnp.int16)
    return jnp.bitwise_and(h.astype(jnp.int32), jnp.int32(0xFFFF))


def _tables_body(emb, w, bias, ptab):
    e = emb[...].astype(jnp.bfloat16)
    w_all = w[...].astype(jnp.bfloat16)
    zr = lax.dot_general(e, w_all[:, :D], (((1,), (1,)), ((), ())),
                         preferred_element_type=jnp.float32)
    ze = lax.dot_general(e, w_all[:, D:], (((1,), (1,)), ((), ())),
                         preferred_element_type=jnp.float32) + bias[...]

    ptab[...] = jnp.bitwise_or(_bf16_bits(zr),
                               lax.shift_left(_bf16_bits(ze), jnp.int32(16)))


def _make_tables(symbol_emb, gcn_W, bias_row):
    n = symbol_emb.shape[0]
    blk = 16384
    grid = (n + blk - 1) // blk
    return pl.pallas_call(
        _tables_body,
        grid=(grid,),
        in_specs=[
            pl.BlockSpec((blk, D), lambda i: (i, 0)),
            pl.BlockSpec((D, 2 * D), lambda i: (0, 0)),
            pl.BlockSpec((1, D), lambda i: (0, 0)),
        ],
        out_specs=pl.BlockSpec((blk, D), lambda i: (i, 0)),
        out_shape=jax.ShapeDtypeStruct((n, D), jnp.int32),
    )(symbol_emb, gcn_W, bias_row)


def _sc_body(ptab_hbm, emb_hbm, rel_hbm, ent_hbm, self_hbm,
             agg_hbm, selfe_hbm,
             rel_idx, ent_idx, self_idx, rel_buf, ent_buf,
             out_stage, selfe_stage, sem_r, sem_e, sem_s):
    wid = lax.axis_index("s") * NC + lax.axis_index("c")

    ra = pltpu.async_copy(rel_hbm.at[pl.ds(wid * IDX_ROWS, IDX_ROWS)],
                          rel_idx, sem_r)
    ea = pltpu.async_copy(ent_hbm.at[pl.ds(wid * IDX_ROWS, IDX_ROWS)],
                          ent_idx, sem_e)
    sa = pltpu.async_copy(self_hbm.at[pl.ds(wid * 2, 2)], self_idx, sem_s)
    ra.wait()
    ea.wait()

    sems = (sem_r, sem_e)

    def _issue(c, slot):
        pltpu.async_copy(ptab_hbm.at[rel_idx.at[c]], rel_buf.at[slot], sems[slot])
        pltpu.async_copy(ptab_hbm.at[ent_idx.at[c]], ent_buf.at[slot], sems[slot])

    def _wait(c, slot):
        pltpu.make_async_copy(ptab_hbm.at[rel_idx.at[c]], rel_buf.at[slot],
                              sems[slot]).wait()
        pltpu.make_async_copy(ptab_hbm.at[ent_idx.at[c]], ent_buf.at[slot],
                              sems[slot]).wait()

    def _compute(c, slot):
        himask = jnp.int32(-65536)

        for r in range(2):
            def nbody(n, acc):
                row = r * NB + n
                new = [None] * 8
                for g in range(8):
                    rw = rel_buf[slot, row, pl.ds(16 * g, 16)]
                    ew = ent_buf[slot, row, pl.ds(16 * g, 16)]
                    v = (lax.bitcast_convert_type(
                             lax.shift_left(rw, jnp.int32(16)), jnp.float32)
                         + lax.bitcast_convert_type(
                             jnp.bitwise_and(ew, himask), jnp.float32))
                    new[g] = acc[g] + jnp.maximum(v, v * 0.01)
                return tuple(new)
            acc0 = tuple(jnp.zeros((16,), jnp.float32) for _ in range(8))
            acc = lax.fori_loop(0, NB, nbody, acc0)
            for j in range(8):
                out_stage[2 * c + r, pl.ds(16 * j, 16)] = acc[j] * (1.0 / NB)

    _issue(0, 0)
    _issue(1, 1)

    sa.wait()
    for k in range(2):
        pltpu.async_copy(
            emb_hbm.at[self_idx.at[k]],
            selfe_stage.at[pl.ds(k * SELF_MINOR, SELF_MINOR)],
            sem_s,
        ).wait()
    pltpu.sync_copy(selfe_stage, selfe_hbm.at[pl.ds(wid * RPW, RPW)])

    def outer(c0, carry):
        for b in range(2):
            c = 2 * c0 + b
            _wait(c, b)
            _compute(c, b)
            nxt = c + 2

            @pl.when(nxt < IDX_ROWS)
            def _():
                _issue(nxt, b)
        return carry

    lax.fori_loop(0, IDX_ROWS // 2, outer, 0)
    pltpu.sync_copy(out_stage, agg_hbm.at[pl.ds(wid * RPW, RPW)])


def _sc_agg(ptab, emb, rel2d, ent2d, self2d):
    mesh = plsc.VectorSubcoreMesh(core_axis_name="c", subcore_axis_name="s")
    f = pl.kernel(
        _sc_body,
        mesh=mesh,
        out_type=(
            jax.ShapeDtypeStruct((ROWS, D), jnp.float32),
            jax.ShapeDtypeStruct((ROWS, D), jnp.float32),
        ),
        scratch_types=(
            pltpu.VMEM((IDX_ROWS, 128), jnp.int32),
            pltpu.VMEM((IDX_ROWS, 128), jnp.int32),
            pltpu.VMEM((2, SELF_MINOR), jnp.int32),
            pltpu.VMEM((2, 128, D), jnp.int32),
            pltpu.VMEM((2, 128, D), jnp.int32),
            pltpu.VMEM((RPW, D), jnp.float32),
            pltpu.VMEM((RPW, D), jnp.float32),
            pltpu.SemaphoreType.DMA,
            pltpu.SemaphoreType.DMA,
            pltpu.SemaphoreType.DMA,
        ),
    )
    return f(ptab, emb, rel2d, ent2d, self2d)


def _enc_body(agg, selfe, gate_w, gate_c, p1w, p1b, p2w, p2b, lna, lnb,
              q_enc_out, sg_out):
    a = agg[...]
    s = selfe[...]
    logit = jnp.sum(a * gate_w[...], axis=-1, keepdims=True) + gate_c[0, 0]
    gate = jax.nn.sigmoid(logit)
    fin = jnp.tanh(gate * a + (1.0 - gate) * s)

    qv = jnp.concatenate([fin[0:BQ], fin[BQ:2 * BQ]], axis=1)
    sv = jnp.concatenate([fin[2 * BQ:2 * BQ + BS], fin[2 * BQ + BS:]], axis=1)
    x = jnp.concatenate([qv, sv], axis=0)

    h1 = lax.dot_general(x.astype(jnp.bfloat16), p1w[...].astype(jnp.bfloat16),
                         (((1,), (1,)), ((), ())),
                         preferred_element_type=jnp.float32) + p1b[...]
    h1 = jnp.maximum(h1, 0.0)
    out = lax.dot_general(h1.astype(jnp.bfloat16), p2w[...].astype(jnp.bfloat16),
                          (((1,), (1,)), ((), ())),
                          preferred_element_type=jnp.float32) + p2b[...] + x
    mu = jnp.mean(out, axis=-1, keepdims=True)
    dlt = out - mu
    var = jnp.sum(dlt * dlt, axis=-1, keepdims=True) * (1.0 / (DM - 1))
    z = dlt / (jnp.sqrt(var) + 1e-6) * lna[...] + lnb[...]

    q_enc_out[...] = z[0:BQ]
    sg_out[...] = jnp.mean(z[BQ:], axis=0, keepdims=True)


def _encode(agg, selfe, gate_w, gate_c, p1w, p1b, p2w, p2b, lna, lnb):
    return pl.pallas_call(
        _enc_body,
        out_shape=[
            jax.ShapeDtypeStruct((BQ, DM), jnp.float32),
            jax.ShapeDtypeStruct((1, DM), jnp.float32),
        ],
    )(agg, selfe, gate_w, gate_c, p1w, p1b, p2w, p2b, lna, lnb)


def _lstm_body(q_enc, sg, wih, whA, whS, be, out):
    x = q_enc[...]
    sgv = sg[...]
    xb = x.astype(jnp.bfloat16)
    qW = lax.dot_general(xb, wih[...], (((1,), (1,)), ((), ())),
                         preferred_element_type=jnp.float32) + be[...]
    sS = lax.dot_general(sgv, whS[...], (((1,), (1,)), ((), ())),
                         preferred_element_type=jnp.float32)
    whAb = whA[...]
    c = jnp.zeros((x.shape[0], DM), jnp.float32)
    h = x
    for step in range(4):
        if step == 0:
            gates = qW
        else:
            gates = qW + lax.dot_general(
                h.astype(jnp.bfloat16), whAb, (((1,), (1,)), ((), ())),
                preferred_element_type=jnp.float32) + sS
        i = jax.nn.sigmoid(gates[:, 0:DM])
        f = jax.nn.sigmoid(gates[:, DM:2 * DM])
        g = jnp.tanh(gates[:, 2 * DM:3 * DM])
        o = jax.nn.sigmoid(gates[:, 3 * DM:4 * DM])
        c = f * c + i * g
        h = x + o * jnp.tanh(c)
    scores = jnp.sum(h * sgv, axis=1)
    out[...] = scores.reshape(1, 1, -1)


def _lstm(q_enc, sg, wih, whA, whS, be):
    blk = BQ
    nblk = BQ // blk
    out = pl.pallas_call(
        _lstm_body,
        grid=(nblk,),
        in_specs=[
            pl.BlockSpec((blk, DM), lambda i: (i, 0)),
            pl.BlockSpec((1, DM), lambda i: (0, 0)),
            pl.BlockSpec((4 * DM, DM), lambda i: (0, 0)),
            pl.BlockSpec((4 * DM, DM), lambda i: (0, 0)),
            pl.BlockSpec((4 * DM, DM), lambda i: (0, 0)),
            pl.BlockSpec((1, 4 * DM), lambda i: (0, 0)),
        ],
        out_specs=pl.BlockSpec((1, 1, blk), lambda i: (i, 0, 0)),
        out_shape=jax.ShapeDtypeStruct((nblk, 1, blk), jnp.float32),
    )(q_enc, sg, wih, whA, whS, be)
    return out.reshape(BQ)


def kernel(query, support, q_l1, q_l2, q_deg_l, q_r1, q_r2, q_deg_r,
           s_l1, s_l2, s_deg_l, s_r1, s_r2, s_deg_r, symbol_emb,
           gcn_W, gcn_bias, gcn_b, gate_W, gate_bias, gate_b,
           p1_W, p1_b, p2_W, p2_b, ln_a, ln_b, W_ih, W_hh, b_ih, b_hh):
    conn = jnp.concatenate([q_l1, q_r1, s_l1, s_r1], axis=0).astype(jnp.int32)
    rel2d = conn[:, :, 0].reshape(NW * IDX_ROWS, 128)
    ent2d = conn[:, :, 1].reshape(NW * IDX_ROWS, 128)
    self2d = jnp.concatenate(
        [query[:, 0], query[:, 1], support[:, 0], support[:, 1]]
    ).astype(jnp.int32).reshape(NW * 2, SELF_MINOR)

    bias_row = (gcn_bias + gcn_b).reshape(1, D)
    ptab = _make_tables(symbol_emb, gcn_W, bias_row)

    agg, selfe = _sc_agg(ptab, symbol_emb, rel2d, ent2d, self2d)

    gate_c = (gate_bias + gate_b).reshape(1, 1)
    q_enc, sg = _encode(agg, selfe, gate_W, gate_c,
                        p1_W, p1_b.reshape(1, -1), p2_W, p2_b.reshape(1, -1),
                        ln_a.reshape(1, -1), ln_b.reshape(1, -1))

    wih_e = jnp.concatenate([W_ih[0:DM], W_ih[H:H + DM],
                             W_ih[2 * H:2 * H + DM], W_ih[3 * H:3 * H + DM]], axis=0)
    whh_e = jnp.concatenate([W_hh[0:DM], W_hh[H:H + DM],
                             W_hh[2 * H:2 * H + DM], W_hh[3 * H:3 * H + DM]], axis=0)
    be = (b_ih + b_hh)
    be_e = jnp.concatenate([be[0:DM], be[H:H + DM],
                            be[2 * H:2 * H + DM], be[3 * H:3 * H + DM]]).reshape(1, -1)
    whA = whh_e[:, :DM].astype(jnp.bfloat16)
    whS = whh_e[:, DM:]

    return _lstm(q_enc, sg, wih_e.astype(jnp.bfloat16), whA, whS, be_e)

# --- scband reference (transcript-rebuilt; emitter-appended) ---
"""Pipeline reference for scband-embed-matcher-25305947308759 (READ-ONLY COPY).

The authoritative reference and input builder live on the scoring server;
editing this copy changes nothing except your own understanding.
"""

import jax, jax.numpy as jnp
import numpy as np

EMBED_DIM = 128
NUM_SYMBOLS = 100000
PAD_IDX = NUM_SYMBOLS
D_MODEL = 2 * EMBED_DIM
D_INNER = 2 * D_MODEL
HIDDEN = 2 * D_MODEL
PROCESS_STEPS = 4
GATE_TEMP = 1.0
BQ, BS, NB = 2048, 256, 64


def setup_inputs(seed: int = 0):
    key = jax.random.key(seed)
    ks = jax.random.split(key, 40)
    inp = {}
    inp["query"] = jax.random.randint(ks[0], (BQ, 2), 0, NUM_SYMBOLS)
    inp["support"] = jax.random.randint(ks[1], (BS, 2), 0, NUM_SYMBOLS)
    inp["q_l1"] = jax.random.randint(ks[2], (BQ, NB, 2), 0, NUM_SYMBOLS)
    inp["q_l2"] = jnp.zeros((1,), dtype=jnp.int32)
    inp["q_deg_l"] = jax.random.randint(ks[3], (BQ,), 0, NB)
    inp["q_r1"] = jax.random.randint(ks[4], (BQ, NB, 2), 0, NUM_SYMBOLS)
    inp["q_r2"] = jnp.zeros((1,), dtype=jnp.int32)
    inp["q_deg_r"] = jax.random.randint(ks[5], (BQ,), 0, NB)
    inp["s_l1"] = jax.random.randint(ks[6], (BS, NB, 2), 0, NUM_SYMBOLS)
    inp["s_l2"] = jnp.zeros((1,), dtype=jnp.int32)
    inp["s_deg_l"] = jax.random.randint(ks[7], (BS,), 0, NB)
    inp["s_r1"] = jax.random.randint(ks[8], (BS, NB, 2), 0, NUM_SYMBOLS)
    inp["s_r2"] = jnp.zeros((1,), dtype=jnp.int32)
    inp["s_deg_r"] = jax.random.randint(ks[9], (BS,), 0, NB)
    emb = jax.random.normal(ks[10], (NUM_SYMBOLS + 1, EMBED_DIM), dtype=jnp.float32) * 0.02
    emb = emb.at[PAD_IDX].set(0.0)
    inp["symbol_emb"] = emb
    inp["gcn_W"] = jax.random.normal(ks[11], (EMBED_DIM, 2 * EMBED_DIM), dtype=jnp.float32) * (1.0 / np.sqrt(2 * EMBED_DIM))
    inp["gcn_bias"] = jnp.zeros((EMBED_DIM,), dtype=jnp.float32)
    inp["gcn_b"] = jnp.zeros((EMBED_DIM,), dtype=jnp.float32)
    inp["gate_W"] = jax.random.normal(ks[12], (1, EMBED_DIM), dtype=jnp.float32) * (1.0 / np.sqrt(EMBED_DIM))
    inp["gate_bias"] = jnp.zeros((1,), dtype=jnp.float32)
    inp["gate_b"] = jnp.zeros((1,), dtype=jnp.float32)
    inp["p1_W"] = jax.random.normal(ks[13], (D_INNER, D_MODEL), dtype=jnp.float32) * (1.0 / np.sqrt(D_MODEL))
    inp["p1_b"] = jnp.zeros((D_INNER,), dtype=jnp.float32)
    inp["p2_W"] = jax.random.normal(ks[14], (D_MODEL, D_INNER), dtype=jnp.float32) * (1.0 / np.sqrt(D_INNER))
    inp["p2_b"] = jnp.zeros((D_MODEL,), dtype=jnp.float32)
    inp["ln_a"] = jnp.ones((D_MODEL,), dtype=jnp.float32)
    inp["ln_b"] = jnp.zeros((D_MODEL,), dtype=jnp.float32)
    inp["W_ih"] = jax.random.normal(ks[15], (4 * HIDDEN, D_MODEL), dtype=jnp.float32) * (1.0 / np.sqrt(HIDDEN))
    inp["W_hh"] = jax.random.normal(ks[16], (4 * HIDDEN, HIDDEN), dtype=jnp.float32) * (1.0 / np.sqrt(HIDDEN))
    inp["b_ih"] = jnp.zeros((4 * HIDDEN,), dtype=jnp.float32)
    inp["b_hh"] = jnp.zeros((4 * HIDDEN,), dtype=jnp.float32)
    return inp


def _layer_norm(z, a, b, eps=1e-6):
    mu = jnp.mean(z, axis=-1, keepdims=True)
    sigma = jnp.std(z, axis=-1, keepdims=True, ddof=1)
    return (z - mu) / (sigma + eps) * a + b


def _support_encoder(x, p1_W, p1_b, p2_W, p2_b, ln_a, ln_b):
    residual = x
    out = jax.nn.relu(x @ p1_W.T + p1_b)
    out = out @ p2_W.T + p2_b
    return _layer_norm(out + residual, ln_a, ln_b)


def _query_encoder(support, query, W_ih, W_hh, b_ih, b_hh):
    B = query.shape[0]
    h_r = jnp.zeros((B, HIDDEN), dtype=query.dtype)
    c = jnp.zeros((B, HIDDEN), dtype=query.dtype)
    h = query
    for _ in range(PROCESS_STEPS):
        gates = query @ W_ih.T + b_ih + h_r @ W_hh.T + b_hh
        i, f, g, o = jnp.split(gates, 4, axis=1)
        i = jax.nn.sigmoid(i)
        f = jax.nn.sigmoid(f)
        g = jnp.tanh(g)
        o = jax.nn.sigmoid(o)
        c = f * c + i * g
        h_r_ = o * jnp.tanh(c)
        h = query + h_r_[:, :D_MODEL]
        attn = jax.nn.softmax(h @ support.T, axis=1)
        r = attn @ support
        h_r = jnp.concatenate([h, r], axis=1)
    return h


def _neighbor_encoder(connections, self_ids, symbol_emb, gcn_W, gcn_bias, gcn_b, gate_W, gate_bias, gate_b):
    rel_emb = symbol_emb[connections[:, :, 0]]
    ent_emb = symbol_emb[connections[:, :, 1]]
    self_emb = symbol_emb[self_ids]
    concat = jnp.concatenate([rel_emb, ent_emb], axis=-1)
    projected = concat @ gcn_W.T + gcn_bias + gcn_b
    projected = jax.nn.leaky_relu(projected, negative_slope=0.01)
    neighbor_agg = jnp.mean(projected, axis=1)
    gate_val = jax.nn.sigmoid((neighbor_agg @ gate_W.T + gate_bias + gate_b) / GATE_TEMP)
    final_vec = gate_val * neighbor_agg + (1.0 - gate_val) * self_emb
    return jnp.tanh(final_vec)


def reference(query, support, q_l1, q_l2, q_deg_l, q_r1, q_r2, q_deg_r, s_l1, s_l2, s_deg_l, s_r1, s_r2, s_deg_r, symbol_emb, gcn_W, gcn_bias, gcn_b, gate_W, gate_bias, gate_b, p1_W, p1_b, p2_W, p2_b, ln_a, ln_b, W_ih, W_hh, b_ih, b_hh):
    ne = lambda conn, ids: _neighbor_encoder(conn, ids, symbol_emb, gcn_W, gcn_bias, gcn_b, gate_W, gate_bias, gate_b)
    q_left = ne(q_l1, query[:, 0])
    q_right = ne(q_r1, query[:, 1])
    query_vec = jnp.concatenate([q_left, q_right], axis=-1)
    s_left = ne(s_l1, support[:, 0])
    s_right = ne(s_r1, support[:, 1])
    support_vec = jnp.concatenate([s_left, s_right], axis=-1)
    support_g = _support_encoder(support_vec[:, None, :], p1_W, p1_b, p2_W, p2_b, ln_a, ln_b)
    query_encoded = _support_encoder(query_vec[:, None, :], p1_W, p1_b, p2_W, p2_b, ln_a, ln_b)
    support_g = jnp.mean(support_g, axis=0, keepdims=True)[:, 0, :]
    query_encoded = query_encoded[:, 0, :]
    query_g = _query_encoder(support_g, query_encoded, W_ih, W_hh, b_ih, b_hh)
    scores = jnp.sum(query_g * support_g, axis=1)
    return scores

if __name__ == "__main__":
    import jax
    _d = setup_inputs()
    print(jax.jit(kernel)(*tuple(_d.values())))

</pallas_src>

<mosaic_0001>
#map = affine_map<(d0, d1) -> (0, 0)>
module attributes {stable_mosaic.version = 14 : i64} {
  func.func @_sc_body(%arg0: i32, %arg1: i32, %arg2: memref<100001x128xi32, #tpu.memory_space<hbm>>, %arg3: memref<100001x128xf32, #tpu.memory_space<hbm>>, %arg4: memref<2304x128xi32, #tpu.memory_space<hbm>>, %arg5: memref<2304x128xi32, #tpu.memory_space<hbm>>, %arg6: memref<64x72xi32, #tpu.memory_space<hbm>>, %arg7: memref<4608x128xf32, #tpu.memory_space<hbm>>, %arg8: memref<4608x128xf32, #tpu.memory_space<hbm>>, %arg9: memref<72x128xi32, #tpu.memory_space<vmem>>, %arg10: memref<72x128xi32, #tpu.memory_space<vmem>>, %arg11: memref<2x72xi32, #tpu.memory_space<vmem>>, %arg12: memref<2x128x128xi32, #tpu.memory_space<vmem>>, %arg13: memref<2x128x128xi32, #tpu.memory_space<vmem>>, %arg14: memref<144x128xf32, #tpu.memory_space<vmem>>, %arg15: memref<144x128xf32, #tpu.memory_space<vmem>>, %arg16: memref<!tpu.dma_semaphore, #tpu.memory_space<semaphore_mem>>, %arg17: memref<!tpu.dma_semaphore, #tpu.memory_space<semaphore_mem>>, %arg18: memref<!tpu.dma_semaphore, #tpu.memory_space<semaphore_mem>>) attributes {dimension_semantics = [#tpu.dimension_semantics<core_parallel>, #tpu.dimension_semantics<subcore_parallel>], iteration_bounds = array<i64: 2, 16>, scalar_prefetch = 0 : i64, scratch_operands = 10 : i64, tpu.core_type = #tpu.core_type<sc_vector_subcore>, window_params = [{transform_indices = #map}, {transform_indices = #map}, {transform_indices = #map}, {transform_indices = #map}, {transform_indices = #map}, {transform_indices = #map}, {transform_indices = #map}]} {
    %mul3A = arith.constant 2 : i32
    %mul3A_0 = arith.muli %arg1, %mul3A : i32
    %add3A = arith.addi %mul3A_0, %arg0 : i32
    %mul3A_1 = arith.constant 72 : i32
    %mul3A_2 = arith.muli %add3A, %mul3A_1 : i32
    %dma_start3A = arith.constant 0 : i32
    %dma_start3A_3 = tpu.memref_slice %arg4[%mul3A_2, %dma_start3A] : memref<2304x128xi32, #tpu.memory_space<hbm>> -> memref<72x128xi32, #tpu.memory_space<hbm>>
    %dma_start3A_4 = arith.constant 0 : i32
    %dma_start3A_5 = tpu.memref_slice %arg4[%mul3A_2, %dma_start3A_4] : memref<2304x128xi32, #tpu.memory_space<hbm>> -> memref<72x128xi32, #tpu.memory_space<hbm>>
    tpu.enqueue_dma source(%dma_start3A_5 : memref<72x128xi32, #tpu.memory_space<hbm>>) target(%arg9 : memref<72x128xi32, #tpu.memory_space<vmem>>) target_semaphore(%arg16 : memref<!tpu.dma_semaphore, #tpu.memory_space<semaphore_mem>>)
    %mul3A_6 = arith.constant 72 : i32
    %mul3A_7 = arith.muli %add3A, %mul3A_6 : i32
    %dma_start3A_8 = arith.constant 0 : i32
    %dma_start3A_9 = tpu.memref_slice %arg5[%mul3A_7, %dma_start3A_8] : memref<2304x128xi32, #tpu.memory_space<hbm>> -> memref<72x128xi32, #tpu.memory_space<hbm>>
    %dma_start3A_10 = arith.constant 0 : i32
    %dma_start3A_11 = tpu.memref_slice %arg5[%mul3A_7, %dma_start3A_10] : memref<2304x128xi32, #tpu.memory_space<hbm>> -> memref<72x128xi32, #tpu.memory_space<hbm>>
    tpu.enqueue_dma source(%dma_start3A_11 : memref<72x128xi32, #tpu.memory_space<hbm>>) target(%arg10 : memref<72x128xi32, #tpu.memory_space<vmem>>) target_semaphore(%arg17 : memref<!tpu.dma_semaphore, #tpu.memory_space<semaphore_mem>>)
    %mul3A_12 = arith.constant 2 : i32
    %mul3A_13 = arith.muli %add3A, %mul3A_12 : i32
    %dma_start3A_14 = arith.constant 0 : i32
    %dma_start3A_15 = tpu.memref_slice %arg6[%mul3A_13, %dma_start3A_14] : memref<64x72xi32, #tpu.memory_space<hbm>> -> memref<2x72xi32, #tpu.memory_space<hbm>>
    %dma_start3A_16 = arith.constant 0 : i32
    %dma_start3A_17 = tpu.memref_slice %arg6[%mul3A_13, %dma_start3A_16] : memref<64x72xi32, #tpu.memory_space<hbm>> -> memref<2x72xi32, #tpu.memory_space<hbm>>
    tpu.enqueue_dma source(%dma_start3A_17 : memref<2x72xi32, #tpu.memory_space<hbm>>) target(%arg11 : memref<2x72xi32, #tpu.memory_space<vmem>>) target_semaphore(%arg18 : memref<!tpu.dma_semaphore, #tpu.memory_space<semaphore_mem>>)
    %dma_wait3A = arith.constant 0 : i32
    %dma_wait3A_18 = tpu.memref_slice %arg4[%mul3A_2, %dma_wait3A] : memref<2304x128xi32, #tpu.memory_space<hbm>> -> memref<72x128xi32, #tpu.memory_space<hbm>>
    %dma_wait3A_19 = arith.constant 0 : i32
    %dma_wait3A_20 = tpu.memref_slice %arg4[%mul3A_2, %dma_wait3A_19] : memref<2304x128xi32, #tpu.memory_space<hbm>> -> memref<72x128xi32, #tpu.memory_space<hbm>>
    tpu.wait_dma2 semaphore(%arg16 : memref<!tpu.dma_semaphore, #tpu.memory_space<semaphore_mem>>) src(%dma_wait3A_20 : memref<72x128xi32, #tpu.memory_space<hbm>>) dst(%arg9 : memref<72x128xi32, #tpu.memory_space<vmem>>)
    %dma_wait3A_21 = arith.constant 0 : i32
    %dma_wait3A_22 = tpu.memref_slice %arg5[%mul3A_7, %dma_wait3A_21] : memref<2304x128xi32, #tpu.memory_space<hbm>> -> memref<72x128xi32, #tpu.memory_space<hbm>>
    %dma_wait3A_23 = arith.constant 0 : i32
    %dma_wait3A_24 = tpu.memref_slice %arg5[%mul3A_7, %dma_wait3A_23] : memref<2304x128xi32, #tpu.memory_space<hbm>> -> memref<72x128xi32, #tpu.memory_space<hbm>>
    tpu.wait_dma2 semaphore(%arg17 : memref<!tpu.dma_semaphore, #tpu.memory_space<semaphore_mem>>) src(%dma_wait3A_24 : memref<72x128xi32, #tpu.memory_space<hbm>>) dst(%arg10 : memref<72x128xi32, #tpu.memory_space<vmem>>)
    %dma_start3A_25 = arith.constant 0 : i32
    %dma_start3A_26 = arith.constant 0 : i32
    %dma_start3A_27 = arith.constant 0 : i32
    %dma_start3A_28 = arith.constant 0 : i32
    %dma_start3A_29 = tpu.memref_slice %arg12[%dma_start3A_26, %dma_start3A_27, %dma_start3A_28] : memref<2x128x128xi32, #tpu.memory_space<vmem>> -> memref<1x128x128xi32, #tpu.memory_space<vmem>>
    %dma_start3A_30 = tpu.memref_squeeze %dma_start3A_29 : memref<1x128x128xi32, #tpu.memory_space<vmem>> -> memref<128x128xi32, #tpu.memory_space<vmem>>
    %dma_start3A_31 = arith.constant 0 : i32
    %dma_start3A_32 = tpu.memref_slice %arg9[%dma_start3A_25, %dma_start3A_31] : memref<72x128xi32, #tpu.memory_space<vmem>> -> memref<1x128xi32, #tpu.memory_space<vmem>>
    %dma_start3A_33 = tpu.memref_squeeze %dma_start3A_32 : memref<1x128xi32, #tpu.memory_space<vmem>> -> memref<128xi32, #tpu.memory_space<vmem>>
    %dma_start3A_34 = arith.constant 0 : i32
    %dma_start3A_35 = arith.constant 0 : i32
    %dma_start3A_36 = tpu.memref_slice %arg2[%dma_start3A_34, %dma_start3A_35] : memref<100001x128xi32, #tpu.memory_space<hbm>> -> memref<100001x128xi32, #tpu.memory_space<hbm>>
    tpu.enqueue_indirect_dma source(%dma_start3A_36 : memref<100001x128xi32, #tpu.memory_space<hbm>>) target(%dma_start3A_30 : memref<128x128xi32, #tpu.memory_space<vmem>>) offsets(%dma_start3A_33 : memref<128xi32, #tpu.memory_space<vmem>>) semaphore(%arg16 : memref<!tpu.dma_semaphore, #tpu.memory_space<semaphore_mem>>)
    %dma_start3A_37 = arith.constant 0 : i32
    %dma_start3A_38 = arith.constant 0 : i32
    %dma_start3A_39 = arith.constant 0 : i32
    %dma_start3A_40 = arith.constant 0 : i32
    %dma_start3A_41 = tpu.memref_slice %arg13[%dma_start3A_38, %dma_start3A_39, %dma_start3A_40] : memref<2x128x128xi32, #tpu.memory_space<vmem>> -> memref<1x128x128xi32, #tpu.memory_space<vmem>>
    %dma_start3A_42 = tpu.memref_squeeze %dma_start3A_41 : memref<1x128x128xi32, #tpu.memory_space<vmem>> -> memref<128x128xi32, #tpu.memory_space<vmem>>
    %dma_start3A_43 = arith.constant 0 : i32
    %dma_start3A_44 = tpu.memref_slice %arg10[%dma_start3A_37, %dma_start3A_43] : memref<72x128xi32, #tpu.memory_space<vmem>> -> memref<1x128xi32, #tpu.memory_space<vmem>>
    %dma_start3A_45 = tpu.memref_squeeze %dma_start3A_44 : memref<1x128xi32, #tpu.memory_space<vmem>> -> memref<128xi32, #tpu.memory_space<vmem>>
    %dma_start3A_46 = arith.constant 0 : i32
    %dma_start3A_47 = arith.constant 0 : i32
    %dma_start3A_48 = tpu.memref_slice %arg2[%dma_start3A_46, %dma_start3A_47] : memref<100001x128xi32, #tpu.memory_space<hbm>> -> memref<100001x128xi32, #tpu.memory_space<hbm>>
    tpu.enqueue_indirect_dma source(%dma_start3A_48 : memref<100001x128xi32, #tpu.memory_space<hbm>>) target(%dma_start3A_42 : memref<128x128xi32, #tpu.memory_space<vmem>>) offsets(%dma_start3A_45 : memref<128xi32, #tpu.memory_space<vmem>>) semaphore(%arg16 : memref<!tpu.dma_semaphore, #tpu.memory_space<semaphore_mem>>)
    %dma_start3A_49 = arith.constant 1 : i32
    %dma_start3A_50 = arith.constant 1 : i32
    %dma_start3A_51 = arith.constant 0 : i32
    %dma_start3A_52 = arith.constant 0 : i32
    %dma_start3A_53 = tpu.memref_slice %arg12[%dma_start3A_50, %dma_start3A_51, %dma_start3A_52] : memref<2x128x128xi32, #tpu.memory_space<vmem>> -> memref<1x128x128xi32, #tpu.memory_space<vmem>>
    %dma_start3A_54 = tpu.memref_squeeze %dma_start3A_53 : memref<1x128x128xi32, #tpu.memory_space<vmem>> -> memref<128x128xi32, #tpu.memory_space<vmem>>
    %dma_start3A_55 = arith.constant 0 : i32
    %dma_start3A_56 = tpu.memref_slice %arg9[%dma_start3A_49, %dma_start3A_55] : memref<72x128xi32, #tpu.memory_space<vmem>> -> memref<1x128xi32, #tpu.memory_space<vmem>>
    %dma_start3A_57 = tpu.memref_squeeze %dma_start3A_56 : memref<1x128xi32, #tpu.memory_space<vmem>> -> memref<128xi32, #tpu.memory_space<vmem>>
    %dma_start3A_58 = arith.constant 0 : i32
    %dma_start3A_59 = arith.constant 0 : i32
    %dma_start3A_60 = tpu.memref_slice %arg2[%dma_start3A_58, %dma_start3A_59] : memref<100001x128xi32, #tpu.memory_space<hbm>> -> memref<100001x128xi32, #tpu.memory_space<hbm>>
    tpu.enqueue_indirect_dma source(%dma_start3A_60 : memref<100001x128xi32, #tpu.memory_space<hbm>>) target(%dma_start3A_54 : memref<128x128xi32, #tpu.memory_space<vmem>>) offsets(%dma_start3A_57 : memref<128xi32, #tpu.memory_space<vmem>>) semaphore(%arg17 : memref<!tpu.dma_semaphore, #tpu.memory_space<semaphore_mem>>)
    %dma_start3A_61 = arith.constant 1 : i32
    %dma_start3A_62 = arith.constant 1 : i32
    %dma_start3A_63 = arith.constant 0 : i32
    %dma_start3A_64 = arith.constant 0 : i32
    %dma_start3A_65 = tpu.memref_slice %arg13[%dma_start3A_62, %dma_start3A_63, %dma_start3A_64] : memref<2x128x128xi32, #tpu.memory_space<vmem>> -> memref<1x128x128xi32, #tpu.memory_space<vmem>>
    %dma_start3A_66 = tpu.memref_squeeze %dma_start3A_65 : memref<1x128x128xi32, #tpu.memory_space<vmem>> -> memref<128x128xi32, #tpu.memory_space<vmem>>
    %dma_start3A_67 = arith.constant 0 : i32
    %dma_start3A_68 = tpu.memref_slice %arg10[%dma_start3A_61, %dma_start3A_67] : memref<72x128xi32, #tpu.memory_space<vmem>> -> memref<1x128xi32, #tpu.memory_space<vmem>>
    %dma_start3A_69 = tpu.memref_squeeze %dma_start3A_68 : memref<1x128xi32, #tpu.memory_space<vmem>> -> memref<128xi32, #tpu.memory_space<vmem>>
    %dma_start3A_70 = arith.constant 0 : i32
    %dma_start3A_71 = arith.constant 0 : i32
    %dma_start3A_72 = tpu.memref_slice %arg2[%dma_start3A_70, %dma_start3A_71] : memref<100001x128xi32, #tpu.memory_space<hbm>> -> memref<100001x128xi32, #tpu.memory_space<hbm>>
    tpu.enqueue_indirect_dma source(%dma_start3A_72 : memref<100001x128xi32, #tpu.memory_space<hbm>>) target(%dma_start3A_66 : memref<128x128xi32, #tpu.memory_space<vmem>>) offsets(%dma_start3A_69 : memref<128xi32, #tpu.memory_space<vmem>>) semaphore(%arg17 : memref<!tpu.dma_semaphore, #tpu.memory_space<semaphore_mem>>)
    %dma_wait3A_73 = arith.constant 0 : i32
    %dma_wait3A_74 = tpu.memref_slice %arg6[%mul3A_13, %dma_wait3A_73] : memref<64x72xi32, #tpu.memory_space<hbm>> -> memref<2x72xi32, #tpu.memory_space<hbm>>
    %dma_wait3A_75 = arith.constant 0 : i32
    %dma_wait3A_76 = tpu.memref_slice %arg6[%mul3A_13, %dma_wait3A_75] : memref<64x72xi32, #tpu.memory_space<hbm>> -> memref<2x72xi32, #tpu.memory_space<hbm>>
    tpu.wait_dma2 semaphore(%arg18 : memref<!tpu.dma_semaphore, #tpu.memory_space<semaphore_mem>>) src(%dma_wait3A_76 : memref<2x72xi32, #tpu.memory_space<hbm>>) dst(%arg11 : memref<2x72xi32, #tpu.memory_space<vmem>>)
    %dma_start3A_77 = arith.constant 0 : i32
    %dma_start3A_78 = arith.constant 0 : i32
    %dma_start3A_79 = arith.constant 0 : i32
    %dma_start3A_80 = tpu.memref_slice %arg15[%dma_start3A_78, %dma_start3A_79] : memref<144x128xf32, #tpu.memory_space<vmem>> -> memref<72x128xf32, #tpu.memory_space<vmem>>
    %dma_start3A_81 = arith.constant 0 : i32
    %dma_start3A_82 = tpu.memref_slice %arg11[%dma_start3A_77, %dma_start3A_81] : memref<2x72xi32, #tpu.memory_space<vmem>> -> memref<1x72xi32, #tpu.memory_space<vmem>>
    %dma_start3A_83 = tpu.memref_squeeze %dma_start3A_82 : memref<1x72xi32, #tpu.memory_space<vmem>> -> memref<72xi32, #tpu.memory_space<vmem>>
    %dma_start3A_84 = arith.constant 0 : i32
    %dma_start3A_85 = arith.constant 0 : i32
    %dma_start3A_86 = tpu.memref_slice %arg3[%dma_start3A_84, %dma_start3A_85] : memref<100001x128xf32, #tpu.memory_space<hbm>> -> memref<100001x128xf32, #tpu.memory_space<hbm>>
    tpu.enqueue_indirect_dma source(%dma_start3A_86 : memref<100001x128xf32, #tpu.memory_space<hbm>>) target(%dma_start3A_80 : memref<72x128xf32, #tpu.memory_space<vmem>>) offsets(%dma_start3A_83 : memref<72xi32, #tpu.memory_space<vmem>>) semaphore(%arg18 : memref<!tpu.dma_semaphore, #tpu.memory_space<semaphore_mem>>)
    %dma_wait3A_87 = arith.constant 0 : i32
    %dma_wait3A_88 = arith.constant 0 : i32
    %dma_wait3A_89 = arith.constant 0 : i32
    %dma_wait3A_90 = tpu.memref_slice %arg15[%dma_wait3A_88, %dma_wait3A_89] : memref<144x128xf32, #tpu.memory_space<vmem>> -> memref<72x128xf32, #tpu.memory_space<vmem>>
    %dma_wait3A_91 = arith.constant 0 : i32
    %dma_wait3A_92 = tpu.memref_slice %arg11[%dma_wait3A_87, %dma_wait3A_91] : memref<2x72xi32, #tpu.memory_space<vmem>> -> memref<1x72xi32, #tpu.memory_space<vmem>>
    %dma_wait3A_93 = tpu.memref_squeeze %dma_wait3A_92 : memref<1x72xi32, #tpu.memory_space<vmem>> -> memref<72xi32, #tpu.memory_space<vmem>>
    %dma_wait3A_94 = arith.constant 0 : i32
    %dma_wait3A_95 = arith.constant 0 : i32
    %dma_wait3A_96 = tpu.memref_slice %arg3[%dma_wait3A_94, %dma_wait3A_95] : memref<100001x128xf32, #tpu.memory_space<hbm>> -> memref<100001x128xf32, #tpu.memory_space<hbm>>
    tpu.wait_indirect_dma semaphore(%arg18 : memref<!tpu.dma_semaphore, #tpu.memory_space<semaphore_mem>>) src(%dma_wait3A_96 : memref<100001x128xf32, #tpu.memory_space<hbm>>) dst(%dma_wait3A_90 : memref<72x128xf32, #tpu.memory_space<vmem>>)
    %dma_start3A_97 = arith.constant 1 : i32
    %dma_start3A_98 = arith.constant 72 : i32
    %dma_start3A_99 = arith.constant 0 : i32
    %dma_start3A_100 = tpu.memref_slice %arg15[%dma_start3A_98, %dma_start3A_99] : memref<144x128xf32, #tpu.memory_space<vmem>> -> memref<72x128xf32, #tpu.memory_space<vmem>>
    %dma_start3A_101 = arith.constant 0 : i32
    %dma_start3A_102 = tpu.memref_slice %arg11[%dma_start3A_97, %dma_start3A_101] : memref<2x72xi32, #tpu.memory_space<vmem>> -> memref<1x72xi32, #tpu.memory_space<vmem>>
    %dma_start3A_103 = tpu.memref_squeeze %dma_start3A_102 : memref<1x72xi32, #tpu.memory_space<vmem>> -> memref<72xi32, #tpu.memory_space<vmem>>
    %dma_start3A_104 = arith.constant 0 : i32
    %dma_start3A_105 = arith.constant 0 : i32
    %dma_start3A_106 = tpu.memref_slice %arg3[%dma_start3A_104, %dma_start3A_105] : memref<100001x128xf32, #tpu.memory_space<hbm>> -> memref<100001x128xf32, #tpu.memory_space<hbm>>
    tpu.enqueue_indirect_dma source(%dma_start3A_106 : memref<100001x128xf32, #tpu.memory_space<hbm>>) target(%dma_start3A_100 : memref<72x128xf32, #tpu.memory_space<vmem>>) offsets(%dma_start3A_103 : memref<72xi32, #tpu.memory_space<vmem>>) semaphore(%arg18 : memref<!tpu.dma_semaphore, #tpu.memory_space<semaphore_mem>>)
    %dma_wait3A_107 = arith.constant 1 : i32
    %dma_wait3A_108 = arith.constant 72 : i32
    %dma_wait3A_109 = arith.constant 0 : i32
    %dma_wait3A_110 = tpu.memref_slice %arg15[%dma_wait3A_108, %dma_wait3A_109] : memref<144x128xf32, #tpu.memory_space<vmem>> -> memref<72x128xf32, #tpu.memory_space<vmem>>
    %dma_wait3A_111 = arith.constant 0 : i32
    %dma_wait3A_112 = tpu.memref_slice %arg11[%dma_wait3A_107, %dma_wait3A_111] : memref<2x72xi32, #tpu.memory_space<vmem>> -> memref<1x72xi32, #tpu.memory_space<vmem>>
    %dma_wait3A_113 = tpu.memref_squeeze %dma_wait3A_112 : memref<1x72xi32, #tpu.memory_space<vmem>> -> memref<72xi32, #tpu.memory_space<vmem>>
    %dma_wait3A_114 = arith.constant 0 : i32
    %dma_wait3A_115 = arith.constant 0 : i32
    %dma_wait3A_116 = tpu.memref_slice %arg3[%dma_wait3A_114, %dma_wait3A_115] : memref<100001x128xf32, #tpu.memory_space<hbm>> -> memref<100001x128xf32, #tpu.memory_space<hbm>>
    tpu.wait_indirect_dma semaphore(%arg18 : memref<!tpu.dma_semaphore, #tpu.memory_space<semaphore_mem>>) src(%dma_wait3A_116 : memref<100001x128xf32, #tpu.memory_space<hbm>>) dst(%dma_wait3A_110 : memref<72x128xf32, #tpu.memory_space<vmem>>)
    %mul3A_117 = arith.constant 144 : i32
    %mul3A_118 = arith.muli %add3A, %mul3A_117 : i32
    "tpu.region"() ({
      %run_scoped3A = tpu.sem_alloc : memref<!tpu.dma_semaphore, #tpu.memory_space<semaphore_mem>>
      %dma_start3A_126 = arith.constant 0 : i32
      %dma_start3A_127 = tpu.memref_slice %arg8[%mul3A_118, %dma_start3A_126] : memref<4608x128xf32, #tpu.memory_space<hbm>> -> memref<144x128xf32, #tpu.memory_space<hbm>>
      %dma_start3A_128 = arith.constant 0 : i32
      %dma_start3A_129 = tpu.memref_slice %arg8[%mul3A_118, %dma_start3A_128] : memref<4608x128xf32, #tpu.memory_space<hbm>> -> memref<144x128xf32, #tpu.memory_space<hbm>>
      tpu.enqueue_dma source(%arg15 : memref<144x128xf32, #tpu.memory_space<vmem>>) target(%dma_start3A_129 : memref<144x128xf32, #tpu.memory_space<hbm>>) target_semaphore(%run_scoped3A : memref<!tpu.dma_semaphore, #tpu.memory_space<semaphore_mem>>)
      %dma_wait3A_130 = arith.constant 0 : i32
      %dma_wait3A_131 = tpu.memref_slice %arg8[%mul3A_118, %dma_wait3A_130] : memref<4608x128xf32, #tpu.memory_space<hbm>> -> memref<144x128xf32, #tpu.memory_space<hbm>>
      %dma_wait3A_132 = arith.constant 0 : i32
      %dma_wait3A_133 = tpu.memref_slice %arg8[%mul3A_118, %dma_wait3A_132] : memref<4608x128xf32, #tpu.memory_space<hbm>> -> memref<144x128xf32, #tpu.memory_space<hbm>>
      tpu.wait_dma2 semaphore(%run_scoped3A : memref<!tpu.dma_semaphore, #tpu.memory_space<semaphore_mem>>) src(%arg15 : memref<144x128xf32, #tpu.memory_space<vmem>>) dst(%dma_wait3A_133 : memref<144x128xf32, #tpu.memory_space<hbm>>)
      tpu.yield
    }) : () -> ()
    %scan3A = arith.constant 0 : i32
    %scan3A_119 = arith.constant 0 : i32
    %scan3A_120 = arith.constant 36 : i32
    %scan3A_121 = arith.addi %scan3A_119, %scan3A_120 : i32
    %scan3A_122 = arith.constant 1 : i32
    scf.for %scan3A_126 = %scan3A_119 to %scan3A_121 step %scan3A_122  : i32 {
      %mul3A_127 = arith.constant 2 : i32
      %mul3A_128 = arith.muli %mul3A_127, %scan3A_126 : i32
      %add3A_129 = arith.constant 0 : i32
      %add3A_130 = arith.addi %mul3A_128, %add3A_129 : i32
      %dma_wait3A_131 = arith.constant 0 : i32
      %dma_wait3A_132 = arith.constant 0 : i32
      %dma_wait3A_133 = arith.constant 0 : i32
      %dma_wait3A_134 = tpu.memref_slice %arg12[%dma_wait3A_131, %dma_wait3A_132, %dma_wait3A_133] : memref<2x128x128xi32, #tpu.memory_space<vmem>> -> memref<1x128x128xi32, #tpu.memory_space<vmem>>
      %dma_wait3A_135 = tpu.memref_squeeze %dma_wait3A_134 : memref<1x128x128xi32, #tpu.memory_space<vmem>> -> memref<128x128xi32, #tpu.memory_space<vmem>>
      %dma_wait3A_136 = arith.constant 0 : i32
      %dma_wait3A_137 = tpu.memref_slice %arg9[%add3A_130, %dma_wait3A_136] : memref<72x128xi32, #tpu.memory_space<vmem>> -> memref<1x128xi32, #tpu.memory_space<vmem>>
      %dma_wait3A_138 = tpu.memref_squeeze %dma_wait3A_137 : memref<1x128xi32, #tpu.memory_space<vmem>> -> memref<128xi32, #tpu.memory_space<vmem>>
      %dma_wait3A_139 = arith.constant 0 : i32
      %dma_wait3A_140 = arith.constant 0 : i32
      %dma_wait3A_141 = tpu.memref_slice %arg2[%dma_wait3A_139, %dma_wait3A_140] : memref<100001x128xi32, #tpu.memory_space<hbm>> -> memref<100001x128xi32, #tpu.memory_space<hbm>>
      tpu.wait_indirect_dma semaphore(%arg16 : memref<!tpu.dma_semaphore, #tpu.memory_space<semaphore_mem>>) src(%dma_wait3A_141 : memref<100001x128xi32, #tpu.memory_space<hbm>>) dst(%dma_wait3A_135 : memref<128x128xi32, #tpu.memory_space<vmem>>)
      %dma_wait3A_142 = arith.constant 0 : i32
      %dma_wait3A_143 = arith.constant 0 : i32
      %dma_wait3A_144 = arith.constant 0 : i32
      %dma_wait3A_145 = tpu.memref_slice %arg13[%dma_wait3A_142, %dma_wait3A_143, %dma_wait3A_144] : memref<2x128x128xi32, #tpu.memory_space<vmem>> -> memref<1x128x128xi32, #tpu.memory_space<vmem>>
      %dma_wait3A_146 = tpu.memref_squeeze %dma_wait3A_145 : memref<1x128x128xi32, #tpu.memory_space<vmem>> -> memref<128x128xi32, #tpu.memory_space<vmem>>
      %dma_wait3A_147 = arith.constant 0 : i32
      %dma_wait3A_148 = tpu.memref_slice %arg10[%add3A_130, %dma_wait3A_147] : memref<72x128xi32, #tpu.memory_space<vmem>> -> memref<1x128xi32, #tpu.memory_space<vmem>>
      %dma_wait3A_149 = tpu.memref_squeeze %dma_wait3A_148 : memref<1x128xi32, #tpu.memory_space<vmem>> -> memref<128xi32, #tpu.memory_space<vmem>>
      %dma_wait3A_150 = arith.constant 0 : i32
      %dma_wait3A_151 = arith.constant 0 : i32
      %dma_wait3A_152 = tpu.memref_slice %arg2[%dma_wait3A_150, %dma_wait3A_151] : memref<100001x128xi32, #tpu.memory_space<hbm>> -> memref<100001x128xi32, #tpu.memory_space<hbm>>
      tpu.wait_indirect_dma semaphore(%arg16 : memref<!tpu.dma_semaphore, #tpu.memory_space<semaphore_mem>>) src(%dma_wait3A_152 : memref<100001x128xi32, #tpu.memory_space<hbm>>) dst(%dma_wait3A_146 : memref<128x128xi32, #tpu.memory_space<vmem>>)
      %broadcast_in_dim3A = arith.constant 0.000000e+00 : f32
      %broadcast_in_dim3A_153 = vector.broadcast %broadcast_in_dim3A : f32 to vector<16xf32>
      %broadcast_in_dim3A_154 = arith.constant 0.000000e+00 : f32
      %broadcast_in_dim3A_155 = vector.broadcast %broadcast_in_dim3A_154 : f32 to vector<16xf32>
      %broadcast_in_dim3A_156 = arith.constant 0.000000e+00 : f32
      %broadcast_in_dim3A_157 = vector.broadcast %broadcast_in_dim3A_156 : f32 to vector<16xf32>
      %broadcast_in_dim3A_158 = arith.constant 0.000000e+00 : f32
      %broadcast_in_dim3A_159 = vector.broadcast %broadcast_in_dim3A_158 : f32 to vector<16xf32>
      %broadcast_in_dim3A_160 = arith.constant 0.000000e+00 : f32
      %broadcast_in_dim3A_161 = vector.broadcast %broadcast_in_dim3A_160 : f32 to vector<16xf32>
      %broadcast_in_dim3A_162 = arith.constant 0.000000e+00 : f32
      %broadcast_in_dim3A_163 = vector.broadcast %broadcast_in_dim3A_162 : f32 to vector<16xf32>
      %broadcast_in_dim3A_164 = arith.constant 0.000000e+00 : f32
      %broadcast_in_dim3A_165 = vector.broadcast %broadcast_in_dim3A_164 : f32 to vector<16xf32>
      %broadcast_in_dim3A_166 = arith.constant 0.000000e+00 : f32
      %broadcast_in_dim3A_167 = vector.broadcast %broadcast_in_dim3A_166 : f32 to vector<16xf32>
      %scan3A_168 = arith.constant -65536 : i32
      %scan3A_169 = arith.constant 0 : i32
      %scan3A_170 = arith.constant 64 : i32
      %scan3A_171 = arith.addi %scan3A_169, %scan3A_170 : i32
      %scan3A_172 = arith.constant 1 : i32
      %scan3A_173:8 = scf.for %scan3A_664 = %scan3A_169 to %scan3A_171 step %scan3A_172 iter_args(%scan3A_665 = %broadcast_in_dim3A_153, %scan3A_666 = %broadcast_in_dim3A_155, %scan3A_667 = %broadcast_in_dim3A_157, %scan3A_668 = %broadcast_in_dim3A_159, %scan3A_669 = %broadcast_in_dim3A_161, %scan3A_670 = %broadcast_in_dim3A_163, %scan3A_671 = %broadcast_in_dim3A_165, %scan3A_672 = %broadcast_in_dim3A_167) -> (vector<16xf32>, vector<16xf32>, vector<16xf32>, vector<16xf32>, vector<16xf32>, vector<16xf32>, vector<16xf32>, vector<16xf32>)  : i32 {
        %add3A_673 = arith.constant 0 : i32
        %add3A_674 = arith.addi %add3A_673, %scan3A_664 : i32
        %get3A = arith.constant 0 : i32
        %get3A_675 = arith.index_cast %get3A : i32 to index
        %get3A_676 = arith.index_cast %add3A_674 : i32 to index
        %get3A_677 = arith.constant 0 : index
        %get3A_678 = tpu.vector_load %arg12[%get3A_675, %get3A_676, %get3A_677] {strides = array<i32>} : memref<2x128x128xi32, #tpu.memory_space<vmem>>, vector<1x1x16xi32>,
        %get3A_679 = vector.shape_cast %get3A_678 : vector<1x1x16xi32> to vector<16xi32>
        %get3A_680 = arith.constant 0 : i32
        %get3A_681 = arith.index_cast %get3A_680 : i32 to index
        %get3A_682 = arith.index_cast %add3A_674 : i32 to index
        %get3A_683 = arith.constant 0 : index
        %get3A_684 = tpu.vector_load %arg13[%get3A_681, %get3A_682, %get3A_683] {strides = array<i32>} : memref<2x128x128xi32, #tpu.memory_space<vmem>>, vector<1x1x16xi32>,
        %get3A_685 = vector.shape_cast %get3A_684 : vector<1x1x16xi32> to vector<16xi32>
        %shift_left3A = arith.constant 16 : i32
        %shift_left3A_686 = vector.broadcast %shift_left3A : i32 to vector<16xi32>
        %shift_left3A_687 = arith.shli %get3A_679, %shift_left3A_686 : vector<16xi32>
        %bitcast_convert_type3A = tpu.bitcast %shift_left3A_687 : vector<16xi32> -> vector<16xf32>
        %and3A = vector.broadcast %scan3A_168 : i32 to vector<16xi32>
        %and3A_688 = arith.andi %get3A_685, %and3A : vector<16xi32>
        %bitcast_convert_type3A_689 = tpu.bitcast %and3A_688 : vector<16xi32> -> vector<16xf32>
        %add3A_690 = arith.addf %bitcast_convert_type3A, %bitcast_convert_type3A_689 : vector<16xf32>
        %mul3A_691 = arith.constant 0.00999999977 : f32
        %mul3A_692 = vector.broadcast %mul3A_691 : f32 to vector<16xf32>
        %mul3A_693 = arith.mulf %add3A_690, %mul3A_692 : vector<16xf32>
        %max3A = arith.maximumf %add3A_690, %mul3A_693 : vector<16xf32>
        %add3A_694 = arith.addf %scan3A_665, %max3A : vector<16xf32>
        %get3A_695 = arith.constant 0 : i32
        %get3A_696 = arith.index_cast %get3A_695 : i32 to index
        %get3A_697 = arith.index_cast %add3A_674 : i32 to index
        %get3A_698 = arith.constant 16 : index
        %get3A_699 = tpu.vector_load %arg12[%get3A_696, %get3A_697, %get3A_698] {strides = array<i32>} : memref<2x128x128xi32, #tpu.memory_space<vmem>>, vector<1x1x16xi32>,
        %get3A_700 = vector.shape_cast %get3A_699 : vector<1x1x16xi32> to vector<16xi32>
        %get3A_701 = arith.constant 0 : i32
        %get3A_702 = arith.index_cast %get3A_701 : i32 to index
        %get3A_703 = arith.index_cast %add3A_674 : i32 to index
        %get3A_704 = arith.constant 16 : index
        %get3A_705 = tpu.vector_load %arg13[%get3A_702, %get3A_703, %get3A_704] {strides = array<i32>} : memref<2x128x128xi32, #tpu.memory_space<vmem>>, vector<1x1x16xi32>,
        %get3A_706 = vector.shape_cast %get3A_705 : vector<1x1x16xi32> to vector<16xi32>
        %shift_left3A_707 = arith.constant 16 : i32
        %shift_left3A_708 = vector.broadcast %shift_left3A_707 : i32 to vector<16xi32>
        %shift_left3A_709 = arith.shli %get3A_700, %shift_left3A_708 : vector<16xi32>
        %bitcast_convert_type3A_710 = tpu.bitcast %shift_left3A_709 : vector<16xi32> -> vector<16xf32>
        %and3A_711 = vector.broadcast %scan3A_168 : i32 to vector<16xi32>
        %and3A_712 = arith.andi %get3A_706, %and3A_711 : vector<16xi32>
        %bitcast_convert_type3A_713 = tpu.bitcast %and3A_712 : vector<16xi32> -> vector<16xf32>
        %add3A_714 = arith.addf %bitcast_convert_type3A_710, %bitcast_convert_type3A_713 : vector<16xf32>
        %mul3A_715 = arith.constant 0.00999999977 : f32
        %mul3A_716 = vector.broadcast %mul3A_715 : f32 to vector<16xf32>
        %mul3A_717 = arith.mulf %add3A_714, %mul3A_716 : vector<16xf32>
        %max3A_718 = arith.maximumf %add3A_714, %mul3A_717 : vector<16xf32>
        %add3A_719 = arith.addf %scan3A_666, %max3A_718 : vector<16xf32>
        %get3A_720 = arith.constant 0 : i32
        %get3A_721 = arith.index_cast %get3A_720 : i32 to index
        %get3A_722 = arith.index_cast %add3A_674 : i32 to index
        %get3A_723 = arith.constant 32 : index
        %get3A_724 = tpu.vector_load %arg12[%get3A_721, %get3A_722, %get3A_723] {strides = array<i32>} : memref<2x128x128xi32, #tpu.memory_space<vmem>>, vector<1x1x16xi32>,
        %get3A_725 = vector.shape_cast %get3A_724 : vector<1x1x16xi32> to vector<16xi32>
        %get3A_726 = arith.constant 0 : i32
        %get3A_727 = arith.index_cast %get3A_726 : i32 to index
        %get3A_728 = arith.index_cast %add3A_674 : i32 to index
        %get3A_729 = arith.constant 32 : index
        %get3A_730 = tpu.vector_load %arg13[%get3A_727, %get3A_728, %get3A_729] {strides = array<i32>} : memref<2x128x128xi32, #tpu.memory_space<vmem>>, vector<1x1x16xi32>,
        %get3A_731 = vector.shape_cast %get3A_730 : vector<1x1x16xi32> to vector<16xi32>
        %shift_left3A_732 = arith.constant 16 : i32
        %shift_left3A_733 = vector.broadcast %shift_left3A_732 : i32 to vector<16xi32>
        %shift_left3A_734 = arith.shli %get3A_725, %shift_left3A_733 : vector<16xi32>
        %bitcast_convert_type3A_735 = tpu.bitcast %shift_left3A_734 : vector<16xi32> -> vector<16xf32>
        %and3A_736 = vector.broadcast %scan3A_168 : i32 to vector<16xi32>
        %and3A_737 = arith.andi %get3A_731, %and3A_736 : vector<16xi32>
        %bitcast_convert_type3A_738 = tpu.bitcast %and3A_737 : vector<16xi32> -> vector<16xf32>
        %add3A_739 = arith.addf %bitcast_convert_type3A_735, %bitcast_convert_type3A_738 : vector<16xf32>
        %mul3A_740 = arith.constant 0.00999999977 : f32
        %mul3A_741 = vector.broadcast %mul3A_740 : f32 to vector<16xf32>
        %mul3A_742 = arith.mulf %add3A_739, %mul3A_741 : vector<16xf32>
        %max3A_743 = arith.maximumf %add3A_739, %mul3A_742 : vector<16xf32>
        %add3A_744 = arith.addf %scan3A_667, %max3A_743 : vector<16xf32>
        %get3A_745 = arith.constant 0 : i32
        %get3A_746 = arith.index_cast %get3A_745 : i32 to index
        %get3A_747 = arith.index_cast %add3A_674 : i32 to index
        %get3A_748 = arith.constant 48 : index
        %get3A_749 = tpu.vector_load %arg12[%get3A_746, %get3A_747, %get3A_748] {strides = array<i32>} : memref<2x128x128xi32, #tpu.memory_space<vmem>>, vector<1x1x16xi32>,
        %get3A_750 = vector.shape_cast %get3A_749 : vector<1x1x16xi32> to vector<16xi32>
        %get3A_751 = arith.constant 0 : i32
        %get3A_752 = arith.index_cast %get3A_751 : i32 to index
        %get3A_753 = arith.index_cast %add3A_674 : i32 to index
        %get3A_754 = arith.constant 48 : index
        %get3A_755 = tpu.vector_load %arg13[%get3A_752, %get3A_753, %get3A_754] {strides = array<i32>} : memref<2x128x128xi32, #tpu.memory_space<vmem>>, vector<1x1x16xi32>,
        %get3A_756 = vector.shape_cast %get3A_755 : vector<1x1x16xi32> to vector<16xi32>
        %shift_left3A_757 = arith.constant 16 : i32
        %shift_left3A_758 = vector.broadcast %shift_left3A_757 : i32 to vector<16xi32>
        %shift_left3A_759 = arith.shli %get3A_750, %shift_left3A_758 : vector<16xi32>
        %bitcast_convert_type3A_760 = tpu.bitcast %shift_left3A_759 : vector<16xi32> -> vector<16xf32>
        %and3A_761 = vector.broadcast %scan3A_168 : i32 to vector<16xi32>
        %and3A_762 = arith.andi %get3A_756, %and3A_761 : vector<16xi32>
        %bitcast_convert_type3A_763 = tpu.bitcast %and3A_762 : vector<16xi32> -> vector<16xf32>
        %add3A_764 = arith.addf %bitcast_convert_type3A_760, %bitcast_convert_type3A_763 : vector<16xf32>
        %mul3A_765 = arith.constant 0.00999999977 : f32
        %mul3A_766 = vector.broadcast %mul3A_765 : f32 to vector<16xf32>
        %mul3A_767 = arith.mulf %add3A_764, %mul3A_766 : vector<16xf32>
        %max3A_768 = arith.maximumf %add3A_764, %mul3A_767 : vector<16xf32>
        %add3A_769 = arith.addf %scan3A_668, %max3A_768 : vector<16xf32>
        %get3A_770 = arith.constant 0 : i32
        %get3A_771 = arith.index_cast %get3A_770 : i32 to index
        %get3A_772 = arith.index_cast %add3A_674 : i32 to index
        %get3A_773 = arith.constant 64 : index
        %get3A_774 = tpu.vector_load %arg12[%get3A_771, %get3A_772, %get3A_773] {strides = array<i32>} : memref<2x128x128xi32, #tpu.memory_space<vmem>>, vector<1x1x16xi32>,
        %get3A_775 = vector.shape_cast %get3A_774 : vector<1x1x16xi32> to vector<16xi32>
        %get3A_776 = arith.constant 0 : i32
        %get3A_777 = arith.index_cast %get3A_776 : i32 to index
        %get3A_778 = arith.index_cast %add3A_674 : i32 to index
        %get3A_779 = arith.constant 64 : index
        %get3A_780 = tpu.vector_load %arg13[%get3A_777, %get3A_778, %get3A_779] {strides = array<i32>} : memref<2x128x128xi32, #tpu.memory_space<vmem>>, vector<1x1x16xi32>,
        %get3A_781 = vector.shape_cast %get3A_780 : vector<1x1x16xi32> to vector<16xi32>
        %shift_left3A_782 = arith.constant 16 : i32
        %shift_left3A_783 = vector.broadcast %shift_left3A_782 : i32 to vector<16xi32>
        %shift_left3A_784 = arith.shli %get3A_775, %shift_left3A_783 : vector<16xi32>
        %bitcast_convert_type3A_785 = tpu.bitcast %shift_left3A_784 : vector<16xi32> -> vector<16xf32>
        %and3A_786 = vector.broadcast %scan3A_168 : i32 to vector<16xi32>
        %and3A_787 = arith.andi %get3A_781, %and3A_786 : vector<16xi32>
        %bitcast_convert_type3A_788 = tpu.bitcast %and3A_787 : vector<16xi32> -> vector<16xf32>
        %add3A_789 = arith.addf %bitcast_convert_type3A_785, %bitcast_convert_type3A_788 : vector<16xf32>
        %mul3A_790 = arith.constant 0.00999999977 : f32
        %mul3A_791 = vector.broadcast %mul3A_790 : f32 to vector<16xf32>
        %mul3A_792 = arith.mulf %add3A_789, %mul3A_791 : vector<16xf32>
        %max3A_793 = arith.maximumf %add3A_789, %mul3A_792 : vector<16xf32>
        %add3A_794 = arith.addf %scan3A_669, %max3A_793 : vector<16xf32>
        %get3A_795 = arith.constant 0 : i32
        %get3A_796 = arith.index_cast %get3A_795 : i32 to index
        %get3A_797 = arith.index_cast %add3A_674 : i32 to index
        %get3A_798 = arith.constant 80 : index
        %get3A_799 = tpu.vector_load %arg12[%get3A_796, %get3A_797, %get3A_798] {strides = array<i32>} : memref<2x128x128xi32, #tpu.memory_space<vmem>>, vector<1x1x16xi32>,
        %get3A_800 = vector.shape_cast %get3A_799 : vector<1x1x16xi32> to vector<16xi32>
        %get3A_801 = arith.constant 0 : i32
        %get3A_802 = arith.index_cast %get3A_801 : i32 to index
        %get3A_803 = arith.index_cast %add3A_674 : i32 to index
        %get3A_804 = arith.constant 80 : index
        %get3A_805 = tpu.vector_load %arg13[%get3A_802, %get3A_803, %get3A_804] {strides = array<i32>} : memref<2x128x128xi32, #tpu.memory_space<vmem>>, vector<1x1x16xi32>,
        %get3A_806 = vector.shape_cast %get3A_805 : vector<1x1x16xi32> to vector<16xi32>
        %shift_left3A_807 = arith.constant 16 : i32
        %shift_left3A_808 = vector.broadcast %shift_left3A_807 : i32 to vector<16xi32>
        %shift_left3A_809 = arith.shli %get3A_800, %shift_left3A_808 : vector<16xi32>
        %bitcast_convert_type3A_810 = tpu.bitcast %shift_left3A_809 : vector<16xi32> -> vector<16xf32>
        %and3A_811 = vector.broadcast %scan3A_168 : i32 to vector<16xi32>
        %and3A_812 = arith.andi %get3A_806, %and3A_811 : vector<16xi32>
        %bitcast_convert_type3A_813 = tpu.bitcast %and3A_812 : vector<16xi32> -> vector<16xf32>
        %add3A_814 = arith.addf %bitcast_convert_type3A_810, %bitcast_convert_type3A_813 : vector<16xf32>
        %mul3A_815 = arith.constant 0.00999999977 : f32
        %mul3A_816 = vector.broadcast %mul3A_815 : f32 to vector<16xf32>
        %mul3A_817 = arith.mulf %add3A_814, %mul3A_816 : vector<16xf32>
        %max3A_818 = arith.maximumf %add3A_814, %mul3A_817 : vector<16xf32>
        %add3A_819 = arith.addf %scan3A_670, %max3A_818 : vector<16xf32>
        %get3A_820 = arith.constant 0 : i32
        %get3A_821 = arith.index_cast %get3A_820 : i32 to index
        %get3A_822 = arith.index_cast %add3A_674 : i32 to index
        %get3A_823 = arith.constant 96 : index
        %get3A_824 = tpu.vector_load %arg12[%get3A_821, %get3A_822, %get3A_823] {strides = array<i32>} : memref<2x128x128xi32, #tpu.memory_space<vmem>>, vector<1x1x16xi32>,
        %get3A_825 = vector.shape_cast %get3A_824 : vector<1x1x16xi32> to vector<16xi32>
        %get3A_826 = arith.constant 0 : i32
        %get3A_827 = arith.index_cast %get3A_826 : i32 to index
        %get3A_828 = arith.index_cast %add3A_674 : i32 to index
        %get3A_829 = arith.constant 96 : index
        %get3A_830 = tpu.vector_load %arg13[%get3A_827, %get3A_828, %get3A_829] {strides = array<i32>} : memref<2x128x128xi32, #tpu.memory_space<vmem>>, vector<1x1x16xi32>,
        %get3A_831 = vector.shape_cast %get3A_830 : vector<1x1x16xi32> to vector<16xi32>
        %shift_left3A_832 = arith.constant 16 : i32
        %shift_left3A_833 = vector.broadcast %shift_left3A_832 : i32 to vector<16xi32>
        %shift_left3A_834 = arith.shli %get3A_825, %shift_left3A_833 : vector<16xi32>
        %bitcast_convert_type3A_835 = tpu.bitcast %shift_left3A_834 : vector<16xi32> -> vector<16xf32>
        %and3A_836 = vector.broadcast %scan3A_168 : i32 to vector<16xi32>
        %and3A_837 = arith.andi %get3A_831, %and3A_836 : vector<16xi32>
        %bitcast_convert_type3A_838 = tpu.bitcast %and3A_837 : vector<16xi32> -> vector<16xf32>
        %add3A_839 = arith.addf %bitcast_convert_type3A_835, %bitcast_convert_type3A_838 : vector<16xf32>
        %mul3A_840 = arith.constant 0.00999999977 : f32
        %mul3A_841 = vector.broadcast %mul3A_840 : f32 to vector<16xf32>
        %mul3A_842 = arith.mulf %add3A_839, %mul3A_841 : vector<16xf32>
        %max3A_843 = arith.maximumf %add3A_839, %mul3A_842 : vector<16xf32>
        %add3A_844 = arith.addf %scan3A_671, %max3A_843 : vector<16xf32>
        %get3A_845 = arith.constant 0 : i32
        %get3A_846 = arith.index_cast %get3A_845 : i32 to index
        %get3A_847 = arith.index_cast %add3A_674 : i32 to index
        %get3A_848 = arith.constant 112 : index
        %get3A_849 = tpu.vector_load %arg12[%get3A_846, %get3A_847, %get3A_848] {strides = array<i32>} : memref<2x128x128xi32, #tpu.memory_space<vmem>>, vector<1x1x16xi32>,
        %get3A_850 = vector.shape_cast %get3A_849 : vector<1x1x16xi32> to vector<16xi32>
        %get3A_851 = arith.constant 0 : i32
        %get3A_852 = arith.index_cast %get3A_851 : i32 to index
        %get3A_853 = arith.index_cast %add3A_674 : i32 to index
        %get3A_854 = arith.constant 112 : index
        %get3A_855 = tpu.vector_load %arg13[%get3A_852, %get3A_853, %get3A_854] {strides = array<i32>} : memref<2x128x128xi32, #tpu.memory_space<vmem>>, vector<1x1x16xi32>,
        %get3A_856 = vector.shape_cast %get3A_855 : vector<1x1x16xi32> to vector<16xi32>
        %shift_left3A_857 = arith.constant 16 : i32
        %shift_left3A_858 = vector.broadcast %shift_left3A_857 : i32 to vector<16xi32>
        %shift_left3A_859 = arith.shli %get3A_850, %shift_left3A_858 : vector<16xi32>
        %bitcast_convert_type3A_860 = tpu.bitcast %shift_left3A_859 : vector<16xi32> -> vector<16xf32>
        %and3A_861 = vector.broadcast %scan3A_168 : i32 to vector<16xi32>
        %and3A_862 = arith.andi %get3A_856, %and3A_861 : vector<16xi32>
        %bitcast_convert_type3A_863 = tpu.bitcast %and3A_862 : vector<16xi32> -> vector<16xf32>
        %add3A_864 = arith.addf %bitcast_convert_type3A_860, %bitcast_convert_type3A_863 : vector<16xf32>
        %mul3A_865 = arith.constant 0.00999999977 : f32
        %mul3A_866 = vector.broadcast %mul3A_865 : f32 to vector<16xf32>
        %mul3A_867 = arith.mulf %add3A_864, %mul3A_866 : vector<16xf32>
        %max3A_868 = arith.maximumf %add3A_864, %mul3A_867 : vector<16xf32>
        %add3A_869 = arith.addf %scan3A_672, %max3A_868 : vector<16xf32>
        scf.yield %add3A_694, %add3A_719, %add3A_744, %add3A_769, %add3A_794, %add3A_819, %add3A_844, %add3A_869 : vector<16xf32>, vector<16xf32>, vector<16xf32>, vector<16xf32>, vector<16xf32>, vector<16xf32>, vector<16xf32>, vector<16xf32>
      }
      %scan3A_174 = arith.constant 64 : i32
      %mul3A_175 = arith.constant 1.562500e-02 : f32
      %mul3A_176 = vector.broadcast %mul3A_175 : f32 to vector<16xf32>
      %mul3A_177 = arith.mulf %scan3A_173#0, %mul3A_176 : vector<16xf32>
      %mul3A_178 = arith.constant 2 : i32
      %mul3A_179 = arith.muli %mul3A_178, %add3A_130 : i32
      %add3A_180 = arith.constant 0 : i32
      %add3A_181 = arith.addi %mul3A_179, %add3A_180 : i32
      %swap3A = arith.index_cast %add3A_181 : i32 to index
      %swap3A_182 = arith.constant 0 : index
      %swap3A_183 = tpu.vector_load %arg14[%swap3A, %swap3A_182] {strides = array<i32>} : memref<144x128xf32, #tpu.memory_space<vmem>>, vector<1x16xf32>,
      %swap3A_184 = vector.shape_cast %swap3A_183 : vector<1x16xf32> to vector<16xf32>
      %swap3A_185 = vector.shape_cast %mul3A_177 : vector<16xf32> to vector<1x16xf32>
      tpu.vector_store %arg14[%swap3A, %swap3A_182], %swap3A_185 {strides = array<i32>} : memref<144x128xf32, #tpu.memory_space<vmem>>, vector<1x16xf32>,
      %mul3A_186 = arith.constant 1.562500e-02 : f32
      %mul3A_187 = vector.broadcast %mul3A_186 : f32 to vector<16xf32>
      %mul3A_188 = arith.mulf %scan3A_173#1, %mul3A_187 : vector<16xf32>
      %mul3A_189 = arith.constant 2 : i32
      %mul3A_190 = arith.muli %mul3A_189, %add3A_130 : i32
      %add3A_191 = arith.constant 0 : i32
      %add3A_192 = arith.addi %mul3A_190, %add3A_191 : i32
      %swap3A_193 = arith.index_cast %add3A_192 : i32 to index
      %swap3A_194 = arith.constant 16 : index
      %swap3A_195 = tpu.vector_load %arg14[%swap3A_193, %swap3A_194] {strides = array<i32>} : memref<144x128xf32, #tpu.memory_space<vmem>>, vector<1x16xf32>,
      %swap3A_196 = vector.shape_cast %swap3A_195 : vector<1x16xf32> to vector<16xf32>
      %swap3A_197 = vector.shape_cast %mul3A_188 : vector<16xf32> to vector<1x16xf32>
      tpu.vector_store %arg14[%swap3A_193, %swap3A_194], %swap3A_197 {strides = array<i32>} : memref<144x128xf32, #tpu.memory_space<vmem>>, vector<1x16xf32>,
      %mul3A_198 = arith.constant 1.562500e-02 : f32
      %mul3A_199 = vector.broadcast %mul3A_198 : f32 to vector<16xf32>
      %mul3A_200 = arith.mulf %scan3A_173#2, %mul3A_199 : vector<16xf32>
      %mul3A_201 = arith.constant 2 : i32
      %mul3A_202 = arith.muli %mul3A_201, %add3A_130 : i32
      %add3A_203 = arith.constant 0 : i32
      %add3A_204 = arith.addi %mul3A_202, %add3A_203 : i32
      %swap3A_205 = arith.index_cast %add3A_204 : i32 to index
      %swap3A_206 = arith.constant 32 : index
      %swap3A_207 = tpu.vector_load %arg14[%swap3A_205, %swap3A_206] {strides = array<i32>} : memref<144x128xf32, #tpu.memory_space<vmem>>, vector<1x16xf32>,
      %swap3A_208 = vector.shape_cast %swap3A_207 : vector<1x16xf32> to vector<16xf32>
      %swap3A_209 = vector.shape_cast %mul3A_200 : vector<16xf32> to vector<1x16xf32>
      tpu.vector_store %arg14[%swap3A_205, %swap3A_206], %swap3A_209 {strides = array<i32>} : memref<144x128xf32, #tpu.memory_space<vmem>>, vector<1x16xf32>,
      %mul3A_210 = arith.constant 1.562500e-02 : f32
      %mul3A_211 = vector.broadcast %mul3A_210 : f32 to vector<16xf32>
      %mul3A_212 = arith.mulf %scan3A_173#3, %mul3A_211 : vector<16xf32>
      %mul3A_213 = arith.constant 2 : i32
      %mul3A_214 = arith.muli %mul3A_213, %add3A_130 : i32
      %add3A_215 = arith.constant 0 : i32
      %add3A_216 = arith.addi %mul3A_214, %add3A_215 : i32
      %swap3A_217 = arith.index_cast %add3A_216 : i32 to index
      %swap3A_218 = arith.constant 48 : index
      %swap3A_219 = tpu.vector_load %arg14[%swap3A_217, %swap3A_218] {strides = array<i32>} : memref<144x128xf32, #tpu.memory_space<vmem>>, vector<1x16xf32>,
      %swap3A_220 = vector.shape_cast %swap3A_219 : vector<1x16xf32> to vector<16xf32>
      %swap3A_221 = vector.shape_cast %mul3A_212 : vector<16xf32> to vector<1x16xf32>
      tpu.vector_store %arg14[%swap3A_217, %swap3A_218], %swap3A_221 {strides = array<i32>} : memref<144x128xf32, #tpu.memory_space<vmem>>, vector<1x16xf32>,
      %mul3A_222 = arith.constant 1.562500e-02 : f32
      %mul3A_223 = vector.broadcast %mul3A_222 : f32 to vector<16xf32>
      %mul3A_224 = arith.mulf %scan3A_173#4, %mul3A_223 : vector<16xf32>
      %mul3A_225 = arith.constant 2 : i32
      %mul3A_226 = arith.muli %mul3A_225, %add3A_130 : i32
      %add3A_227 = arith.constant 0 : i32
      %add3A_228 = arith.addi %mul3A_226, %add3A_227 : i32
      %swap3A_229 = arith.index_cast %add3A_228 : i32 to index
      %swap3A_230 = arith.constant 64 : index
      %swap3A_231 = tpu.vector_load %arg14[%swap3A_229, %swap3A_230] {strides = array<i32>} : memref<144x128xf32, #tpu.memory_space<vmem>>, vector<1x16xf32>,
      %swap3A_232 = vector.shape_cast %swap3A_231 : vector<1x16xf32> to vector<16xf32>
      %swap3A_233 = vector.shape_cast %mul3A_224 : vector<16xf32> to vector<1x16xf32>
      tpu.vector_store %arg14[%swap3A_229, %swap3A_230], %swap3A_233 {strides = array<i32>} : memref<144x128xf32, #tpu.memory_space<vmem>>, vector<1x16xf32>,
      %mul3A_234 = arith.constant 1.562500e-02 : f32
      %mul3A_235 = vector.broadcast %mul3A_234 : f32 to vector<16xf32>
      %mul3A_236 = arith.mulf %scan3A_173#5, %mul3A_235 : vector<16xf32>
      %mul3A_237 = arith.constant 2 : i32
      %mul3A_238 = arith.muli %mul3A_237, %add3A_130 : i32
      %add3A_239 = arith.constant 0 : i32
      %add3A_240 = arith.addi %mul3A_238, %add3A_239 : i32
      %swap3A_241 = arith.index_cast %add3A_240 : i32 to index
      %swap3A_242 = arith.constant 80 : index
      %swap3A_243 = tpu.vector_load %arg14[%swap3A_241, %swap3A_242] {strides = array<i32>} : memref<144x128xf32, #tpu.memory_space<vmem>>, vector<1x16xf32>,
      %swap3A_244 = vector.shape_cast %swap3A_243 : vector<1x16xf32> to vector<16xf32>
      %swap3A_245 = vector.shape_cast %mul3A_236 : vector<16xf32> to vector<1x16xf32>
      tpu.vector_store %arg14[%swap3A_241, %swap3A_242], %swap3A_245 {strides = array<i32>} : memref<144x128xf32, #tpu.memory_space<vmem>>, vector<1x16xf32>,
      %mul3A_246 = arith.constant 1.562500e-02 : f32
      %mul3A_247 = vector.broadcast %mul3A_246 : f32 to vector<16xf32>
      %mul3A_248 = arith.mulf %scan3A_173#6, %mul3A_247 : vector<16xf32>
      %mul3A_249 = arith.constant 2 : i32
      %mul3A_250 = arith.muli %mul3A_249, %add3A_130 : i32
      %add3A_251 = arith.constant 0 : i32
      %add3A_252 = arith.addi %mul3A_250, %add3A_251 : i32
      %swap3A_253 = arith.index_cast %add3A_252 : i32 to index
      %swap3A_254 = arith.constant 96 : index
      %swap3A_255 = tpu.vector_load %arg14[%swap3A_253, %swap3A_254] {strides = array<i32>} : memref<144x128xf32, #tpu.memory_space<vmem>>, vector<1x16xf32>,
      %swap3A_256 = vector.shape_cast %swap3A_255 : vector<1x16xf32> to vector<16xf32>
      %swap3A_257 = vector.shape_cast %mul3A_248 : vector<16xf32> to vector<1x16xf32>
      tpu.vector_store %arg14[%swap3A_253, %swap3A_254], %swap3A_257 {strides = array<i32>} : memref<144x128xf32, #tpu.memory_space<vmem>>, vector<1x16xf32>,
      %mul3A_258 = arith.constant 1.562500e-02 : f32
      %mul3A_259 = vector.broadcast %mul3A_258 : f32 to vector<16xf32>
      %mul3A_260 = arith.mulf %scan3A_173#7, %mul3A_259 : vector<16xf32>
      %mul3A_261 = arith.constant 2 : i32
      %mul3A_262 = arith.muli %mul3A_261, %add3A_130 : i32
      %add3A_263 = arith.constant 0 : i32
      %add3A_264 = arith.addi %mul3A_262, %add3A_263 : i32
      %swap3A_265 = arith.index_cast %add3A_264 : i32 to index
      %swap3A_266 = arith.constant 112 : index
      %swap3A_267 = tpu.vector_load %arg14[%swap3A_265, %swap3A_266] {strides = array<i32>} : memref<144x128xf32, #tpu.memory_space<vmem>>, vector<1x16xf32>,
      %swap3A_268 = vector.shape_cast %swap3A_267 : vector<1x16xf32> to vector<16xf32>
      %swap3A_269 = vector.shape_cast %mul3A_260 : vector<16xf32> to vector<1x16xf32>
      tpu.vector_store %arg14[%swap3A_265, %swap3A_266], %swap3A_269 {strides = array<i32>} : memref<144x128xf32, #tpu.memory_space<vmem>>, vector<1x16xf32>,
      %broadcast_in_dim3A_270 = arith.constant 0.000000e+00 : f32
      %broadcast_in_dim3A_271 = vector.broadcast %broadcast_in_dim3A_270 : f32 to vector<16xf32>
      %broadcast_in_dim3A_272 = arith.constant 0.000000e+00 : f32
      %broadcast_in_dim3A_273 = vector.broadcast %broadcast_in_dim3A_272 : f32 to vector<16xf32>
      %broadcast_in_dim3A_274 = arith.constant 0.000000e+00 : f32
      %broadcast_in_dim3A_275 = vector.broadcast %broadcast_in_dim3A_274 : f32 to vector<16xf32>
      %broadcast_in_dim3A_276 = arith.constant 0.000000e+00 : f32
      %broadcast_in_dim3A_277 = vector.broadcast %broadcast_in_dim3A_276 : f32 to vector<16xf32>
      %broadcast_in_dim3A_278 = arith.constant 0.000000e+00 : f32
      %broadcast_in_dim3A_279 = vector.broadcast %broadcast_in_dim3A_278 : f32 to vector<16xf32>
      %broadcast_in_dim3A_280 = arith.constant 0.000000e+00 : f32
      %broadcast_in_dim3A_281 = vector.broadcast %broadcast_in_dim3A_280 : f32 to vector<16xf32>
      %broadcast_in_dim3A_282 = arith.constant 0.000000e+00 : f32
      %broadcast_in_dim3A_283 = vector.broadcast %broadcast_in_dim3A_282 : f32 to vector<16xf32>
      %broadcast_in_dim3A_284 = arith.constant 0.000000e+00 : f32
      %broadcast_in_dim3A_285 = vector.broadcast %broadcast_in_dim3A_284 : f32 to vector<16xf32>
      %scan3A_286 = arith.constant -65536 : i32
      %scan3A_287 = arith.constant 0 : i32
      %scan3A_288 = arith.constant 64 : i32
      %scan3A_289 = arith.addi %scan3A_287, %scan3A_288 : i32
      %scan3A_290 = arith.constant 1 : i32
      %scan3A_291:8 = scf.for %scan3A_664 = %scan3A_287 to %scan3A_289 step %scan3A_290 iter_args(%scan3A_665 = %broadcast_in_dim3A_271, %scan3A_666 = %broadcast_in_dim3A_273, %scan3A_667 = %broadcast_in_dim3A_275, %scan3A_668 = %broadcast_in_dim3A_277, %scan3A_669 = %broadcast_in_dim3A_279, %scan3A_670 = %broadcast_in_dim3A_281, %scan3A_671 = %broadcast_in_dim3A_283, %scan3A_672 = %broadcast_in_dim3A_285) -> (vector<16xf32>, vector<16xf32>, vector<16xf32>, vector<16xf32>, vector<16xf32>, vector<16xf32>, vector<16xf32>, vector<16xf32>)  : i32 {
        %add3A_673 = arith.constant 64 : i32
        %add3A_674 = arith.addi %add3A_673, %scan3A_664 : i32
        %get3A = arith.constant 0 : i32
        %get3A_675 = arith.index_cast %get3A : i32 to index
        %get3A_676 = arith.index_cast %add3A_674 : i32 to index
        %get3A_677 = arith.constant 0 : index
        %get3A_678 = tpu.vector_load %arg12[%get3A_675, %get3A_676, %get3A_677] {strides = array<i32>} : memref<2x128x128xi32, #tpu.memory_space<vmem>>, vector<1x1x16xi32>,
        %get3A_679 = vector.shape_cast %get3A_678 : vector<1x1x16xi32> to vector<16xi32>
        %get3A_680 = arith.constant 0 : i32
        %get3A_681 = arith.index_cast %get3A_680 : i32 to index
        %get3A_682 = arith.index_cast %add3A_674 : i32 to index
        %get3A_683 = arith.constant 0 : index
        %get3A_684 = tpu.vector_load %arg13[%get3A_681, %get3A_682, %get3A_683] {strides = array<i32>} : memref<2x128x128xi32, #tpu.memory_space<vmem>>, vector<1x1x16xi32>,
        %get3A_685 = vector.shape_cast %get3A_684 : vector<1x1x16xi32> to vector<16xi32>
        %shift_left3A = arith.constant 16 : i32
        %shift_left3A_686 = vector.broadcast %shift_left3A : i32 to vector<16xi32>
        %shift_left3A_687 = arith.shli %get3A_679, %shift_left3A_686 : vector<16xi32>
        %bitcast_convert_type3A = tpu.bitcast %shift_left3A_687 : vector<16xi32> -> vector<16xf32>
        %and3A = vector.broadcast %scan3A_286 : i32 to vector<16xi32>
        %and3A_688 = arith.andi %get3A_685, %and3A : vector<16xi32>
        %bitcast_convert_type3A_689 = tpu.bitcast %and3A_688 : vector<16xi32> -> vector<16xf32>
        %add3A_690 = arith.addf %bitcast_convert_type3A, %bitcast_convert_type3A_689 : vector<16xf32>
        %mul3A_691 = arith.constant 0.00999999977 : f32
        %mul3A_692 = vector.broadcast %mul3A_691 : f32 to vector<16xf32>
        %mul3A_693 = arith.mulf %add3A_690, %mul3A_692 : vector<16xf32>
        %max3A = arith.maximumf %add3A_690, %mul3A_693 : vector<16xf32>
        %add3A_694 = arith.addf %scan3A_665, %max3A : vector<16xf32>
        %get3A_695 = arith.constant 0 : i32
        %get3A_696 = arith.index_cast %get3A_695 : i32 to index
        %get3A_697 = arith.index_cast %add3A_674 : i32 to index
        %get3A_698 = arith.constant 16 : index
        %get3A_699 = tpu.vector_load %arg12[%get3A_696, %get3A_697, %get3A_698] {strides = array<i32>} : memref<2x128x128xi32, #tpu.memory_space<vmem>>, vector<1x1x16xi32>,
        %get3A_700 = vector.shape_cast %get3A_699 : vector<1x1x16xi32> to vector<16xi32>
        %get3A_701 = arith.constant 0 : i32
        %get3A_702 = arith.index_cast %get3A_701 : i32 to index
        %get3A_703 = arith.index_cast %add3A_674 : i32 to index
        %get3A_704 = arith.constant 16 : index
        %get3A_705 = tpu.vector_load %arg13[%get3A_702, %get3A_703, %get3A_704] {strides = array<i32>} : memref<2x128x128xi32, #tpu.memory_space<vmem>>, vector<1x1x16xi32>,
        %get3A_706 = vector.shape_cast %get3A_705 : vector<1x1x16xi32> to vector<16xi32>
        %shift_left3A_707 = arith.constant 16 : i32
        %shift_left3A_708 = vector.broadcast %shift_left3A_707 : i32 to vector<16xi32>
        %shift_left3A_709 = arith.shli %get3A_700, %shift_left3A_708 : vector<16xi32>
        %bitcast_convert_type3A_710 = tpu.bitcast %shift_left3A_709 : vector<16xi32> -> vector<16xf32>
        %and3A_711 = vector.broadcast %scan3A_286 : i32 to vector<16xi32>
        %and3A_712 = arith.andi %get3A_706, %and3A_711 : vector<16xi32>
        %bitcast_convert_type3A_713 = tpu.bitcast %and3A_712 : vector<16xi32> -> vector<16xf32>
        %add3A_714 = arith.addf %bitcast_convert_type3A_710, %bitcast_convert_type3A_713 : vector<16xf32>
        %mul3A_715 = arith.constant 0.00999999977 : f32
        %mul3A_716 = vector.broadcast %mul3A_715 : f32 to vector<16xf32>
        %mul3A_717 = arith.mulf %add3A_714, %mul3A_716 : vector<16xf32>
        %max3A_718 = arith.maximumf %add3A_714, %mul3A_717 : vector<16xf32>
        %add3A_719 = arith.addf %scan3A_666, %max3A_718 : vector<16xf32>
        %get3A_720 = arith.constant 0 : i32
        %get3A_721 = arith.index_cast %get3A_720 : i32 to index
        %get3A_722 = arith.index_cast %add3A_674 : i32 to index
        %get3A_723 = arith.constant 32 : index
        %get3A_724 = tpu.vector_load %arg12[%get3A_721, %get3A_722, %get3A_723] {strides = array<i32>} : memref<2x128x128xi32, #tpu.memory_space<vmem>>, vector<1x1x16xi32>,
        %get3A_725 = vector.shape_cast %get3A_724 : vector<1x1x16xi32> to vector<16xi32>
        %get3A_726 = arith.constant 0 : i32
        %get3A_727 = arith.index_cast %get3A_726 : i32 to index
        %get3A_728 = arith.index_cast %add3A_674 : i32 to index
        %get3A_729 = arith.constant 32 : index
        %get3A_730 = tpu.vector_load %arg13[%get3A_727, %get3A_728, %get3A_729] {strides = array<i32>} : memref<2x128x128xi32, #tpu.memory_space<vmem>>, vector<1x1x16xi32>,
        %get3A_731 = vector.shape_cast %get3A_730 : vector<1x1x16xi32> to vector<16xi32>
        %shift_left3A_732 = arith.constant 16 : i32
        %shift_left3A_733 = vector.broadcast %shift_left3A_732 : i32 to vector<16xi32>
        %shift_left3A_734 = arith.shli %get3A_725, %shift_left3A_733 : vector<16xi32>
        %bitcast_convert_type3A_735 = tpu.bitcast %shift_left3A_734 : vector<16xi32> -> vector<16xf32>
        %and3A_736 = vector.broadcast %scan3A_286 : i32 to vector<16xi32>
        %and3A_737 = arith.andi %get3A_731, %and3A_736 : vector<16xi32>
        %bitcast_convert_type3A_738 = tpu.bitcast %and3A_737 : vector<16xi32> -> vector<16xf32>
        %add3A_739 = arith.addf %bitcast_convert_type3A_735, %bitcast_convert_type3A_738 : vector<16xf32>
        %mul3A_740 = arith.constant 0.00999999977 : f32
        %mul3A_741 = vector.broadcast %mul3A_740 : f32 to vector<16xf32>
        %mul3A_742 = arith.mulf %add3A_739, %mul3A_741 : vector<16xf32>
        %max3A_743 = arith.maximumf %add3A_739, %mul3A_742 : vector<16xf32>
        %add3A_744 = arith.addf %scan3A_667, %max3A_743 : vector<16xf32>
        %get3A_745 = arith.constant 0 : i32
        %get3A_746 = arith.index_cast %get3A_745 : i32 to index
        %get3A_747 = arith.index_cast %add3A_674 : i32 to index
        %get3A_748 = arith.constant 48 : index
        %get3A_749 = tpu.vector_load %arg12[%get3A_746, %get3A_747, %get3A_748] {strides = array<i32>} : memref<2x128x128xi32, #tpu.memory_space<vmem>>, vector<1x1x16xi32>,
        %get3A_750 = vector.shape_cast %get3A_749 : vector<1x1x16xi32> to vector<16xi32>
        %get3A_751 = arith.constant 0 : i32
        %get3A_752 = arith.index_cast %get3A_751 : i32 to index
        %get3A_753 = arith.index_cast %add3A_674 : i32 to index
        %get3A_754 = arith.constant 48 : index
        %get3A_755 = tpu.vector_load %arg13[%get3A_752, %get3A_753, %get3A_754] {strides = array<i32>} : memref<2x128x128xi32, #tpu.memory_space<vmem>>, vector<1x1x16xi32>,
        %get3A_756 = vector.shape_cast %get3A_755 : vector<1x1x16xi32> to vector<16xi32>
        %shift_left3A_757 = arith.constant 16 : i32
        %shift_left3A_758 = vector.broadcast %shift_left3A_757 : i32 to vector<16xi32>
        %shift_left3A_759 = arith.shli %get3A_750, %shift_left3A_758 : vector<16xi32>
        %bitcast_convert_type3A_760 = tpu.bitcast %shift_left3A_759 : vector<16xi32> -> vector<16xf32>
        %and3A_761 = vector.broadcast %scan3A_286 : i32 to vector<16xi32>
        %and3A_762 = arith.andi %get3A_756, %and3A_761 : vector<16xi32>
        %bitcast_convert_type3A_763 = tpu.bitcast %and3A_762 : vector<16xi32> -> vector<16xf32>
        %add3A_764 = arith.addf %bitcast_convert_type3A_760, %bitcast_convert_type3A_763 : vector<16xf32>
        %mul3A_765 = arith.constant 0.00999999977 : f32
        %mul3A_766 = vector.broadcast %mul3A_765 : f32 to vector<16xf32>
        %mul3A_767 = arith.mulf %add3A_764, %mul3A_766 : vector<16xf32>
        %max3A_768 = arith.maximumf %add3A_764, %mul3A_767 : vector<16xf32>
        %add3A_769 = arith.addf %scan3A_668, %max3A_768 : vector<16xf32>
        %get3A_770 = arith.constant 0 : i32
        %get3A_771 = arith.index_cast %get3A_770 : i32 to index
        %get3A_772 = arith.index_cast %add3A_674 : i32 to index
        %get3A_773 = arith.constant 64 : index
        %get3A_774 = tpu.vector_load %arg12[%get3A_771, %get3A_772, %get3A_773] {strides = array<i32>} : memref<2x128x128xi32, #tpu.memory_space<vmem>>, vector<1x1x16xi32>,
        %get3A_775 = vector.shape_cast %get3A_774 : vector<1x1x16xi32> to vector<16xi32>
        %get3A_776 = arith.constant 0 : i32
        %get3A_777 = arith.index_cast %get3A_776 : i32 to index
        %get3A_778 = arith.index_cast %add3A_674 : i32 to index
        %get3A_779 = arith.constant 64 : index
        %get3A_780 = tpu.vector_load %arg13[%get3A_777, %get3A_778, %get3A_779] {strides = array<i32>} : memref<2x128x128xi32, #tpu.memory_space<vmem>>, vector<1x1x16xi32>,
        %get3A_781 = vector.shape_cast %get3A_780 : vector<1x1x16xi32> to vector<16xi32>
        %shift_left3A_782 = arith.constant 16 : i32
        %shift_left3A_783 = vector.broadcast %shift_left3A_782 : i32 to vector<16xi32>
        %shift_left3A_784 = arith.shli %get3A_775, %shift_left3A_783 : vector<16xi32>
        %bitcast_convert_type3A_785 = tpu.bitcast %shift_left3A_784 : vector<16xi32> -> vector<16xf32>
        %and3A_786 = vector.broadcast %scan3A_286 : i32 to vector<16xi32>
        %and3A_787 = arith.andi %get3A_781, %and3A_786 : vector<16xi32>
        %bitcast_convert_type3A_788 = tpu.bitcast %and3A_787 : vector<16xi32> -> vector<16xf32>
        %add3A_789 = arith.addf %bitcast_convert_type3A_785, %bitcast_convert_type3A_788 : vector<16xf32>
        %mul3A_790 = arith.constant 0.00999999977 : f32
        %mul3A_791 = vector.broadcast %mul3A_790 : f32 to vector<16xf32>
        %mul3A_792 = arith.mulf %add3A_789, %mul3A_791 : vector<16xf32>
        %max3A_793 = arith.maximumf %add3A_789, %mul3A_792 : vector<16xf32>
        %add3A_794 = arith.addf %scan3A_669, %max3A_793 : vector<16xf32>
        %get3A_795 = arith.constant 0 : i32
        %get3A_796 = arith.index_cast %get3A_795 : i32 to index
        %get3A_797 = arith.index_cast %add3A_674 : i32 to index
        %get3A_798 = arith.constant 80 : index
        %get3A_799 = tpu.vector_load %arg12[%get3A_796, %get3A_797, %get3A_798] {strides = array<i32>} : memref<2x128x128xi32, #tpu.memory_space<vmem>>, vector<1x1x16xi32>,
        %get3A_800 = vector.shape_cast %get3A_799 : vector<1x1x16xi32> to vector<16xi32>
        %get3A_801 = arith.constant 0 : i32
        %get3A_802 = arith.index_cast %get3A_801 : i32 to index
        %get3A_803 = arith.index_cast %add3A_674 : i32 to index
        %get3A_804 = arith.constant 80 : index
        %get3A_805 = tpu.vector_load %arg13[%get3A_802, %get3A_803, %get3A_804] {strides = array<i32>} : memref<2x128x128xi32, #tpu.memory_space<vmem>>, vector<1x1x16xi32>,
        %get3A_806 = vector.shape_cast %get3A_805 : vector<1x1x16xi32> to vector<16xi32>
        %shift_left3A_807 = arith.constant 16 : i32
        %shift_left3A_808 = vector.broadcast %shift_left3A_807 : i32 to vector<16xi32>
        %shift_left3A_809 = arith.shli %get3A_800, %shift_left3A_808 : vector<16xi32>
        %bitcast_convert_type3A_810 = tpu.bitcast %shift_left3A_809 : vector<16xi32> -> vector<16xf32>
        %and3A_811 = vector.broadcast %scan3A_286 : i32 to vector<16xi32>
        %and3A_812 = arith.andi %get3A_806, %and3A_811 : vector<16xi32>
        %bitcast_convert_type3A_813 = tpu.bitcast %and3A_812 : vector<16xi32> -> vector<16xf32>
        %add3A_814 = arith.addf %bitcast_convert_type3A_810, %bitcast_convert_type3A_813 : vector<16xf32>
        %mul3A_815 = arith.constant 0.00999999977 : f32
        %mul3A_816 = vector.broadcast %mul3A_815 : f32 to vector<16xf32>
        %mul3A_817 = arith.mulf %add3A_814, %mul3A_816 : vector<16xf32>
        %max3A_818 = arith.maximumf %add3A_814, %mul3A_817 : vector<16xf32>
        %add3A_819 = arith.addf %scan3A_670, %max3A_818 : vector<16xf32>
        %get3A_820 = arith.constant 0 : i32
        %get3A_821 = arith.index_cast %get3A_820 : i32 to index
        %get3A_822 = arith.index_cast %add3A_674 : i32 to index
        %get3A_823 = arith.constant 96 : index
        %get3A_824 = tpu.vector_load %arg12[%get3A_821, %get3A_822, %get3A_823] {strides = array<i32>} : memref<2x128x128xi32, #tpu.memory_space<vmem>>, vector<1x1x16xi32>,
        %get3A_825 = vector.shape_cast %get3A_824 : vector<1x1x16xi32> to vector<16xi32>
        %get3A_826 = arith.constant 0 : i32
        %get3A_827 = arith.index_cast %get3A_826 : i32 to index
        %get3A_828 = arith.index_cast %add3A_674 : i32 to index
        %get3A_829 = arith.constant 96 : index
        %get3A_830 = tpu.vector_load %arg13[%get3A_827, %get3A_828, %get3A_829] {strides = array<i32>} : memref<2x128x128xi32, #tpu.memory_space<vmem>>, vector<1x1x16xi32>,
        %get3A_831 = vector.shape_cast %get3A_830 : vector<1x1x16xi32> to vector<16xi32>
        %shift_left3A_832 = arith.constant 16 : i32
        %shift_left3A_833 = vector.broadcast %shift_left3A_832 : i32 to vector<16xi32>
        %shift_left3A_834 = arith.shli %get3A_825, %shift_left3A_833 : vector<16xi32>
        %bitcast_convert_type3A_835 = tpu.bitcast %shift_left3A_834 : vector<16xi32> -> vector<16xf32>
        %and3A_836 = vector.broadcast %scan3A_286 : i32 to vector<16xi32>
        %and3A_837 = arith.andi %get3A_831, %and3A_836 : vector<16xi32>
        %bitcast_convert_type3A_838 = tpu.bitcast %and3A_837 : vector<16xi32> -> vector<16xf32>
        %add3A_839 = arith.addf %bitcast_convert_type3A_835, %bitcast_convert_type3A_838 : vector<16xf32>
        %mul3A_840 = arith.constant 0.00999999977 : f32
        %mul3A_841 = vector.broadcast %mul3A_840 : f32 to vector<16xf32>
        %mul3A_842 = arith.mulf %add3A_839, %mul3A_841 : vector<16xf32>
        %max3A_843 = arith.maximumf %add3A_839, %mul3A_842 : vector<16xf32>
        %add3A_844 = arith.addf %scan3A_671, %max3A_843 : vector<16xf32>
        %get3A_845 = arith.constant 0 : i32
        %get3A_846 = arith.index_cast %get3A_845 : i32 to index
        %get3A_847 = arith.index_cast %add3A_674 : i32 to index
        %get3A_848 = arith.constant 112 : index
        %get3A_849 = tpu.vector_load %arg12[%get3A_846, %get3A_847, %get3A_848] {strides = array<i32>} : memref<2x128x128xi32, #tpu.memory_space<vmem>>, vector<1x1x16xi32>,
        %get3A_850 = vector.shape_cast %get3A_849 : vector<1x1x16xi32> to vector<16xi32>
        %get3A_851 = arith.constant 0 : i32
        %get3A_852 = arith.index_cast %get3A_851 : i32 to index
        %get3A_853 = arith.index_cast %add3A_674 : i32 to index
        %get3A_854 = arith.constant 112 : index
        %get3A_855 = tpu.vector_load %arg13[%get3A_852, %get3A_853, %get3A_854] {strides = array<i32>} : memref<2x128x128xi32, #tpu.memory_space<vmem>>, vector<1x1x16xi32>,
        %get3A_856 = vector.shape_cast %get3A_855 : vector<1x1x16xi32> to vector<16xi32>
        %shift_left3A_857 = arith.constant 16 : i32
        %shift_left3A_858 = vector.broadcast %shift_left3A_857 : i32 to vector<16xi32>
        %shift_left3A_859 = arith.shli %get3A_850, %shift_left3A_858 : vector<16xi32>
        %bitcast_convert_type3A_860 = tpu.bitcast %shift_left3A_859 : vector<16xi32> -> vector<16xf32>
        %and3A_861 = vector.broadcast %scan3A_286 : i32 to vector<16xi32>
        %and3A_862 = arith.andi %get3A_856, %and3A_861 : vector<16xi32>
        %bitcast_convert_type3A_863 = tpu.bitcast %and3A_862 : vector<16xi32> -> vector<16xf32>
        %add3A_864 = arith.addf %bitcast_convert_type3A_860, %bitcast_convert_type3A_863 : vector<16xf32>
        %mul3A_865 = arith.constant 0.00999999977 : f32
        %mul3A_866 = vector.broadcast %mul3A_865 : f32 to vector<16xf32>
        %mul3A_867 = arith.mulf %add3A_864, %mul3A_866 : vector<16xf32>
        %max3A_868 = arith.maximumf %add3A_864, %mul3A_867 : vector<16xf32>
        %add3A_869 = arith.addf %scan3A_672, %max3A_868 : vector<16xf32>
        scf.yield %add3A_694, %add3A_719, %add3A_744, %add3A_769, %add3A_794, %add3A_819, %add3A_844, %add3A_869 : vector<16xf32>, vector<16xf32>, vector<16xf32>, vector<16xf32>, vector<16xf32>, vector<16xf32>, vector<16xf32>, vector<16xf32>
      }
      %scan3A_292 = arith.constant 64 : i32
      %mul3A_293 = arith.constant 1.562500e-02 : f32
      %mul3A_294 = vector.broadcast %mul3A_293 : f32 to vector<16xf32>
      %mul3A_295 = arith.mulf %scan3A_291#0, %mul3A_294 : vector<16xf32>
      %mul3A_296 = arith.constant 2 : i32
      %mul3A_297 = arith.muli %mul3A_296, %add3A_130 : i32
      %add3A_298 = arith.constant 1 : i32
      %add3A_299 = arith.addi %mul3A_297, %add3A_298 : i32
      %swap3A_300 = arith.index_cast %add3A_299 : i32 to index
      %swap3A_301 = arith.constant 0 : index
      %swap3A_302 = tpu.vector_load %arg14[%swap3A_300, %swap3A_301] {strides = array<i32>} : memref<144x128xf32, #tpu.memory_space<vmem>>, vector<1x16xf32>,
      %swap3A_303 = vector.shape_cast %swap3A_302 : vector<1x16xf32> to vector<16xf32>
      %swap3A_304 = vector.shape_cast %mul3A_295 : vector<16xf32> to vector<1x16xf32>
      tpu.vector_store %arg14[%swap3A_300, %swap3A_301], %swap3A_304 {strides = array<i32>} : memref<144x128xf32, #tpu.memory_space<vmem>>, vector<1x16xf32>,
      %mul3A_305 = arith.constant 1.562500e-02 : f32
      %mul3A_306 = vector.broadcast %mul3A_305 : f32 to vector<16xf32>
      %mul3A_307 = arith.mulf %scan3A_291#1, %mul3A_306 : vector<16xf32>
      %mul3A_308 = arith.constant 2 : i32
      %mul3A_309 = arith.muli %mul3A_308, %add3A_130 : i32
      %add3A_310 = arith.constant 1 : i32
      %add3A_311 = arith.addi %mul3A_309, %add3A_310 : i32
      %swap3A_312 = arith.index_cast %add3A_311 : i32 to index
      %swap3A_313 = arith.constant 16 : index
      %swap3A_314 = tpu.vector_load %arg14[%swap3A_312, %swap3A_313] {strides = array<i32>} : memref<144x128xf32, #tpu.memory_space<vmem>>, vector<1x16xf32>,
      %swap3A_315 = vector.shape_cast %swap3A_314 : vector<1x16xf32> to vector<16xf32>
      %swap3A_316 = vector.shape_cast %mul3A_307 : vector<16xf32> to vector<1x16xf32>
      tpu.vector_store %arg14[%swap3A_312, %swap3A_313], %swap3A_316 {strides = array<i32>} : memref<144x128xf32, #tpu.memory_space<vmem>>, vector<1x16xf32>,
      %mul3A_317 = arith.constant 1.562500e-02 : f32
      %mul3A_318 = vector.broadcast %mul3A_317 : f32 to vector<16xf32>
      %mul3A_319 = arith.mulf %scan3A_291#2, %mul3A_318 : vector<16xf32>
      %mul3A_320 = arith.constant 2 : i32
      %mul3A_321 = arith.muli %mul3A_320, %add3A_130 : i32
      %add3A_322 = arith.constant 1 : i32
      %add3A_323 = arith.addi %mul3A_321, %add3A_322 : i32
      %swap3A_324 = arith.index_cast %add3A_323 : i32 to index
      %swap3A_325 = arith.constant 32 : index
      %swap3A_326 = tpu.vector_load %arg14[%swap3A_324, %swap3A_325] {strides = array<i32>} : memref<144x128xf32, #tpu.memory_space<vmem>>, vector<1x16xf32>,
      %swap3A_327 = vector.shape_cast %swap3A_326 : vector<1x16xf32> to vector<16xf32>
      %swap3A_328 = vector.shape_cast %mul3A_319 : vector<16xf32> to vector<1x16xf32>
      tpu.vector_store %arg14[%swap3A_324, %swap3A_325], %swap3A_328 {strides = array<i32>} : memref<144x128xf32, #tpu.memory_space<vmem>>, vector<1x16xf32>,
      %mul3A_329 = arith.constant 1.562500e-02 : f32
      %mul3A_330 = vector.broadcast %mul3A_329 : f32 to vector<16xf32>
      %mul3A_331 = arith.mulf %scan3A_291#3, %mul3A_330 : vector<16xf32>
      %mul3A_332 = arith.constant 2 : i32
      %mul3A_333 = arith.muli %mul3A_332, %add3A_130 : i32
      %add3A_334 = arith.constant 1 : i32
      %add3A_335 = arith.addi %mul3A_333, %add3A_334 : i32
      %swap3A_336 = arith.index_cast %add3A_335 : i32 to index
      %swap3A_337 = arith.constant 48 : index
      %swap3A_338 = tpu.vector_load %arg14[%swap3A_336, %swap3A_337] {strides = array<i32>} : memref<144x128xf32, #tpu.memory_space<vmem>>, vector<1x16xf32>,
      %swap3A_339 = vector.shape_cast %swap3A_338 : vector<1x16xf32> to vector<16xf32>
      %swap3A_340 = vector.shape_cast %mul3A_331 : vector<16xf32> to vector<1x16xf32>
      tpu.vector_store %arg14[%swap3A_336, %swap3A_337], %swap3A_340 {strides = array<i32>} : memref<144x128xf32, #tpu.memory_space<vmem>>, vector<1x16xf32>,
      %mul3A_341 = arith.constant 1.562500e-02 : f32
      %mul3A_342 = vector.broadcast %mul3A_341 : f32 to vector<16xf32>
      %mul3A_343 = arith.mulf %scan3A_291#4, %mul3A_342 : vector<16xf32>
      %mul3A_344 = arith.constant 2 : i32
      %mul3A_345 = arith.muli %mul3A_344, %add3A_130 : i32
      %add3A_346 = arith.constant 1 : i32
      %add3A_347 = arith.addi %mul3A_345, %add3A_346 : i32
      %swap3A_348 = arith.index_cast %add3A_347 : i32 to index
      %swap3A_349 = arith.constant 64 : index
      %swap3A_350 = tpu.vector_load %arg14[%swap3A_348, %swap3A_349] {strides = array<i32>} : memref<144x128xf32, #tpu.memory_space<vmem>>, vector<1x16xf32>,
      %swap3A_351 = vector.shape_cast %swap3A_350 : vector<1x16xf32> to vector<16xf32>
      %swap3A_352 = vector.shape_cast %mul3A_343 : vector<16xf32> to vector<1x16xf32>
      tpu.vector_store %arg14[%swap3A_348, %swap3A_349], %swap3A_352 {strides = array<i32>} : memref<144x128xf32, #tpu.memory_space<vmem>>, vector<1x16xf32>,
      %mul3A_353 = arith.constant 1.562500e-02 : f32
      %mul3A_354 = vector.broadcast %mul3A_353 : f32 to vector<16xf32>
      %mul3A_355 = arith.mulf %scan3A_291#5, %mul3A_354 : vector<16xf32>
      %mul3A_356 = arith.constant 2 : i32
      %mul3A_357 = arith.muli %mul3A_356, %add3A_130 : i32
      %add3A_358 = arith.constant 1 : i32
      %add3A_359 = arith.addi %mul3A_357, %add3A_358 : i32
      %swap3A_360 = arith.index_cast %add3A_359 : i32 to index
      %swap3A_361 = arith.constant 80 : index
      %swap3A_362 = tpu.vector_load %arg14[%swap3A_360, %swap3A_361] {strides = array<i32>} : memref<144x128xf32, #tpu.memory_space<vmem>>, vector<1x16xf32>,
      %swap3A_363 = vector.shape_cast %swap3A_362 : vector<1x16xf32> to vector<16xf32>
      %swap3A_364 = vector.shape_cast %mul3A_355 : vector<16xf32> to vector<1x16xf32>
      tpu.vector_store %arg14[%swap3A_360, %swap3A_361], %swap3A_364 {strides = array<i32>} : memref<144x128xf32, #tpu.memory_space<vmem>>, vector<1x16xf32>,
      %mul3A_365 = arith.constant 1.562500e-02 : f32
      %mul3A_366 = vector.broadcast %mul3A_365 : f32 to vector<16xf32>
      %mul3A_367 = arith.mulf %scan3A_291#6, %mul3A_366 : vector<16xf32>
      %mul3A_368 = arith.constant 2 : i32
      %mul3A_369 = arith.muli %mul3A_368, %add3A_130 : i32
      %add3A_370 = arith.constant 1 : i32
      %add3A_371 = arith.addi %mul3A_369, %add3A_370 : i32
      %swap3A_372 = arith.index_cast %add3A_371 : i32 to index
      %swap3A_373 = arith.constant 96 : index
      %swap3A_374 = tpu.vector_load %arg14[%swap3A_372, %swap3A_373] {strides = array<i32>} : memref<144x128xf32, #tpu.memory_space<vmem>>, vector<1x16xf32>,
      %swap3A_375 = vector.shape_cast %swap3A_374 : vector<1x16xf32> to vector<16xf32>
      %swap3A_376 = vector.shape_cast %mul3A_367 : vector<16xf32> to vector<1x16xf32>
      tpu.vector_store %arg14[%swap3A_372, %swap3A_373], %swap3A_376 {strides = array<i32>} : memref<144x128xf32, #tpu.memory_space<vmem>>, vector<1x16xf32>,
      %mul3A_377 = arith.constant 1.562500e-02 : f32
      %mul3A_378 = vector.broadcast %mul3A_377 : f32 to vector<16xf32>
      %mul3A_379 = arith.mulf %scan3A_291#7, %mul3A_378 : vector<16xf32>
      %mul3A_380 = arith.constant 2 : i32
      %mul3A_381 = arith.muli %mul3A_380, %add3A_130 : i32
      %add3A_382 = arith.constant 1 : i32
      %add3A_383 = arith.addi %mul3A_381, %add3A_382 : i32
      %swap3A_384 = arith.index_cast %add3A_383 : i32 to index
      %swap3A_385 = arith.constant 112 : index
      %swap3A_386 = tpu.vector_load %arg14[%swap3A_384, %swap3A_385] {strides = array<i32>} : memref<144x128xf32, #tpu.memory_space<vmem>>, vector<1x16xf32>,
      %swap3A_387 = vector.shape_cast %swap3A_386 : vector<1x16xf32> to vector<16xf32>
      %swap3A_388 = vector.shape_cast %mul3A_379 : vector<16xf32> to vector<1x16xf32>
      tpu.vector_store %arg14[%swap3A_384, %swap3A_385], %swap3A_388 {strides = array<i32>} : memref<144x128xf32, #tpu.memory_space<vmem>>, vector<1x16xf32>,
      %add3A_389 = arith.constant 2 : i32
      %add3A_390 = arith.addi %add3A_130, %add3A_389 : i32
      %lt3A = arith.constant 72 : i32
      %lt3A_391 = arith.cmpi slt, %add3A_390, %lt3A : i32
      %convert_element_type3A = arith.extui %lt3A_391 : i1 to i32
      %cond3A = arith.constant 0 : i32
      %cond3A_392 = arith.cmpi ne, %convert_element_type3A, %cond3A : i32
      scf.if %cond3A_392 {
        %dma_start3A_664 = arith.constant 0 : i32
        %dma_start3A_665 = arith.constant 0 : i32
        %dma_start3A_666 = arith.constant 0 : i32
        %dma_start3A_667 = tpu.memref_slice %arg12[%dma_start3A_664, %dma_start3A_665, %dma_start3A_666] : memref<2x128x128xi32, #tpu.memory_space<vmem>> -> memref<1x128x128xi32, #tpu.memory_space<vmem>>
        %dma_start3A_668 = tpu.memref_squeeze %dma_start3A_667 : memref<1x128x128xi32, #tpu.memory_space<vmem>> -> memref<128x128xi32, #tpu.memory_space<vmem>>
        %dma_start3A_669 = arith.constant 0 : i32
        %dma_start3A_670 = tpu.memref_slice %arg9[%add3A_390, %dma_start3A_669] : memref<72x128xi32, #tpu.memory_space<vmem>> -> memref<1x128xi32, #tpu.memory_space<vmem>>
        %dma_start3A_671 = tpu.memref_squeeze %dma_start3A_670 : memref<1x128xi32, #tpu.memory_space<vmem>> -> memref<128xi32, #tpu.memory_space<vmem>>
        %dma_start3A_672 = arith.constant 0 : i32
        %dma_start3A_673 = arith.constant 0 : i32
        %dma_start3A_674 = tpu.memref_slice %arg2[%dma_start3A_672, %dma_start3A_673] : memref<100001x128xi32, #tpu.memory_space<hbm>> -> memref<100001x128xi32, #tpu.memory_space<hbm>>
        tpu.enqueue_indirect_dma source(%dma_start3A_674 : memref<100001x128xi32, #tpu.memory_space<hbm>>) target(%dma_start3A_668 : memref<128x128xi32, #tpu.memory_space<vmem>>) offsets(%dma_start3A_671 : memref<128xi32, #tpu.memory_space<vmem>>) semaphore(%arg16 : memref<!tpu.dma_semaphore, #tpu.memory_space<semaphore_mem>>)
        %dma_start3A_675 = arith.constant 0 : i32
        %dma_start3A_676 = arith.constant 0 : i32
        %dma_start3A_677 = arith.constant 0 : i32
        %dma_start3A_678 = tpu.memref_slice %arg13[%dma_start3A_675, %dma_start3A_676, %dma_start3A_677] : memref<2x128x128xi32, #tpu.memory_space<vmem>> -> memref<1x128x128xi32, #tpu.memory_space<vmem>>
        %dma_start3A_679 = tpu.memref_squeeze %dma_start3A_678 : memref<1x128x128xi32, #tpu.memory_space<vmem>> -> memref<128x128xi32, #tpu.memory_space<vmem>>
        %dma_start3A_680 = arith.constant 0 : i32
        %dma_start3A_681 = tpu.memref_slice %arg10[%add3A_390, %dma_start3A_680] : memref<72x128xi32, #tpu.memory_space<vmem>> -> memref<1x128xi32, #tpu.memory_space<vmem>>
        %dma_start3A_682 = tpu.memref_squeeze %dma_start3A_681 : memref<1x128xi32, #tpu.memory_space<vmem>> -> memref<128xi32, #tpu.memory_space<vmem>>
        %dma_start3A_683 = arith.constant 0 : i32
        %dma_start3A_684 = arith.constant 0 : i32
        %dma_start3A_685 = tpu.memref_slice %arg2[%dma_start3A_683, %dma_start3A_684] : memref<100001x128xi32, #tpu.memory_space<hbm>> -> memref<100001x128xi32, #tpu.memory_space<hbm>>
        tpu.enqueue_indirect_dma source(%dma_start3A_685 : memref<100001x128xi32, #tpu.memory_space<hbm>>) target(%dma_start3A_679 : memref<128x128xi32, #tpu.memory_space<vmem>>) offsets(%dma_start3A_682 : memref<128xi32, #tpu.memory_space<vmem>>) semaphore(%arg16 : memref<!tpu.dma_semaphore, #tpu.memory_space<semaphore_mem>>)
      } else {
      }
      %mul3A_393 = arith.constant 2 : i32
      %mul3A_394 = arith.muli %mul3A_393, %scan3A_126 : i32
      %add3A_395 = arith.constant 1 : i32
      %add3A_396 = arith.addi %mul3A_394, %add3A_395 : i32
      %dma_wait3A_397 = arith.constant 1 : i32
      %dma_wait3A_398 = arith.constant 0 : i32
      %dma_wait3A_399 = arith.constant 0 : i32
      %dma_wait3A_400 = tpu.memref_slice %arg12[%dma_wait3A_397, %dma_wait3A_398, %dma_wait3A_399] : memref<2x128x128xi32, #tpu.memory_space<vmem>> -> memref<1x128x128xi32, #tpu.memory_space<vmem>>
      %dma_wait3A_401 = tpu.memref_squeeze %dma_wait3A_400 : memref<1x128x128xi32, #tpu.memory_space<vmem>> -> memref<128x128xi32, #tpu.memory_space<vmem>>
      %dma_wait3A_402 = arith.constant 0 : i32
      %dma_wait3A_403 = tpu.memref_slice %arg9[%add3A_396, %dma_wait3A_402] : memref<72x128xi32, #tpu.memory_space<vmem>> -> memref<1x128xi32, #tpu.memory_space<vmem>>
      %dma_wait3A_404 = tpu.memref_squeeze %dma_wait3A_403 : memref<1x128xi32, #tpu.memory_space<vmem>> -> memref<128xi32, #tpu.memory_space<vmem>>
      %dma_wait3A_405 = arith.constant 0 : i32
      %dma_wait3A_406 = arith.constant 0 : i32
      %dma_wait3A_407 = tpu.memref_slice %arg2[%dma_wait3A_405, %dma_wait3A_406] : memref<100001x128xi32, #tpu.memory_space<hbm>> -> memref<100001x128xi32, #tpu.memory_space<hbm>>
      tpu.wait_indirect_dma semaphore(%arg17 : memref<!tpu.dma_semaphore, #tpu.memory_space<semaphore_mem>>) src(%dma_wait3A_407 : memref<100001x128xi32, #tpu.memory_space<hbm>>) dst(%dma_wait3A_401 : memref<128x128xi32, #tpu.memory_space<vmem>>)
      %dma_wait3A_408 = arith.constant 1 : i32
      %dma_wait3A_409 = arith.constant 0 : i32
      %dma_wait3A_410 = arith.constant 0 : i32
      %dma_wait3A_411 = tpu.memref_slice %arg13[%dma_wait3A_408, %dma_wait3A_409, %dma_wait3A_410] : memref<2x128x128xi32, #tpu.memory_space<vmem>> -> memref<1x128x128xi32, #tpu.memory_space<vmem>>
      %dma_wait3A_412 = tpu.memref_squeeze %dma_wait3A_411 : memref<1x128x128xi32, #tpu.memory_space<vmem>> -> memref<128x128xi32, #tpu.memory_space<vmem>>
      %dma_wait3A_413 = arith.constant 0 : i32
      %dma_wait3A_414 = tpu.memref_slice %arg10[%add3A_396, %dma_wait3A_413] : memref<72x128xi32, #tpu.memory_space<vmem>> -> memref<1x128xi32, #tpu.memory_space<vmem>>
      %dma_wait3A_415 = tpu.memref_squeeze %dma_wait3A_414 : memref<1x128xi32, #tpu.memory_space<vmem>> -> memref<128xi32, #tpu.memory_space<vmem>>
      %dma_wait3A_416 = arith.constant 0 : i32
      %dma_wait3A_417 = arith.constant 0 : i32
      %dma_wait3A_418 = tpu.memref_slice %arg2[%dma_wait3A_416, %dma_wait3A_417] : memref<100001x128xi32, #tpu.memory_space<hbm>> -> memref<100001x128xi32, #tpu.memory_space<hbm>>
      tpu.wait_indirect_dma semaphore(%arg17 : memref<!tpu.dma_semaphore, #tpu.memory_space<semaphore_mem>>) src(%dma_wait3A_418 : memref<100001x128xi32, #tpu.memory_space<hbm>>) dst(%dma_wait3A_412 : memref<128x128xi32, #tpu.memory_space<vmem>>)
      %broadcast_in_dim3A_419 = arith.constant 0.000000e+00 : f32
      %broadcast_in_dim3A_420 = vector.broadcast %broadcast_in_dim3A_419 : f32 to vector<16xf32>
      %broadcast_in_dim3A_421 = arith.constant 0.000000e+00 : f32
      %broadcast_in_dim3A_422 = vector.broadcast %broadcast_in_dim3A_421 : f32 to vector<16xf32>
      %broadcast_in_dim3A_423 = arith.constant 0.000000e+00 : f32
      %broadcast_in_dim3A_424 = vector.broadcast %broadcast_in_dim3A_423 : f32 to vector<16xf32>
      %broadcast_in_dim3A_425 = arith.constant 0.000000e+00 : f32
      %broadcast_in_dim3A_426 = vector.broadcast %broadcast_in_dim3A_425 : f32 to vector<16xf32>
      %broadcast_in_dim3A_427 = arith.constant 0.000000e+00 : f32
      %broadcast_in_dim3A_428 = vector.broadcast %broadcast_in_dim3A_427 : f32 to vector<16xf32>
      %broadcast_in_dim3A_429 = arith.constant 0.000000e+00 : f32
      %broadcast_in_dim3A_430 = vector.broadcast %broadcast_in_dim3A_429 : f32 to vector<16xf32>
      %broadcast_in_dim3A_431 = arith.constant 0.000000e+00 : f32
      %broadcast_in_dim3A_432 = vector.broadcast %broadcast_in_dim3A_431 : f32 to vector<16xf32>
      %broadcast_in_dim3A_433 = arith.constant 0.000000e+00 : f32
      %broadcast_in_dim3A_434 = vector.broadcast %broadcast_in_dim3A_433 : f32 to vector<16xf32>
      %scan3A_435 = arith.constant -65536 : i32
      %scan3A_436 = arith.constant 0 : i32
      %scan3A_437 = arith.constant 64 : i32
      %scan3A_438 = arith.addi %scan3A_436, %scan3A_437 : i32
      %scan3A_439 = arith.constant 1 : i32
      %scan3A_440:8 = scf.for %scan3A_664 = %scan3A_436 to %scan3A_438 step %scan3A_439 iter_args(%scan3A_665 = %broadcast_in_dim3A_420, %scan3A_666 = %broadcast_in_dim3A_422, %scan3A_667 = %broadcast_in_dim3A_424, %scan3A_668 = %broadcast_in_dim3A_426, %scan3A_669 = %broadcast_in_dim3A_428, %scan3A_670 = %broadcast_in_dim3A_430, %scan3A_671 = %broadcast_in_dim3A_432, %scan3A_672 = %broadcast_in_dim3A_434) -> (vector<16xf32>, vector<16xf32>, vector<16xf32>, vector<16xf32>, vector<16xf32>, vector<16xf32>, vector<16xf32>, vector<16xf32>)  : i32 {
        %add3A_673 = arith.constant 0 : i32
        %add3A_674 = arith.addi %add3A_673, %scan3A_664 : i32
        %get3A = arith.constant 1 : i32
        %get3A_675 = arith.index_cast %get3A : i32 to index
        %get3A_676 = arith.index_cast %add3A_674 : i32 to index
        %get3A_677 = arith.constant 0 : index
        %get3A_678 = tpu.vector_load %arg12[%get3A_675, %get3A_676, %get3A_677] {strides = array<i32>} : memref<2x128x128xi32, #tpu.memory_space<vmem>>, vector<1x1x16xi32>,
        %get3A_679 = vector.shape_cast %get3A_678 : vector<1x1x16xi32> to vector<16xi32>
        %get3A_680 = arith.constant 1 : i32
        %get3A_681 = arith.index_cast %get3A_680 : i32 to index
        %get3A_682 = arith.index_cast %add3A_674 : i32 to index
        %get3A_683 = arith.constant 0 : index
        %get3A_684 = tpu.vector_load %arg13[%get3A_681, %get3A_682, %get3A_683] {strides = array<i32>} : memref<2x128x128xi32, #tpu.memory_space<vmem>>, vector<1x1x16xi32>,
        %get3A_685 = vector.shape_cast %get3A_684 : vector<1x1x16xi32> to vector<16xi32>
        %shift_left3A = arith.constant 16 : i32
        %shift_left3A_686 = vector.broadcast %shift_left3A : i32 to vector<16xi32>
        %shift_left3A_687 = arith.shli %get3A_679, %shift_left3A_686 : vector<16xi32>
        %bitcast_convert_type3A = tpu.bitcast %shift_left3A_687 : vector<16xi32> -> vector<16xf32>
        %and3A = vector.broadcast %scan3A_435 : i32 to vector<16xi32>
        %and3A_688 = arith.andi %get3A_685, %and3A : vector<16xi32>
        %bitcast_convert_type3A_689 = tpu.bitcast %and3A_688 : vector<16xi32> -> vector<16xf32>
        %add3A_690 = arith.addf %bitcast_convert_type3A, %bitcast_convert_type3A_689 : vector<16xf32>
        %mul3A_691 = arith.constant 0.00999999977 : f32
        %mul3A_692 = vector.broadcast %mul3A_691 : f32 to vector<16xf32>
        %mul3A_693 = arith.mulf %add3A_690, %mul3A_692 : vector<16xf32>
        %max3A = arith.maximumf %add3A_690, %mul3A_693 : vector<16xf32>
        %add3A_694 = arith.addf %scan3A_665, %max3A : vector<16xf32>
        %get3A_695 = arith.constant 1 : i32
        %get3A_696 = arith.index_cast %get3A_695 : i32 to index
        %get3A_697 = arith.index_cast %add3A_674 : i32 to index
        %get3A_698 = arith.constant 16 : index
        %get3A_699 = tpu.vector_load %arg12[%get3A_696, %get3A_697, %get3A_698] {strides = array<i32>} : memref<2x128x128xi32, #tpu.memory_space<vmem>>, vector<1x1x16xi32>,
        %get3A_700 = vector.shape_cast %get3A_699 : vector<1x1x16xi32> to vector<16xi32>
        %get3A_701 = arith.constant 1 : i32
        %get3A_702 = arith.index_cast %get3A_701 : i32 to index
        %get3A_703 = arith.index_cast %add3A_674 : i32 to index
        %get3A_704 = arith.constant 16 : index
        %get3A_705 = tpu.vector_load %arg13[%get3A_702, %get3A_703, %get3A_704] {strides = array<i32>} : memref<2x128x128xi32, #tpu.memory_space<vmem>>, vector<1x1x16xi32>,
        %get3A_706 = vector.shape_cast %get3A_705 : vector<1x1x16xi32> to vector<16xi32>
        %shift_left3A_707 = arith.constant 16 : i32
        %shift_left3A_708 = vector.broadcast %shift_left3A_707 : i32 to vector<16xi32>
        %shift_left3A_709 = arith.shli %get3A_700, %shift_left3A_708 : vector<16xi32>
        %bitcast_convert_type3A_710 = tpu.bitcast %shift_left3A_709 : vector<16xi32> -> vector<16xf32>
        %and3A_711 = vector.broadcast %scan3A_435 : i32 to vector<16xi32>
        %and3A_712 = arith.andi %get3A_706, %and3A_711 : vector<16xi32>
        %bitcast_convert_type3A_713 = tpu.bitcast %and3A_712 : vector<16xi32> -> vector<16xf32>
        %add3A_714 = arith.addf %bitcast_convert_type3A_710, %bitcast_convert_type3A_713 : vector<16xf32>
        %mul3A_715 = arith.constant 0.00999999977 : f32
        %mul3A_716 = vector.broadcast %mul3A_715 : f32 to vector<16xf32>
        %mul3A_717 = arith.mulf %add3A_714, %mul3A_716 : vector<16xf32>
        %max3A_718 = arith.maximumf %add3A_714, %mul3A_717 : vector<16xf32>
        %add3A_719 = arith.addf %scan3A_666, %max3A_718 : vector<16xf32>
        %get3A_720 = arith.constant 1 : i32
        %get3A_721 = arith.index_cast %get3A_720 : i32 to index
        %get3A_722 = arith.index_cast %add3A_674 : i32 to index
        %get3A_723 = arith.constant 32 : index
        %get3A_724 = tpu.vector_load %arg12[%get3A_721, %get3A_722, %get3A_723] {strides = array<i32>} : memref<2x128x128xi32, #tpu.memory_space<vmem>>, vector<1x1x16xi32>,
        %get3A_725 = vector.shape_cast %get3A_724 : vector<1x1x16xi32> to vector<16xi32>
        %get3A_726 = arith.constant 1 : i32
        %get3A_727 = arith.index_cast %get3A_726 : i32 to index
        %get3A_728 = arith.index_cast %add3A_674 : i32 to index
        %get3A_729 = arith.constant 32 : index
        %get3A_730 = tpu.vector_load %arg13[%get3A_727, %get3A_728, %get3A_729] {strides = array<i32>} : memref<2x128x128xi32, #tpu.memory_space<vmem>>, vector<1x1x16xi32>,
        %get3A_731 = vector.shape_cast %get3A_730 : vector<1x1x16xi32> to vector<16xi32>
        %shift_left3A_732 = arith.constant 16 : i32
        %shift_left3A_733 = vector.broadcast %shift_left3A_732 : i32 to vector<16xi32>
        %shift_left3A_734 = arith.shli %get3A_725, %shift_left3A_733 : vector<16xi32>
        %bitcast_convert_type3A_735 = tpu.bitcast %shift_left3A_734 : vector<16xi32> -> vector<16xf32>
        %and3A_736 = vector.broadcast %scan3A_435 : i32 to vector<16xi32>
        %and3A_737 = arith.andi %get3A_731, %and3A_736 : vector<16xi32>
        %bitcast_convert_type3A_738 = tpu.bitcast %and3A_737 : vector<16xi32> -> vector<16xf32>
        %add3A_739 = arith.addf %bitcast_convert_type3A_735, %bitcast_convert_type3A_738 : vector<16xf32>
        %mul3A_740 = arith.constant 0.00999999977 : f32
        %mul3A_741 = vector.broadcast %mul3A_740 : f32 to vector<16xf32>
        %mul3A_742 = arith.mulf %add3A_739, %mul3A_741 : vector<16xf32>
        %max3A_743 = arith.maximumf %add3A_739, %mul3A_742 : vector<16xf32>
        %add3A_744 = arith.addf %scan3A_667, %max3A_743 : vector<16xf32>
        %get3A_745 = arith.constant 1 : i32
        %get3A_746 = arith.index_cast %get3A_745 : i32 to index
        %get3A_747 = arith.index_cast %add3A_674 : i32 to index
        %get3A_748 = arith.constant 48 : index
        %get3A_749 = tpu.vector_load %arg12[%get3A_746, %get3A_747, %get3A_748] {strides = array<i32>} : memref<2x128x128xi32, #tpu.memory_space<vmem>>, vector<1x1x16xi32>,
        %get3A_750 = vector.shape_cast %get3A_749 : vector<1x1x16xi32> to vector<16xi32>
        %get3A_751 = arith.constant 1 : i32
        %get3A_752 = arith.index_cast %get3A_751 : i32 to index
        %get3A_753 = arith.index_cast %add3A_674 : i32 to index
        %get3A_754 = arith.constant 48 : index
        %get3A_755 = tpu.vector_load %arg13[%get3A_752, %get3A_753, %get3A_754] {strides = array<i32>} : memref<2x128x128xi32, #tpu.memory_space<vmem>>, vector<1x1x16xi32>,
        %get3A_756 = vector.shape_cast %get3A_755 : vector<1x1x16xi32> to vector<16xi32>
        %shift_left3A_757 = arith.constant 16 : i32
        %shift_left3A_758 = vector.broadcast %shift_left3A_757 : i32 to vector<16xi32>
        %shift_left3A_759 = arith.shli %get3A_750, %shift_left3A_758 : vector<16xi32>
        %bitcast_convert_type3A_760 = tpu.bitcast %shift_left3A_759 : vector<16xi32> -> vector<16xf32>
        %and3A_761 = vector.broadcast %scan3A_435 : i32 to vector<16xi32>
        %and3A_762 = arith.andi %get3A_756, %and3A_761 : vector<16xi32>
        %bitcast_convert_type3A_763 = tpu.bitcast %and3A_762 : vector<16xi32> -> vector<16xf32>
        %add3A_764 = arith.addf %bitcast_convert_type3A_760, %bitcast_convert_type3A_763 : vector<16xf32>
        %mul3A_765 = arith.constant 0.00999999977 : f32
        %mul3A_766 = vector.broadcast %mul3A_765 : f32 to vector<16xf32>
        %mul3A_767 = arith.mulf %add3A_764, %mul3A_766 : vector<16xf32>
        %max3A_768 = arith.maximumf %add3A_764, %mul3A_767 : vector<16xf32>
        %add3A_769 = arith.addf %scan3A_668, %max3A_768 : vector<16xf32>
        %get3A_770 = arith.constant 1 : i32
        %get3A_771 = arith.index_cast %get3A_770 : i32 to index
        %get3A_772 = arith.index_cast %add3A_674 : i32 to index
        %get3A_773 = arith.constant 64 : index
        %get3A_774 = tpu.vector_load %arg12[%get3A_771, %get3A_772, %get3A_773] {strides = array<i32>} : memref<2x128x128xi32, #tpu.memory_space<vmem>>, vector<1x1x16xi32>,
        %get3A_775 = vector.shape_cast %get3A_774 : vector<1x1x16xi32> to vector<16xi32>
        %get3A_776 = arith.constant 1 : i32
        %get3A_777 = arith.index_cast %get3A_776 : i32 to index
        %get3A_778 = arith.index_cast %add3A_674 : i32 to index
        %get3A_779 = arith.constant 64 : index
        %get3A_780 = tpu.vector_load %arg13[%get3A_777, %get3A_778, %get3A_779] {strides = array<i32>} : memref<2x128x128xi32, #tpu.memory_space<vmem>>, vector<1x1x16xi32>,
        %get3A_781 = vector.shape_cast %get3A_780 : vector<1x1x16xi32> to vector<16xi32>
        %shift_left3A_782 = arith.constant 16 : i32
        %shift_left3A_783 = vector.broadcast %shift_left3A_782 : i32 to vector<16xi32>
        %shift_left3A_784 = arith.shli %get3A_775, %shift_left3A_783 : vector<16xi32>
        %bitcast_convert_type3A_785 = tpu.bitcast %shift_left3A_784 : vector<16xi32> -> vector<16xf32>
        %and3A_786 = vector.broadcast %scan3A_435 : i32 to vector<16xi32>
        %and3A_787 = arith.andi %get3A_781, %and3A_786 : vector<16xi32>
        %bitcast_convert_type3A_788 = tpu.bitcast %and3A_787 : vector<16xi32> -> vector<16xf32>
        %add3A_789 = arith.addf %bitcast_convert_type3A_785, %bitcast_convert_type3A_788 : vector<16xf32>
        %mul3A_790 = arith.constant 0.00999999977 : f32
        %mul3A_791 = vector.broadcast %mul3A_790 : f32 to vector<16xf32>
        %mul3A_792 = arith.mulf %add3A_789, %mul3A_791 : vector<16xf32>
        %max3A_793 = arith.maximumf %add3A_789, %mul3A_792 : vector<16xf32>
        %add3A_794 = arith.addf %scan3A_669, %max3A_793 : vector<16xf32>
        %get3A_795 = arith.constant 1 : i32
        %get3A_796 = arith.index_cast %get3A_795 : i32 to index
        %get3A_797 = arith.index_cast %add3A_674 : i32 to index
        %get3A_798 = arith.constant 80 : index
        %get3A_799 = tpu.vector_load %arg12[%get3A_796, %get3A_797, %get3A_798] {strides = array<i32>} : memref<2x128x128xi32, #tpu.memory_space<vmem>>, vector<1x1x16xi32>,
        %get3A_800 = vector.shape_cast %get3A_799 : vector<1x1x16xi32> to vector<16xi32>
        %get3A_801 = arith.constant 1 : i32
        %get3A_802 = arith.index_cast %get3A_801 : i32 to index
        %get3A_803 = arith.index_cast %add3A_674 : i32 to index
        %get3A_804 = arith.constant 80 : index
        %get3A_805 = tpu.vector_load %arg13[%get3A_802, %get3A_803, %get3A_804] {strides = array<i32>} : memref<2x128x128xi32, #tpu.memory_space<vmem>>, vector<1x1x16xi32>,
        %get3A_806 = vector.shape_cast %get3A_805 : vector<1x1x16xi32> to vector<16xi32>
        %shift_left3A_807 = arith.constant 16 : i32
        %shift_left3A_808 = vector.broadcast %shift_left3A_807 : i32 to vector<16xi32>
        %shift_left3A_809 = arith.shli %get3A_800, %shift_left3A_808 : vector<16xi32>
        %bitcast_convert_type3A_810 = tpu.bitcast %shift_left3A_809 : vector<16xi32> -> vector<16xf32>
        %and3A_811 = vector.broadcast %scan3A_435 : i32 to vector<16xi32>
        %and3A_812 = arith.andi %get3A_806, %and3A_811 : vector<16xi32>
        %bitcast_convert_type3A_813 = tpu.bitcast %and3A_812 : vector<16xi32> -> vector<16xf32>
        %add3A_814 = arith.addf %bitcast_convert_type3A_810, %bitcast_convert_type3A_813 : vector<16xf32>
        %mul3A_815 = arith.constant 0.00999999977 : f32
        %mul3A_816 = vector.broadcast %mul3A_815 : f32 to vector<16xf32>
        %mul3A_817 = arith.mulf %add3A_814, %mul3A_816 : vector<16xf32>
        %max3A_818 = arith.maximumf %add3A_814, %mul3A_817 : vector<16xf32>
        %add3A_819 = arith.addf %scan3A_670, %max3A_818 : vector<16xf32>
        %get3A_820 = arith.constant 1 : i32
        %get3A_821 = arith.index_cast %get3A_820 : i32 to index
        %get3A_822 = arith.index_cast %add3A_674 : i32 to index
        %get3A_823 = arith.constant 96 : index
        %get3A_824 = tpu.vector_load %arg12[%get3A_821, %get3A_822, %get3A_823] {strides = array<i32>} : memref<2x128x128xi32, #tpu.memory_space<vmem>>, vector<1x1x16xi32>,
        %get3A_825 = vector.shape_cast %get3A_824 : vector<1x1x16xi32> to vector<16xi32>
        %get3A_826 = arith.constant 1 : i32
        %get3A_827 = arith.index_cast %get3A_826 : i32 to index
        %get3A_828 = arith.index_cast %add3A_674 : i32 to index
        %get3A_829 = arith.constant 96 : index
        %get3A_830 = tpu.vector_load %arg13[%get3A_827, %get3A_828, %get3A_829] {strides = array<i32>} : memref<2x128x128xi32, #tpu.memory_space<vmem>>, vector<1x1x16xi32>,
        %get3A_831 = vector.shape_cast %get3A_830 : vector<1x1x16xi32> to vector<16xi32>
        %shift_left3A_832 = arith.constant 16 : i32
        %shift_left3A_833 = vector.broadcast %shift_left3A_832 : i32 to vector<16xi32>
        %shift_left3A_834 = arith.shli %get3A_825, %shift_left3A_833 : vector<16xi32>
        %bitcast_convert_type3A_835 = tpu.bitcast %shift_left3A_834 : vector<16xi32> -> vector<16xf32>
        %and3A_836 = vector.broadcast %scan3A_435 : i32 to vector<16xi32>
        %and3A_837 = arith.andi %get3A_831, %and3A_836 : vector<16xi32>
        %bitcast_convert_type3A_838 = tpu.bitcast %and3A_837 : vector<16xi32> -> vector<16xf32>
        %add3A_839 = arith.addf %bitcast_convert_type3A_835, %bitcast_convert_type3A_838 : vector<16xf32>
        %mul3A_840 = arith.constant 0.00999999977 : f32
        %mul3A_841 = vector.broadcast %mul3A_840 : f32 to vector<16xf32>
        %mul3A_842 = arith.mulf %add3A_839, %mul3A_841 : vector<16xf32>
        %max3A_843 = arith.maximumf %add3A_839, %mul3A_842 : vector<16xf32>
        %add3A_844 = arith.addf %scan3A_671, %max3A_843 : vector<16xf32>
        %get3A_845 = arith.constant 1 : i32
        %get3A_846 = arith.index_cast %get3A_845 : i32 to index
        %get3A_847 = arith.index_cast %add3A_674 : i32 to index
        %get3A_848 = arith.constant 112 : index
        %get3A_849 = tpu.vector_load %arg12[%get3A_846, %get3A_847, %get3A_848] {strides = array<i32>} : memref<2x128x128xi32, #tpu.memory_space<vmem>>, vector<1x1x16xi32>,
        %get3A_850 = vector.shape_cast %get3A_849 : vector<1x1x16xi32> to vector<16xi32>
        %get3A_851 = arith.constant 1 : i32
        %get3A_852 = arith.index_cast %get3A_851 : i32 to index
        %get3A_853 = arith.index_cast %add3A_674 : i32 to index
        %get3A_854 = arith.constant 112 : index
        %get3A_855 = tpu.vector_load %arg13[%get3A_852, %get3A_853, %get3A_854] {strides = array<i32>} : memref<2x128x128xi32, #tpu.memory_space<vmem>>, vector<1x1x16xi32>,
        %get3A_856 = vector.shape_cast %get3A_855 : vector<1x1x16xi32> to vector<16xi32>
        %shift_left3A_857 = arith.constant 16 : i32
        %shift_left3A_858 = vector.broadcast %shift_left3A_857 : i32 to vector<16xi32>
        %shift_left3A_859 = arith.shli %get3A_850, %shift_left3A_858 : vector<16xi32>
        %bitcast_convert_type3A_860 = tpu.bitcast %shift_left3A_859 : vector<16xi32> -> vector<16xf32>
        %and3A_861 = vector.broadcast %scan3A_435 : i32 to vector<16xi32>
        %and3A_862 = arith.andi %get3A_856, %and3A_861 : vector<16xi32>
        %bitcast_convert_type3A_863 = tpu.bitcast %and3A_862 : vector<16xi32> -> vector<16xf32>
        %add3A_864 = arith.addf %bitcast_convert_type3A_860, %bitcast_convert_type3A_863 : vector<16xf32>
        %mul3A_865 = arith.constant 0.00999999977 : f32
        %mul3A_866 = vector.broadcast %mul3A_865 : f32 to vector<16xf32>
        %mul3A_867 = arith.mulf %add3A_864, %mul3A_866 : vector<16xf32>
        %max3A_868 = arith.maximumf %add3A_864, %mul3A_867 : vector<16xf32>
        %add3A_869 = arith.addf %scan3A_672, %max3A_868 : vector<16xf32>
        scf.yield %add3A_694, %add3A_719, %add3A_744, %add3A_769, %add3A_794, %add3A_819, %add3A_844, %add3A_869 : vector<16xf32>, vector<16xf32>, vector<16xf32>, vector<16xf32>, vector<16xf32>, vector<16xf32>, vector<16xf32>, vector<16xf32>
      }
      %scan3A_441 = arith.constant 64 : i32
      %mul3A_442 = arith.constant 1.562500e-02 : f32
      %mul3A_443 = vector.broadcast %mul3A_442 : f32 to vector<16xf32>
      %mul3A_444 = arith.mulf %scan3A_440#0, %mul3A_443 : vector<16xf32>
      %mul3A_445 = arith.constant 2 : i32
      %mul3A_446 = arith.muli %mul3A_445, %add3A_396 : i32
      %add3A_447 = arith.constant 0 : i32
      %add3A_448 = arith.addi %mul3A_446, %add3A_447 : i32
      %swap3A_449 = arith.index_cast %add3A_448 : i32 to index
      %swap3A_450 = arith.constant 0 : index
      %swap3A_451 = tpu.vector_load %arg14[%swap3A_449, %swap3A_450] {strides = array<i32>} : memref<144x128xf32, #tpu.memory_space<vmem>>, vector<1x16xf32>,
      %swap3A_452 = vector.shape_cast %swap3A_451 : vector<1x16xf32> to vector<16xf32>
      %swap3A_453 = vector.shape_cast %mul3A_444 : vector<16xf32> to vector<1x16xf32>
      tpu.vector_store %arg14[%swap3A_449, %swap3A_450], %swap3A_453 {strides = array<i32>} : memref<144x128xf32, #tpu.memory_space<vmem>>, vector<1x16xf32>,
      %mul3A_454 = arith.constant 1.562500e-02 : f32
      %mul3A_455 = vector.broadcast %mul3A_454 : f32 to vector<16xf32>
      %mul3A_456 = arith.mulf %scan3A_440#1, %mul3A_455 : vector<16xf32>
      %mul3A_457 = arith.constant 2 : i32
      %mul3A_458 = arith.muli %mul3A_457, %add3A_396 : i32
      %add3A_459 = arith.constant 0 : i32
      %add3A_460 = arith.addi %mul3A_458, %add3A_459 : i32
      %swap3A_461 = arith.index_cast %add3A_460 : i32 to index
      %swap3A_462 = arith.constant 16 : index
      %swap3A_463 = tpu.vector_load %arg14[%swap3A_461, %swap3A_462] {strides = array<i32>} : memref<144x128xf32, #tpu.memory_space<vmem>>, vector<1x16xf32>,
      %swap3A_464 = vector.shape_cast %swap3A_463 : vector<1x16xf32> to vector<16xf32>
      %swap3A_465 = vector.shape_cast %mul3A_456 : vector<16xf32> to vector<1x16xf32>
      tpu.vector_store %arg14[%swap3A_461, %swap3A_462], %swap3A_465 {strides = array<i32>} : memref<144x128xf32, #tpu.memory_space<vmem>>, vector<1x16xf32>,
      %mul3A_466 = arith.constant 1.562500e-02 : f32
      %mul3A_467 = vector.broadcast %mul3A_466 : f32 to vector<16xf32>
      %mul3A_468 = arith.mulf %scan3A_440#2, %mul3A_467 : vector<16xf32>
      %mul3A_469 = arith.constant 2 : i32
      %mul3A_470 = arith.muli %mul3A_469, %add3A_396 : i32
      %add3A_471 = arith.constant 0 : i32
      %add3A_472 = arith.addi %mul3A_470, %add3A_471 : i32
      %swap3A_473 = arith.index_cast %add3A_472 : i32 to index
      %swap3A_474 = arith.constant 32 : index
      %swap3A_475 = tpu.vector_load %arg14[%swap3A_473, %swap3A_474] {strides = array<i32>} : memref<144x128xf32, #tpu.memory_space<vmem>>, vector<1x16xf32>,
      %swap3A_476 = vector.shape_cast %swap3A_475 : vector<1x16xf32> to vector<16xf32>
      %swap3A_477 = vector.shape_cast %mul3A_468 : vector<16xf32> to vector<1x16xf32>
      tpu.vector_store %arg14[%swap3A_473, %swap3A_474], %swap3A_477 {strides = array<i32>} : memref<144x128xf32, #tpu.memory_space<vmem>>, vector<1x16xf32>,
      %mul3A_478 = arith.constant 1.562500e-02 : f32
      %mul3A_479 = vector.broadcast %mul3A_478 : f32 to vector<16xf32>
      %mul3A_480 = arith.mulf %scan3A_440#3, %mul3A_479 : vector<16xf32>
      %mul3A_481 = arith.constant 2 : i32
      %mul3A_482 = arith.muli %mul3A_481, %add3A_396 : i32
      %add3A_483 = arith.constant 0 : i32
      %add3A_484 = arith.addi %mul3A_482, %add3A_483 : i32
      %swap3A_485 = arith.index_cast %add3A_484 : i32 to index
      %swap3A_486 = arith.constant 48 : index
      %swap3A_487 = tpu.vector_load %arg14[%swap3A_485, %swap3A_486] {strides = array<i32>} : memref<144x128xf32, #tpu.memory_space<vmem>>, vector<1x16xf32>,
      %swap3A_488 = vector.shape_cast %swap3A_487 : vector<1x16xf32> to vector<16xf32>
      %swap3A_489 = vector.shape_cast %mul3A_480 : vector<16xf32> to vector<1x16xf32>
      tpu.vector_store %arg14[%swap3A_485, %swap3A_486], %swap3A_489 {strides = array<i32>} : memref<144x128xf32, #tpu.memory_space<vmem>>, vector<1x16xf32>,
      %mul3A_490 = arith.constant 1.562500e-02 : f32
      %mul3A_491 = vector.broadcast %mul3A_490 : f32 to vector<16xf32>
      %mul3A_492 = arith.mulf %scan3A_440#4, %mul3A_491 : vector<16xf32>
      %mul3A_493 = arith.constant 2 : i32
      %mul3A_494 = arith.muli %mul3A_493, %add3A_396 : i32
      %add3A_495 = arith.constant 0 : i32
      %add3A_496 = arith.addi %mul3A_494, %add3A_495 : i32
      %swap3A_497 = arith.index_cast %add3A_496 : i32 to index
      %swap3A_498 = arith.constant 64 : index
      %swap3A_499 = tpu.vector_load %arg14[%swap3A_497, %swap3A_498] {strides = array<i32>} : memref<144x128xf32, #tpu.memory_space<vmem>>, vector<1x16xf32>,
      %swap3A_500 = vector.shape_cast %swap3A_499 : vector<1x16xf32> to vector<16xf32>
      %swap3A_501 = vector.shape_cast %mul3A_492 : vector<16xf32> to vector<1x16xf32>
      tpu.vector_store %arg14[%swap3A_497, %swap3A_498], %swap3A_501 {strides = array<i32>} : memref<144x128xf32, #tpu.memory_space<vmem>>, vector<1x16xf32>,
      %mul3A_502 = arith.constant 1.562500e-02 : f32
      %mul3A_503 = vector.broadcast %mul3A_502 : f32 to vector<16xf32>
      %mul3A_504 = arith.mulf %scan3A_440#5, %mul3A_503 : vector<16xf32>
      %mul3A_505 = arith.constant 2 : i32
      %mul3A_506 = arith.muli %mul3A_505, %add3A_396 : i32
      %add3A_507 = arith.constant 0 : i32
      %add3A_508 = arith.addi %mul3A_506, %add3A_507 : i32
      %swap3A_509 = arith.index_cast %add3A_508 : i32 to index
      %swap3A_510 = arith.constant 80 : index
      %swap3A_511 = tpu.vector_load %arg14[%swap3A_509, %swap3A_510] {strides = array<i32>} : memref<144x128xf32, #tpu.memory_space<vmem>>, vector<1x16xf32>,
      %swap3A_512 = vector.shape_cast %swap3A_511 : vector<1x16xf32> to vector<16xf32>
      %swap3A_513 = vector.shape_cast %mul3A_504 : vector<16xf32> to vector<1x16xf32>
      tpu.vector_store %arg14[%swap3A_509, %swap3A_510], %swap3A_513 {strides = array<i32>} : memref<144x128xf32, #tpu.memory_space<vmem>>, vector<1x16xf32>,
      %mul3A_514 = arith.constant 1.562500e-02 : f32
      %mul3A_515 = vector.broadcast %mul3A_514 : f32 to vector<16xf32>
      %mul3A_516 = arith.mulf %scan3A_440#6, %mul3A_515 : vector<16xf32>
      %mul3A_517 = arith.constant 2 : i32
      %mul3A_518 = arith.muli %mul3A_517, %add3A_396 : i32
      %add3A_519 = arith.constant 0 : i32
      %add3A_520 = arith.addi %mul3A_518, %add3A_519 : i32
      %swap3A_521 = arith.index_cast %add3A_520 : i32 to index
      %swap3A_522 = arith.constant 96 : index
      %swap3A_523 = tpu.vector_load %arg14[%swap3A_521, %swap3A_522] {strides = array<i32>} : memref<144x128xf32, #tpu.memory_space<vmem>>, vector<1x16xf32>,
      %swap3A_524 = vector.shape_cast %swap3A_523 : vector<1x16xf32> to vector<16xf32>
      %swap3A_525 = vector.shape_cast %mul3A_516 : vector<16xf32> to vector<1x16xf32>
      tpu.vector_store %arg14[%swap3A_521, %swap3A_522], %swap3A_525 {strides = array<i32>} : memref<144x128xf32, #tpu.memory_space<vmem>>, vector<1x16xf32>,
      %mul3A_526 = arith.constant 1.562500e-02 : f32
      %mul3A_527 = vector.broadcast %mul3A_526 : f32 to vector<16xf32>
      %mul3A_528 = arith.mulf %scan3A_440#7, %mul3A_527 : vector<16xf32>
      %mul3A_529 = arith.constant 2 : i32
      %mul3A_530 = arith.muli %mul3A_529, %add3A_396 : i32
      %add3A_531 = arith.constant 0 : i32
      %add3A_532 = arith.addi %mul3A_530, %add3A_531 : i32
      %swap3A_533 = arith.index_cast %add3A_532 : i32 to index
      %swap3A_534 = arith.constant 112 : index
      %swap3A_535 = tpu.vector_load %arg14[%swap3A_533, %swap3A_534] {strides = array<i32>} : memref<144x128xf32, #tpu.memory_space<vmem>>, vector<1x16xf32>,
      %swap3A_536 = vector.shape_cast %swap3A_535 : vector<1x16xf32> to vector<16xf32>
      %swap3A_537 = vector.shape_cast %mul3A_528 : vector<16xf32> to vector<1x16xf32>
      tpu.vector_store %arg14[%swap3A_533, %swap3A_534], %swap3A_537 {strides = array<i32>} : memref<144x128xf32, #tpu.memory_space<vmem>>, vector<1x16xf32>,
      %broadcast_in_dim3A_538 = arith.constant 0.000000e+00 : f32
      %broadcast_in_dim3A_539 = vector.broadcast %broadcast_in_dim3A_538 : f32 to vector<16xf32>
      %broadcast_in_dim3A_540 = arith.constant 0.000000e+00 : f32
      %broadcast_in_dim3A_541 = vector.broadcast %broadcast_in_dim3A_540 : f32 to vector<16xf32>
      %broadcast_in_dim3A_542 = arith.constant 0.000000e+00 : f32
      %broadcast_in_dim3A_543 = vector.broadcast %broadcast_in_dim3A_542 : f32 to vector<16xf32>
      %broadcast_in_dim3A_544 = arith.constant 0.000000e+00 : f32
      %broadcast_in_dim3A_545 = vector.broadcast %broadcast_in_dim3A_544 : f32 to vector<16xf32>
      %broadcast_in_dim3A_546 = arith.constant 0.000000e+00 : f32
      %broadcast_in_dim3A_547 = vector.broadcast %broadcast_in_dim3A_546 : f32 to vector<16xf32>
      %broadcast_in_dim3A_548 = arith.constant 0.000000e+00 : f32
      %broadcast_in_dim3A_549 = vector.broadcast %broadcast_in_dim3A_548 : f32 to vector<16xf32>
      %broadcast_in_dim3A_550 = arith.constant 0.000000e+00 : f32
      %broadcast_in_dim3A_551 = vector.broadcast %broadcast_in_dim3A_550 : f32 to vector<16xf32>
      %broadcast_in_dim3A_552 = arith.constant 0.000000e+00 : f32
      %broadcast_in_dim3A_553 = vector.broadcast %broadcast_in_dim3A_552 : f32 to vector<16xf32>
      %scan3A_554 = arith.constant -65536 : i32
      %scan3A_555 = arith.constant 0 : i32
      %scan3A_556 = arith.constant 64 : i32
      %scan3A_557 = arith.addi %scan3A_555, %scan3A_556 : i32
      %scan3A_558 = arith.constant 1 : i32
      %scan3A_559:8 = scf.for %scan3A_664 = %scan3A_555 to %scan3A_557 step %scan3A_558 iter_args(%scan3A_665 = %broadcast_in_dim3A_539, %scan3A_666 = %broadcast_in_dim3A_541, %scan3A_667 = %broadcast_in_dim3A_543, %scan3A_668 = %broadcast_in_dim3A_545, %scan3A_669 = %broadcast_in_dim3A_547, %scan3A_670 = %broadcast_in_dim3A_549, %scan3A_671 = %broadcast_in_dim3A_551, %scan3A_672 = %broadcast_in_dim3A_553) -> (vector<16xf32>, vector<16xf32>, vector<16xf32>, vector<16xf32>, vector<16xf32>, vector<16xf32>, vector<16xf32>, vector<16xf32>)  : i32 {
        %add3A_673 = arith.constant 64 : i32
        %add3A_674 = arith.addi %add3A_673, %scan3A_664 : i32
        %get3A = arith.constant 1 : i32
        %get3A_675 = arith.index_cast %get3A : i32 to index
        %get3A_676 = arith.index_cast %add3A_674 : i32 to index
        %get3A_677 = arith.constant 0 : index
        %get3A_678 = tpu.vector_load %arg12[%get3A_675, %get3A_676, %get3A_677] {strides = array<i32>} : memref<2x128x128xi32, #tpu.memory_space<vmem>>, vector<1x1x16xi32>,
        %get3A_679 = vector.shape_cast %get3A_678 : vector<1x1x16xi32> to vector<16xi32>
        %get3A_680 = arith.constant 1 : i32
        %get3A_681 = arith.index_cast %get3A_680 : i32 to index
        %get3A_682 = arith.index_cast %add3A_674 : i32 to index
        %get3A_683 = arith.constant 0 : index
        %get3A_684 = tpu.vector_load %arg13[%get3A_681, %get3A_682, %get3A_683] {strides = array<i32>} : memref<2x128x128xi32, #tpu.memory_space<vmem>>, vector<1x1x16xi32>,
        %get3A_685 = vector.shape_cast %get3A_684 : vector<1x1x16xi32> to vector<16xi32>
        %shift_left3A = arith.constant 16 : i32
        %shift_left3A_686 = vector.broadcast %shift_left3A : i32 to vector<16xi32>
        %shift_left3A_687 = arith.shli %get3A_679, %shift_left3A_686 : vector<16xi32>
        %bitcast_convert_type3A = tpu.bitcast %shift_left3A_687 : vector<16xi32> -> vector<16xf32>
        %and3A = vector.broadcast %scan3A_554 : i32 to vector<16xi32>
        %and3A_688 = arith.andi %get3A_685, %and3A : vector<16xi32>
        %bitcast_convert_type3A_689 = tpu.bitcast %and3A_688 : vector<16xi32> -> vector<16xf32>
        %add3A_690 = arith.addf %bitcast_convert_type3A, %bitcast_convert_type3A_689 : vector<16xf32>
        %mul3A_691 = arith.constant 0.00999999977 : f32
        %mul3A_692 = vector.broadcast %mul3A_691 : f32 to vector<16xf32>
        %mul3A_693 = arith.mulf %add3A_690, %mul3A_692 : vector<16xf32>
        %max3A = arith.maximumf %add3A_690, %mul3A_693 : vector<16xf32>
        %add3A_694 = arith.addf %scan3A_665, %max3A : vector<16xf32>
        %get3A_695 = arith.constant 1 : i32
        %get3A_696 = arith.index_cast %get3A_695 : i32 to index
        %get3A_697 = arith.index_cast %add3A_674 : i32 to index
        %get3A_698 = arith.constant 16 : index
        %get3A_699 = tpu.vector_load %arg12[%get3A_696, %get3A_697, %get3A_698] {strides = array<i32>} : memref<2x128x128xi32, #tpu.memory_space<vmem>>, vector<1x1x16xi32>,
        %get3A_700 = vector.shape_cast %get3A_699 : vector<1x1x16xi32> to vector<16xi32>
        %get3A_701 = arith.constant 1 : i32
        %get3A_702 = arith.index_cast %get3A_701 : i32 to index
        %get3A_703 = arith.index_cast %add3A_674 : i32 to index
        %get3A_704 = arith.constant 16 : index
        %get3A_705 = tpu.vector_load %arg13[%get3A_702, %get3A_703, %get3A_704] {strides = array<i32>} : memref<2x128x128xi32, #tpu.memory_space<vmem>>, vector<1x1x16xi32>,
        %get3A_706 = vector.shape_cast %get3A_705 : vector<1x1x16xi32> to vector<16xi32>
        %shift_left3A_707 = arith.constant 16 : i32
        %shift_left3A_708 = vector.broadcast %shift_left3A_707 : i32 to vector<16xi32>
        %shift_left3A_709 = arith.shli %get3A_700, %shift_left3A_708 : vector<16xi32>
        %bitcast_convert_type3A_710 = tpu.bitcast %shift_left3A_709 : vector<16xi32> -> vector<16xf32>
        %and3A_711 = vector.broadcast %scan3A_554 : i32 to vector<16xi32>
        %and3A_712 = arith.andi %get3A_706, %and3A_711 : vector<16xi32>
        %bitcast_convert_type3A_713 = tpu.bitcast %and3A_712 : vector<16xi32> -> vector<16xf32>
        %add3A_714 = arith.addf %bitcast_convert_type3A_710, %bitcast_convert_type3A_713 : vector<16xf32>
        %mul3A_715 = arith.constant 0.00999999977 : f32
        %mul3A_716 = vector.broadcast %mul3A_715 : f32 to vector<16xf32>
        %mul3A_717 = arith.mulf %add3A_714, %mul3A_716 : vector<16xf32>
        %max3A_718 = arith.maximumf %add3A_714, %mul3A_717 : vector<16xf32>
        %add3A_719 = arith.addf %scan3A_666, %max3A_718 : vector<16xf32>
        %get3A_720 = arith.constant 1 : i32
        %get3A_721 = arith.index_cast %get3A_720 : i32 to index
        %get3A_722 = arith.index_cast %add3A_674 : i32 to index
        %get3A_723 = arith.constant 32 : index
        %get3A_724 = tpu.vector_load %arg12[%get3A_721, %get3A_722, %get3A_723] {strides = array<i32>} : memref<2x128x128xi32, #tpu.memory_space<vmem>>, vector<1x1x16xi32>,
        %get3A_725 = vector.shape_cast %get3A_724 : vector<1x1x16xi32> to vector<16xi32>
        %get3A_726 = arith.constant 1 : i32
        %get3A_727 = arith.index_cast %get3A_726 : i32 to index
        %get3A_728 = arith.index_cast %add3A_674 : i32 to index
        %get3A_729 = arith.constant 32 : index
        %get3A_730 = tpu.vector_load %arg13[%get3A_727, %get3A_728, %get3A_729] {strides = array<i32>} : memref<2x128x128xi32, #tpu.memory_space<vmem>>, vector<1x1x16xi32>,
        %get3A_731 = vector.shape_cast %get3A_730 : vector<1x1x16xi32> to vector<16xi32>
        %shift_left3A_732 = arith.constant 16 : i32
        %shift_left3A_733 = vector.broadcast %shift_left3A_732 : i32 to vector<16xi32>
        %shift_left3A_734 = arith.shli %get3A_725, %shift_left3A_733 : vector<16xi32>
        %bitcast_convert_type3A_735 = tpu.bitcast %shift_left3A_734 : vector<16xi32> -> vector<16xf32>
        %and3A_736 = vector.broadcast %scan3A_554 : i32 to vector<16xi32>
        %and3A_737 = arith.andi %get3A_731, %and3A_736 : vector<16xi32>
        %bitcast_convert_type3A_738 = tpu.bitcast %and3A_737 : vector<16xi32> -> vector<16xf32>
        %add3A_739 = arith.addf %bitcast_convert_type3A_735, %bitcast_convert_type3A_738 : vector<16xf32>
        %mul3A_740 = arith.constant 0.00999999977 : f32
        %mul3A_741 = vector.broadcast %mul3A_740 : f32 to vector<16xf32>
        %mul3A_742 = arith.mulf %add3A_739, %mul3A_741 : vector<16xf32>
        %max3A_743 = arith.maximumf %add3A_739, %mul3A_742 : vector<16xf32>
        %add3A_744 = arith.addf %scan3A_667, %max3A_743 : vector<16xf32>
        %get3A_745 = arith.constant 1 : i32
        %get3A_746 = arith.index_cast %get3A_745 : i32 to index
        %get3A_747 = arith.index_cast %add3A_674 : i32 to index
        %get3A_748 = arith.constant 48 : index
        %get3A_749 = tpu.vector_load %arg12[%get3A_746, %get3A_747, %get3A_748] {strides = array<i32>} : memref<2x128x128xi32, #tpu.memory_space<vmem>>, vector<1x1x16xi32>,
        %get3A_750 = vector.shape_cast %get3A_749 : vector<1x1x16xi32> to vector<16xi32>
        %get3A_751 = arith.constant 1 : i32
        %get3A_752 = arith.index_cast %get3A_751 : i32 to index
        %get3A_753 = arith.index_cast %add3A_674 : i32 to index
        %get3A_754 = arith.constant 48 : index
        %get3A_755 = tpu.vector_load %arg13[%get3A_752, %get3A_753, %get3A_754] {strides = array<i32>} : memref<2x128x128xi32, #tpu.memory_space<vmem>>, vector<1x1x16xi32>,
        %get3A_756 = vector.shape_cast %get3A_755 : vector<1x1x16xi32> to vector<16xi32>
        %shift_left3A_757 = arith.constant 16 : i32
        %shift_left3A_758 = vector.broadcast %shift_left3A_757 : i32 to vector<16xi32>
        %shift_left3A_759 = arith.shli %get3A_750, %shift_left3A_758 : vector<16xi32>
        %bitcast_convert_type3A_760 = tpu.bitcast %shift_left3A_759 : vector<16xi32> -> vector<16xf32>
        %and3A_761 = vector.broadcast %scan3A_554 : i32 to vector<16xi32>
        %and3A_762 = arith.andi %get3A_756, %and3A_761 : vector<16xi32>
        %bitcast_convert_type3A_763 = tpu.bitcast %and3A_762 : vector<16xi32> -> vector<16xf32>
        %add3A_764 = arith.addf %bitcast_convert_type3A_760, %bitcast_convert_type3A_763 : vector<16xf32>
        %mul3A_765 = arith.constant 0.00999999977 : f32
        %mul3A_766 = vector.broadcast %mul3A_765 : f32 to vector<16xf32>
        %mul3A_767 = arith.mulf %add3A_764, %mul3A_766 : vector<16xf32>
        %max3A_768 = arith.maximumf %add3A_764, %mul3A_767 : vector<16xf32>
        %add3A_769 = arith.addf %scan3A_668, %max3A_768 : vector<16xf32>
        %get3A_770 = arith.constant 1 : i32
        %get3A_771 = arith.index_cast %get3A_770 : i32 to index
        %get3A_772 = arith.index_cast %add3A_674 : i32 to index
        %get3A_773 = arith.constant 64 : index
        %get3A_774 = tpu.vector_load %arg12[%get3A_771, %get3A_772, %get3A_773] {strides = array<i32>} : memref<2x128x128xi32, #tpu.memory_space<vmem>>, vector<1x1x16xi32>,
        %get3A_775 = vector.shape_cast %get3A_774 : vector<1x1x16xi32> to vector<16xi32>
        %get3A_776 = arith.constant 1 : i32
        %get3A_777 = arith.index_cast %get3A_776 : i32 to index
        %get3A_778 = arith.index_cast %add3A_674 : i32 to index
        %get3A_779 = arith.constant 64 : index
        %get3A_780 = tpu.vector_load %arg13[%get3A_777, %get3A_778, %get3A_779] {strides = array<i32>} : memref<2x128x128xi32, #tpu.memory_space<vmem>>, vector<1x1x16xi32>,
        %get3A_781 = vector.shape_cast %get3A_780 : vector<1x1x16xi32> to vector<16xi32>
        %shift_left3A_782 = arith.constant 16 : i32
        %shift_left3A_783 = vector.broadcast %shift_left3A_782 : i32 to vector<16xi32>
        %shift_left3A_784 = arith.shli %get3A_775, %shift_left3A_783 : vector<16xi32>
        %bitcast_convert_type3A_785 = tpu.bitcast %shift_left3A_784 : vector<16xi32> -> vector<16xf32>
        %and3A_786 = vector.broadcast %scan3A_554 : i32 to vector<16xi32>
        %and3A_787 = arith.andi %get3A_781, %and3A_786 : vector<16xi32>
        %bitcast_convert_type3A_788 = tpu.bitcast %and3A_787 : vector<16xi32> -> vector<16xf32>
        %add3A_789 = arith.addf %bitcast_convert_type3A_785, %bitcast_convert_type3A_788 : vector<16xf32>
        %mul3A_790 = arith.constant 0.00999999977 : f32
        %mul3A_791 = vector.broadcast %mul3A_790 : f32 to vector<16xf32>
        %mul3A_792 = arith.mulf %add3A_789, %mul3A_791 : vector<16xf32>
        %max3A_793 = arith.maximumf %add3A_789, %mul3A_792 : vector<16xf32>
        %add3A_794 = arith.addf %scan3A_669, %max3A_793 : vector<16xf32>
        %get3A_795 = arith.constant 1 : i32
        %get3A_796 = arith.index_cast %get3A_795 : i32 to index
        %get3A_797 = arith.index_cast %add3A_674 : i32 to index
        %get3A_798 = arith.constant 80 : index
        %get3A_799 = tpu.vector_load %arg12[%get3A_796, %get3A_797, %get3A_798] {strides = array<i32>} : memref<2x128x128xi32, #tpu.memory_space<vmem>>, vector<1x1x16xi32>,
        %get3A_800 = vector.shape_cast %get3A_799 : vector<1x1x16xi32> to vector<16xi32>
        %get3A_801 = arith.constant 1 : i32
        %get3A_802 = arith.index_cast %get3A_801 : i32 to index
        %get3A_803 = arith.index_cast %add3A_674 : i32 to index
        %get3A_804 = arith.constant 80 : index
        %get3A_805 = tpu.vector_load %arg13[%get3A_802, %get3A_803, %get3A_804] {strides = array<i32>} : memref<2x128x128xi32, #tpu.memory_space<vmem>>, vector<1x1x16xi32>,
        %get3A_806 = vector.shape_cast %get3A_805 : vector<1x1x16xi32> to vector<16xi32>
        %shift_left3A_807 = arith.constant 16 : i32
        %shift_left3A_808 = vector.broadcast %shift_left3A_807 : i32 to vector<16xi32>
        %shift_left3A_809 = arith.shli %get3A_800, %shift_left3A_808 : vector<16xi32>
        %bitcast_convert_type3A_810 = tpu.bitcast %shift_left3A_809 : vector<16xi32> -> vector<16xf32>
        %and3A_811 = vector.broadcast %scan3A_554 : i32 to vector<16xi32>
        %and3A_812 = arith.andi %get3A_806, %and3A_811 : vector<16xi32>
        %bitcast_convert_type3A_813 = tpu.bitcast %and3A_812 : vector<16xi32> -> vector<16xf32>
        %add3A_814 = arith.addf %bitcast_convert_type3A_810, %bitcast_convert_type3A_813 : vector<16xf32>
        %mul3A_815 = arith.constant 0.00999999977 : f32
        %mul3A_816 = vector.broadcast %mul3A_815 : f32 to vector<16xf32>
        %mul3A_817 = arith.mulf %add3A_814, %mul3A_816 : vector<16xf32>
        %max3A_818 = arith.maximumf %add3A_814, %mul3A_817 : vector<16xf32>
        %add3A_819 = arith.addf %scan3A_670, %max3A_818 : vector<16xf32>
        %get3A_820 = arith.constant 1 : i32
        %get3A_821 = arith.index_cast %get3A_820 : i32 to index
        %get3A_822 = arith.index_cast %add3A_674 : i32 to index
        %get3A_823 = arith.constant 96 : index
        %get3A_824 = tpu.vector_load %arg12[%get3A_821, %get3A_822, %get3A_823] {strides = array<i32>} : memref<2x128x128xi32, #tpu.memory_space<vmem>>, vector<1x1x16xi32>,
        %get3A_825 = vector.shape_cast %get3A_824 : vector<1x1x16xi32> to vector<16xi32>
        %get3A_826 = arith.constant 1 : i32
        %get3A_827 = arith.index_cast %get3A_826 : i32 to index
        %get3A_828 = arith.index_cast %add3A_674 : i32 to index
        %get3A_829 = arith.constant 96 : index
        %get3A_830 = tpu.vector_load %arg13[%get3A_827, %get3A_828, %get3A_829] {strides = array<i32>} : memref<2x128x128xi32, #tpu.memory_space<vmem>>, vector<1x1x16xi32>,
        %get3A_831 = vector.shape_cast %get3A_830 : vector<1x1x16xi32> to vector<16xi32>
        %shift_left3A_832 = arith.constant 16 : i32
        %shift_left3A_833 = vector.broadcast %shift_left3A_832 : i32 to vector<16xi32>
        %shift_left3A_834 = arith.shli %get3A_825, %shift_left3A_833 : vector<16xi32>
        %bitcast_convert_type3A_835 = tpu.bitcast %shift_left3A_834 : vector<16xi32> -> vector<16xf32>
        %and3A_836 = vector.broadcast %scan3A_554 : i32 to vector<16xi32>
        %and3A_837 = arith.andi %get3A_831, %and3A_836 : vector<16xi32>
        %bitcast_convert_type3A_838 = tpu.bitcast %and3A_837 : vector<16xi32> -> vector<16xf32>
        %add3A_839 = arith.addf %bitcast_convert_type3A_835, %bitcast_convert_type3A_838 : vector<16xf32>
        %mul3A_840 = arith.constant 0.00999999977 : f32
        %mul3A_841 = vector.broadcast %mul3A_840 : f32 to vector<16xf32>
        %mul3A_842 = arith.mulf %add3A_839, %mul3A_841 : vector<16xf32>
        %max3A_843 = arith.maximumf %add3A_839, %mul3A_842 : vector<16xf32>
        %add3A_844 = arith.addf %scan3A_671, %max3A_843 : vector<16xf32>
        %get3A_845 = arith.constant 1 : i32
        %get3A_846 = arith.index_cast %get3A_845 : i32 to index
        %get3A_847 = arith.index_cast %add3A_674 : i32 to index
        %get3A_848 = arith.constant 112 : index
        %get3A_849 = tpu.vector_load %arg12[%get3A_846, %get3A_847, %get3A_848] {strides = array<i32>} : memref<2x128x128xi32, #tpu.memory_space<vmem>>, vector<1x1x16xi32>,
        %get3A_850 = vector.shape_cast %get3A_849 : vector<1x1x16xi32> to vector<16xi32>
        %get3A_851 = arith.constant 1 : i32
        %get3A_852 = arith.index_cast %get3A_851 : i32 to index
        %get3A_853 = arith.index_cast %add3A_674 : i32 to index
        %get3A_854 = arith.constant 112 : index
        %get3A_855 = tpu.vector_load %arg13[%get3A_852, %get3A_853, %get3A_854] {strides = array<i32>} : memref<2x128x128xi32, #tpu.memory_space<vmem>>, vector<1x1x16xi32>,
        %get3A_856 = vector.shape_cast %get3A_855 : vector<1x1x16xi32> to vector<16xi32>
        %shift_left3A_857 = arith.constant 16 : i32
        %shift_left3A_858 = vector.broadcast %shift_left3A_857 : i32 to vector<16xi32>
        %shift_left3A_859 = arith.shli %get3A_850, %shift_left3A_858 : vector<16xi32>
        %bitcast_convert_type3A_860 = tpu.bitcast %shift_left3A_859 : vector<16xi32> -> vector<16xf32>
        %and3A_861 = vector.broadcast %scan3A_554 : i32 to vector<16xi32>
        %and3A_862 = arith.andi %get3A_856, %and3A_861 : vector<16xi32>
        %bitcast_convert_type3A_863 = tpu.bitcast %and3A_862 : vector<16xi32> -> vector<16xf32>
        %add3A_864 = arith.addf %bitcast_convert_type3A_860, %bitcast_convert_type3A_863 : vector<16xf32>
        %mul3A_865 = arith.constant 0.00999999977 : f32
        %mul3A_866 = vector.broadcast %mul3A_865 : f32 to vector<16xf32>
        %mul3A_867 = arith.mulf %add3A_864, %mul3A_866 : vector<16xf32>
        %max3A_868 = arith.maximumf %add3A_864, %mul3A_867 : vector<16xf32>
        %add3A_869 = arith.addf %scan3A_672, %max3A_868 : vector<16xf32>
        scf.yield %add3A_694, %add3A_719, %add3A_744, %add3A_769, %add3A_794, %add3A_819, %add3A_844, %add3A_869 : vector<16xf32>, vector<16xf32>, vector<16xf32>, vector<16xf32>, vector<16xf32>, vector<16xf32>, vector<16xf32>, vector<16xf32>
      }
      %scan3A_560 = arith.constant 64 : i32
      %mul3A_561 = arith.constant 1.562500e-02 : f32
      %mul3A_562 = vector.broadcast %mul3A_561 : f32 to vector<16xf32>
      %mul3A_563 = arith.mulf %scan3A_559#0, %mul3A_562 : vector<16xf32>
      %mul3A_564 = arith.constant 2 : i32
      %mul3A_565 = arith.muli %mul3A_564, %add3A_396 : i32
      %add3A_566 = arith.constant 1 : i32
      %add3A_567 = arith.addi %mul3A_565, %add3A_566 : i32
      %swap3A_568 = arith.index_cast %add3A_567 : i32 to index
      %swap3A_569 = arith.constant 0 : index
      %swap3A_570 = tpu.vector_load %arg14[%swap3A_568, %swap3A_569] {strides = array<i32>} : memref<144x128xf32, #tpu.memory_space<vmem>>, vector<1x16xf32>,
      %swap3A_571 = vector.shape_cast %swap3A_570 : vector<1x16xf32> to vector<16xf32>
      %swap3A_572 = vector.shape_cast %mul3A_563 : vector<16xf32> to vector<1x16xf32>
      tpu.vector_store %arg14[%swap3A_568, %swap3A_569], %swap3A_572 {strides = array<i32>} : memref<144x128xf32, #tpu.memory_space<vmem>>, vector<1x16xf32>,
      %mul3A_573 = arith.constant 1.562500e-02 : f32
      %mul3A_574 = vector.broadcast %mul3A_573 : f32 to vector<16xf32>
      %mul3A_575 = arith.mulf %scan3A_559#1, %mul3A_574 : vector<16xf32>
      %mul3A_576 = arith.constant 2 : i32
      %mul3A_577 = arith.muli %mul3A_576, %add3A_396 : i32
      %add3A_578 = arith.constant 1 : i32
      %add3A_579 = arith.addi %mul3A_577, %add3A_578 : i32
      %swap3A_580 = arith.index_cast %add3A_579 : i32 to index
      %swap3A_581 = arith.constant 16 : index
      %swap3A_582 = tpu.vector_load %arg14[%swap3A_580, %swap3A_581] {strides = array<i32>} : memref<144x128xf32, #tpu.memory_space<vmem>>, vector<1x16xf32>,
      %swap3A_583 = vector.shape_cast %swap3A_582 : vector<1x16xf32> to vector<16xf32>
      %swap3A_584 = vector.shape_cast %mul3A_575 : vector<16xf32> to vector<1x16xf32>
      tpu.vector_store %arg14[%swap3A_580, %swap3A_581], %swap3A_584 {strides = array<i32>} : memref<144x128xf32, #tpu.memory_space<vmem>>, vector<1x16xf32>,
      %mul3A_585 = arith.constant 1.562500e-02 : f32
      %mul3A_586 = vector.broadcast %mul3A_585 : f32 to vector<16xf32>
      %mul3A_587 = arith.mulf %scan3A_559#2, %mul3A_586 : vector<16xf32>
      %mul3A_588 = arith.constant 2 : i32
      %mul3A_589 = arith.muli %mul3A_588, %add3A_396 : i32
      %add3A_590 = arith.constant 1 : i32
      %add3A_591 = arith.addi %mul3A_589, %add3A_590 : i32
      %swap3A_592 = arith.index_cast %add3A_591 : i32 to index
      %swap3A_593 = arith.constant 32 : index
      %swap3A_594 = tpu.vector_load %arg14[%swap3A_592, %swap3A_593] {strides = array<i32>} : memref<144x128xf32, #tpu.memory_space<vmem>>, vector<1x16xf32>,
      %swap3A_595 = vector.shape_cast %swap3A_594 : vector<1x16xf32> to vector<16xf32>
      %swap3A_596 = vector.shape_cast %mul3A_587 : vector<16xf32> to vector<1x16xf32>
      tpu.vector_store %arg14[%swap3A_592, %swap3A_593], %swap3A_596 {strides = array<i32>} : memref<144x128xf32, #tpu.memory_space<vmem>>, vector<1x16xf32>,
      %mul3A_597 = arith.constant 1.562500e-02 : f32
      %mul3A_598 = vector.broadcast %mul3A_597 : f32 to vector<16xf32>
      %mul3A_599 = arith.mulf %scan3A_559#3, %mul3A_598 : vector<16xf32>
      %mul3A_600 = arith.constant 2 : i32
      %mul3A_601 = arith.muli %mul3A_600, %add3A_396 : i32
      %add3A_602 = arith.constant 1 : i32
      %add3A_603 = arith.addi %mul3A_601, %add3A_602 : i32
      %swap3A_604 = arith.index_cast %add3A_603 : i32 to index
      %swap3A_605 = arith.constant 48 : index
      %swap3A_606 = tpu.vector_load %arg14[%swap3A_604, %swap3A_605] {strides = array<i32>} : memref<144x128xf32, #tpu.memory_space<vmem>>, vector<1x16xf32>,
      %swap3A_607 = vector.shape_cast %swap3A_606 : vector<1x16xf32> to vector<16xf32>
      %swap3A_608 = vector.shape_cast %mul3A_599 : vector<16xf32> to vector<1x16xf32>
      tpu.vector_store %arg14[%swap3A_604, %swap3A_605], %swap3A_608 {strides = array<i32>} : memref<144x128xf32, #tpu.memory_space<vmem>>, vector<1x16xf32>,
      %mul3A_609 = arith.constant 1.562500e-02 : f32
      %mul3A_610 = vector.broadcast %mul3A_609 : f32 to vector<16xf32>
      %mul3A_611 = arith.mulf %scan3A_559#4, %mul3A_610 : vector<16xf32>
      %mul3A_612 = arith.constant 2 : i32
      %mul3A_613 = arith.muli %mul3A_612, %add3A_396 : i32
      %add3A_614 = arith.constant 1 : i32
      %add3A_615 = arith.addi %mul3A_613, %add3A_614 : i32
      %swap3A_616 = arith.index_cast %add3A_615 : i32 to index
      %swap3A_617 = arith.constant 64 : index
      %swap3A_618 = tpu.vector_load %arg14[%swap3A_616, %swap3A_617] {strides = array<i32>} : memref<144x128xf32, #tpu.memory_space<vmem>>, vector<1x16xf32>,
      %swap3A_619 = vector.shape_cast %swap3A_618 : vector<1x16xf32> to vector<16xf32>
      %swap3A_620 = vector.shape_cast %mul3A_611 : vector<16xf32> to vector<1x16xf32>
      tpu.vector_store %arg14[%swap3A_616, %swap3A_617], %swap3A_620 {strides = array<i32>} : memref<144x128xf32, #tpu.memory_space<vmem>>, vector<1x16xf32>,
      %mul3A_621 = arith.constant 1.562500e-02 : f32
      %mul3A_622 = vector.broadcast %mul3A_621 : f32 to vector<16xf32>
      %mul3A_623 = arith.mulf %scan3A_559#5, %mul3A_622 : vector<16xf32>
      %mul3A_624 = arith.constant 2 : i32
      %mul3A_625 = arith.muli %mul3A_624, %add3A_396 : i32
      %add3A_626 = arith.constant 1 : i32
      %add3A_627 = arith.addi %mul3A_625, %add3A_626 : i32
      %swap3A_628 = arith.index_cast %add3A_627 : i32 to index
      %swap3A_629 = arith.constant 80 : index
      %swap3A_630 = tpu.vector_load %arg14[%swap3A_628, %swap3A_629] {strides = array<i32>} : memref<144x128xf32, #tpu.memory_space<vmem>>, vector<1x16xf32>,
      %swap3A_631 = vector.shape_cast %swap3A_630 : vector<1x16xf32> to vector<16xf32>
      %swap3A_632 = vector.shape_cast %mul3A_623 : vector<16xf32> to vector<1x16xf32>
      tpu.vector_store %arg14[%swap3A_628, %swap3A_629], %swap3A_632 {strides = array<i32>} : memref<144x128xf32, #tpu.memory_space<vmem>>, vector<1x16xf32>,
      %mul3A_633 = arith.constant 1.562500e-02 : f32
      %mul3A_634 = vector.broadcast %mul3A_633 : f32 to vector<16xf32>
      %mul3A_635 = arith.mulf %scan3A_559#6, %mul3A_634 : vector<16xf32>
      %mul3A_636 = arith.constant 2 : i32
      %mul3A_637 = arith.muli %mul3A_636, %add3A_396 : i32
      %add3A_638 = arith.constant 1 : i32
      %add3A_639 = arith.addi %mul3A_637, %add3A_638 : i32
      %swap3A_640 = arith.index_cast %add3A_639 : i32 to index
      %swap3A_641 = arith.constant 96 : index
      %swap3A_642 = tpu.vector_load %arg14[%swap3A_640, %swap3A_641] {strides = array<i32>} : memref<144x128xf32, #tpu.memory_space<vmem>>, vector<1x16xf32>,
      %swap3A_643 = vector.shape_cast %swap3A_642 : vector<1x16xf32> to vector<16xf32>
      %swap3A_644 = vector.shape_cast %mul3A_635 : vector<16xf32> to vector<1x16xf32>
      tpu.vector_store %arg14[%swap3A_640, %swap3A_641], %swap3A_644 {strides = array<i32>} : memref<144x128xf32, #tpu.memory_space<vmem>>, vector<1x16xf32>,
      %mul3A_645 = arith.constant 1.562500e-02 : f32
      %mul3A_646 = vector.broadcast %mul3A_645 : f32 to vector<16xf32>
      %mul3A_647 = arith.mulf %scan3A_559#7, %mul3A_646 : vector<16xf32>
      %mul3A_648 = arith.constant 2 : i32
      %mul3A_649 = arith.muli %mul3A_648, %add3A_396 : i32
      %add3A_650 = arith.constant 1 : i32
      %add3A_651 = arith.addi %mul3A_649, %add3A_650 : i32
      %swap3A_652 = arith.index_cast %add3A_651 : i32 to index
      %swap3A_653 = arith.constant 112 : index
      %swap3A_654 = tpu.vector_load %arg14[%swap3A_652, %swap3A_653] {strides = array<i32>} : memref<144x128xf32, #tpu.memory_space<vmem>>, vector<1x16xf32>,
      %swap3A_655 = vector.shape_cast %swap3A_654 : vector<1x16xf32> to vector<16xf32>
      %swap3A_656 = vector.shape_cast %mul3A_647 : vector<16xf32> to vector<1x16xf32>
      tpu.vector_store %arg14[%swap3A_652, %swap3A_653], %swap3A_656 {strides = array<i32>} : memref<144x128xf32, #tpu.memory_space<vmem>>, vector<1x16xf32>,
      %add3A_657 = arith.constant 2 : i32
      %add3A_658 = arith.addi %add3A_396, %add3A_657 : i32
      %lt3A_659 = arith.constant 72 : i32
      %lt3A_660 = arith.cmpi slt, %add3A_658, %lt3A_659 : i32
      %convert_element_type3A_661 = arith.extui %lt3A_660 : i1 to i32
      %cond3A_662 = arith.constant 0 : i32
      %cond3A_663 = arith.cmpi ne, %convert_element_type3A_661, %cond3A_662 : i32
      scf.if %cond3A_663 {
        %dma_start3A_664 = arith.constant 1 : i32
        %dma_start3A_665 = arith.constant 0 : i32
        %dma_start3A_666 = arith.constant 0 : i32
        %dma_start3A_667 = tpu.memref_slice %arg12[%dma_start3A_664, %dma_start3A_665, %dma_start3A_666] : memref<2x128x128xi32, #tpu.memory_space<vmem>> -> memref<1x128x128xi32, #tpu.memory_space<vmem>>
        %dma_start3A_668 = tpu.memref_squeeze %dma_start3A_667 : memref<1x128x128xi32, #tpu.memory_space<vmem>> -> memref<128x128xi32, #tpu.memory_space<vmem>>
        %dma_start3A_669 = arith.constant 0 : i32
        %dma_start3A_670 = tpu.memref_slice %arg9[%add3A_658, %dma_start3A_669] : memref<72x128xi32, #tpu.memory_space<vmem>> -> memref<1x128xi32, #tpu.memory_space<vmem>>
        %dma_start3A_671 = tpu.memref_squeeze %dma_start3A_670 : memref<1x128xi32, #tpu.memory_space<vmem>> -> memref<128xi32, #tpu.memory_space<vmem>>
        %dma_start3A_672 = arith.constant 0 : i32
        %dma_start3A_673 = arith.constant 0 : i32
        %dma_start3A_674 = tpu.memref_slice %arg2[%dma_start3A_672, %dma_start3A_673] : memref<100001x128xi32, #tpu.memory_space<hbm>> -> memref<100001x128xi32, #tpu.memory_space<hbm>>
        tpu.enqueue_indirect_dma source(%dma_start3A_674 : memref<100001x128xi32, #tpu.memory_space<hbm>>) target(%dma_start3A_668 : memref<128x128xi32, #tpu.memory_space<vmem>>) offsets(%dma_start3A_671 : memref<128xi32, #tpu.memory_space<vmem>>) semaphore(%arg17 : memref<!tpu.dma_semaphore, #tpu.memory_space<semaphore_mem>>)
        %dma_start3A_675 = arith.constant 1 : i32
        %dma_start3A_676 = arith.constant 0 : i32
        %dma_start3A_677 = arith.constant 0 : i32
        %dma_start3A_678 = tpu.memref_slice %arg13[%dma_start3A_675, %dma_start3A_676, %dma_start3A_677] : memref<2x128x128xi32, #tpu.memory_space<vmem>> -> memref<1x128x128xi32, #tpu.memory_space<vmem>>
        %dma_start3A_679 = tpu.memref_squeeze %dma_start3A_678 : memref<1x128x128xi32, #tpu.memory_space<vmem>> -> memref<128x128xi32, #tpu.memory_space<vmem>>
        %dma_start3A_680 = arith.constant 0 : i32
        %dma_start3A_681 = tpu.memref_slice %arg10[%add3A_658, %dma_start3A_680] : memref<72x128xi32, #tpu.memory_space<vmem>> -> memref<1x128xi32, #tpu.memory_space<vmem>>
        %dma_start3A_682 = tpu.memref_squeeze %dma_start3A_681 : memref<1x128xi32, #tpu.memory_space<vmem>> -> memref<128xi32, #tpu.memory_space<vmem>>
        %dma_start3A_683 = arith.constant 0 : i32
        %dma_start3A_684 = arith.constant 0 : i32
        %dma_start3A_685 = tpu.memref_slice %arg2[%dma_start3A_683, %dma_start3A_684] : memref<100001x128xi32, #tpu.memory_space<hbm>> -> memref<100001x128xi32, #tpu.memory_space<hbm>>
        tpu.enqueue_indirect_dma source(%dma_start3A_685 : memref<100001x128xi32, #tpu.memory_space<hbm>>) target(%dma_start3A_679 : memref<128x128xi32, #tpu.memory_space<vmem>>) offsets(%dma_start3A_682 : memref<128xi32, #tpu.memory_space<vmem>>) semaphore(%arg17 : memref<!tpu.dma_semaphore, #tpu.memory_space<semaphore_mem>>)
      } else {
      }
    }
    %scan3A_123 = arith.constant 36 : i32
    %mul3A_124 = arith.constant 144 : i32
    %mul3A_125 = arith.muli %add3A, %mul3A_124 : i32
    "tpu.region"() ({
      %run_scoped3A = tpu.sem_alloc : memref<!tpu.dma_semaphore, #tpu.memory_space<semaphore_mem>>
      %dma_start3A_126 = arith.constant 0 : i32
      %dma_start3A_127 = tpu.memref_slice %arg7[%mul3A_125, %dma_start3A_126] : memref<4608x128xf32, #tpu.memory_space<hbm>> -> memref<144x128xf32, #tpu.memory_space<hbm>>
      %dma_start3A_128 = arith.constant 0 : i32
      %dma_start3A_129 = tpu.memref_slice %arg7[%mul3A_125, %dma_start3A_128] : memref<4608x128xf32, #tpu.memory_space<hbm>> -> memref<144x128xf32, #tpu.memory_space<hbm>>
      tpu.enqueue_dma source(%arg14 : memref<144x128xf32, #tpu.memory_space<vmem>>) target(%dma_start3A_129 : memref<144x128xf32, #tpu.memory_space<hbm>>) target_semaphore(%run_scoped3A : memref<!tpu.dma_semaphore, #tpu.memory_space<semaphore_mem>>)
      %dma_wait3A_130 = arith.constant 0 : i32
      %dma_wait3A_131 = tpu.memref_slice %arg7[%mul3A_125, %dma_wait3A_130] : memref<4608x128xf32, #tpu.memory_space<hbm>> -> memref<144x128xf32, #tpu.memory_space<hbm>>
      %dma_wait3A_132 = arith.constant 0 : i32
      %dma_wait3A_133 = tpu.memref_slice %arg7[%mul3A_125, %dma_wait3A_132] : memref<4608x128xf32, #tpu.memory_space<hbm>> -> memref<144x128xf32, #tpu.memory_space<hbm>>
      tpu.wait_dma2 semaphore(%run_scoped3A : memref<!tpu.dma_semaphore, #tpu.memory_space<semaphore_mem>>) src(%arg14 : memref<144x128xf32, #tpu.memory_space<vmem>>) dst(%dma_wait3A_133 : memref<144x128xf32, #tpu.memory_space<hbm>>)
      tpu.yield
    }) : () -> ()
    return
  }
}

module attributes {stable_mosaic.version = 14 : i64} {
  func.func @_tables_body(%arg0: i32, %arg1: memref<16384x128xf32, #tpu.memory_space<vmem>>, %arg2: memref<128x256xf32, #tpu.memory_space<vmem>>, %arg3: memref<1x128xf32, #tpu.memory_space<vmem>>, %arg4: memref<16384x128xi32, #tpu.memory_space<vmem>>) attributes {dimension_semantics = [#tpu.dimension_semantics<arbitrary>], iteration_bounds = array<i64: 7>, scalar_prefetch = 0 : i64, scratch_operands = 0 : i64, tpu.core_type = #tpu.core_type<tc>, window_params = [{transform_indices = @transform_0, window_bounds = array<i64: 16384, 128>}, {pipeline_mode = #tpu.pipeline_mode<synchronous>, transform_indices = @transform_1, window_bounds = array<i64: 128, 256>}, {pipeline_mode = #tpu.pipeline_mode<synchronous>, transform_indices = @transform_2, window_bounds = array<i64: 1, 128>}, {transform_indices = @transform_3, window_bounds = array<i64: 16384, 128>}]} {
    %get3A = arith.constant 0 : index
    %get3A_0 = arith.constant 0 : index
    %get3A_1 = vector.load %arg1[%get3A, %get3A_0] : memref<16384x128xf32, #tpu.memory_space<vmem>>, vector<16384x128xf32>
    %convert_element_type3A = arith.truncf %get3A_1 : vector<16384x128xf32> to vector<16384x128xbf16>
    %get3A_2 = arith.constant 0 : index
    %get3A_3 = arith.constant 0 : index
    %get3A_4 = vector.load %arg2[%get3A_2, %get3A_3] : memref<128x256xf32, #tpu.memory_space<vmem>>, vector<128x256xf32>
    %convert_element_type3A_5 = arith.truncf %get3A_4 : vector<128x256xf32> to vector<128x256xbf16>
    %slice3A = vector.extract_strided_slice %convert_element_type3A_5 {offsets = [0, 0], sizes = [128, 128], strides = [1, 1]} : vector<128x256xbf16> to vector<128x128xbf16>
    %dot_general3A = arith.constant dense<0.000000e+00> : vector<16384x128xf32>
    %dot_general3A_6 = tpu.matmul %convert_element_type3A, %slice3A, %dot_general3A {dimension_numbers = #tpu.dot_dimension_numbers<[1], [1], [0], [0], [0, 0, 1, 0], [], []>, transpose_lhs_hint = false} : vector<16384x128xbf16>, vector<128x128xbf16>, vector<16384x128xf32> -> vector<16384x128xf32>
    %slice3A_7 = vector.extract_strided_slice %convert_element_type3A_5 {offsets = [0, 128], sizes = [128, 128], strides = [1, 1]} : vector<128x256xbf16> to vector<128x128xbf16>
    %dot_general3A_8 = arith.constant dense<0.000000e+00> : vector<16384x128xf32>
    %dot_general3A_9 = tpu.matmul %convert_element_type3A, %slice3A_7, %dot_general3A_8 {dimension_numbers = #tpu.dot_dimension_numbers<[1], [1], [0], [0], [0, 0, 1, 0], [], []>, transpose_lhs_hint = false} : vector<16384x128xbf16>, vector<128x128xbf16>, vector<16384x128xf32> -> vector<16384x128xf32>
    %get3A_10 = arith.constant 0 : index
    %get3A_11 = arith.constant 0 : index
    %get3A_12 = vector.load %arg3[%get3A_10, %get3A_11] : memref<1x128xf32, #tpu.memory_space<vmem>>, vector<1x128xf32>
    %add3A = vector.broadcast %get3A_12 : vector<1x128xf32> to vector<16384x128xf32>
    %add3A_13 = arith.addf %dot_general3A_9, %add3A : vector<16384x128xf32>
    %convert_element_type3A_14 = arith.truncf %dot_general3A_6 : vector<16384x128xf32> to vector<16384x128xbf16>
    %bitcast_convert_type3A = tpu.bitcast %convert_element_type3A_14 : vector<16384x128xbf16> -> vector<16384x128xi16>
    %convert_element_type3A_15 = arith.extsi %bitcast_convert_type3A : vector<16384x128xi16> to vector<16384x128xi32>
    %and3A = arith.constant 65535 : i32
    %and3A_16 = vector.broadcast %and3A : i32 to vector<16384x128xi32>
    %and3A_17 = arith.andi %convert_element_type3A_15, %and3A_16 : vector<16384x128xi32>
    %convert_element_type3A_18 = arith.truncf %add3A_13 : vector<16384x128xf32> to vector<16384x128xbf16>
    %bitcast_convert_type3A_19 = tpu.bitcast %convert_element_type3A_18 : vector<16384x128xbf16> -> vector<16384x128xi16>
    %convert_element_type3A_20 = arith.extsi %bitcast_convert_type3A_19 : vector<16384x128xi16> to vector<16384x128xi32>
    %and3A_21 = arith.constant 65535 : i32
    %and3A_22 = vector.broadcast %and3A_21 : i32 to vector<16384x128xi32>
    %and3A_23 = arith.andi %convert_element_type3A_20, %and3A_22 : vector<16384x128xi32>
    %shift_left3A = arith.constant 16 : i32
    %shift_left3A_24 = vector.broadcast %shift_left3A : i32 to vector<16384x128xi32>
    %shift_left3A_25 = arith.shli %and3A_23, %shift_left3A_24 : vector<16384x128xi32>
    %or3A = arith.ori %and3A_17, %shift_left3A_25 : vector<16384x128xi32>
    %swap3A = arith.constant 0 : index
    %swap3A_26 = arith.constant 0 : index
    %swap3A_27 = vector.load %arg4[%swap3A, %swap3A_26] : memref<16384x128xi32, #tpu.memory_space<vmem>>, vector<16384x128xi32>
    tpu.vector_store %arg4[%swap3A, %swap3A_26], %or3A {strides = array<i32>} : memref<16384x128xi32, #tpu.memory_space<vmem>>, vector<16384x128xi32>,
    return
  }
  func.func @transform_0(%arg0: i32) -> (i32, i32) {
    %c0_i32 = arith.constant 0 : i32
    %c0_i32_0 = arith.constant 0 : i32
    return %arg0, %c0_i32 : i32, i32
  }
  func.func @transform_1(%arg0: i32) -> (i32, i32) {
    %c0_i32 = arith.constant 0 : i32
    %c0_i32_0 = arith.constant 0 : i32
    %c0_i32_1 = arith.constant 0 : i32
    return %c0_i32, %c0_i32_0 : i32, i32
  }
  func.func @transform_2(%arg0: i32) -> (i32, i32) {
    %c0_i32 = arith.constant 0 : i32
    %c0_i32_0 = arith.constant 0 : i32
    %c0_i32_1 = arith.constant 0 : i32
    return %c0_i32, %c0_i32_0 : i32, i32
  }
  func.func @transform_3(%arg0: i32) -> (i32, i32) {
    %c0_i32 = arith.constant 0 : i32
    %c0_i32_0 = arith.constant 0 : i32
    return %arg0, %c0_i32 : i32, i32
  }
}

module attributes {stable_mosaic.version = 14 : i64} {
  func.func @_enc_body(%arg0: memref<4608x128xf32, #tpu.memory_space<vmem>>, %arg1: memref<4608x128xf32, #tpu.memory_space<vmem>>, %arg2: memref<1x128xf32, #tpu.memory_space<vmem>>, %arg3: memref<1x1xf32, #tpu.memory_space<vmem>>, %arg4: memref<512x256xf32, #tpu.memory_space<vmem>>, %arg5: memref<1x512xf32, #tpu.memory_space<vmem>>, %arg6: memref<256x512xf32, #tpu.memory_space<vmem>>, %arg7: memref<1x256xf32, #tpu.memory_space<vmem>>, %arg8: memref<1x256xf32, #tpu.memory_space<vmem>>, %arg9: memref<1x256xf32, #tpu.memory_space<vmem>>, %arg10: memref<2048x256xf32, #tpu.memory_space<vmem>>, %arg11: memref<1x256xf32, #tpu.memory_space<vmem>>) attributes {dimension_semantics = [], scalar_prefetch = 0 : i64, scratch_operands = 0 : i64, tpu.core_type = #tpu.core_type<tc>} {
    %get3A = arith.constant 0 : index
    %get3A_0 = arith.constant 0 : index
    %get3A_1 = vector.load %arg0[%get3A, %get3A_0] : memref<4608x128xf32, #tpu.memory_space<vmem>>, vector<4608x128xf32>
    %get3A_2 = arith.constant 0 : index
    %get3A_3 = arith.constant 0 : index
    %get3A_4 = vector.load %arg1[%get3A_2, %get3A_3] : memref<4608x128xf32, #tpu.memory_space<vmem>>, vector<4608x128xf32>
    %get3A_5 = arith.constant 0 : index
    %get3A_6 = arith.constant 0 : index
    %get3A_7 = vector.load %arg2[%get3A_5, %get3A_6] : memref<1x128xf32, #tpu.memory_space<vmem>>, vector<1x128xf32>
    %mul3A = vector.broadcast %get3A_7 : vector<1x128xf32> to vector<4608x128xf32>
    %mul3A_8 = arith.mulf %get3A_1, %mul3A : vector<4608x128xf32>
    %reduce_sum3A = arith.constant dense<0.000000e+00> : vector<4608xf32>
    %reduce_sum3A_9 = vector.multi_reduction <add>, %mul3A_8, %reduce_sum3A [1] : vector<4608x128xf32> to vector<4608xf32>
    %broadcast_in_dim3A = vector.shape_cast %reduce_sum3A_9 : vector<4608xf32> to vector<4608x1xf32>
    %get3A_10 = arith.constant 0 : index
    %get3A_11 = arith.constant 0 : index
    %get3A_12 = vector.load %arg3[%get3A_10, %get3A_11] : memref<1x1xf32, #tpu.memory_space<vmem>>, vector<1x1xf32>
    %get3A_13 = vector.extract %get3A_12[0, 0] : f32 from vector<1x1xf32>
    %add3A = vector.broadcast %get3A_13 : f32 to vector<4608x1xf32>
    %add3A_14 = arith.addf %broadcast_in_dim3A, %add3A : vector<4608x1xf32>
    %logistic3A = arith.negf %add3A_14 : vector<4608x1xf32>
    %logistic3A_15 = math.exp %logistic3A : vector<4608x1xf32>
    %logistic3A_16 = arith.constant 1.000000e+00 : f32
    %logistic3A_17 = vector.broadcast %logistic3A_16 : f32 to vector<4608x1xf32>
    %logistic3A_18 = arith.addf %logistic3A_17, %logistic3A_15 : vector<4608x1xf32>
    %logistic3A_19 = arith.divf %logistic3A_17, %logistic3A_18 : vector<4608x1xf32>
    %mul3A_20 = vector.broadcast %logistic3A_19 : vector<4608x1xf32> to vector<4608x128xf32>
    %mul3A_21 = arith.mulf %mul3A_20, %get3A_1 : vector<4608x128xf32>
    %sub3A = arith.constant 1.000000e+00 : f32
    %sub3A_22 = vector.broadcast %sub3A : f32 to vector<4608x1xf32>
    %sub3A_23 = arith.subf %sub3A_22, %logistic3A_19 : vector<4608x1xf32>
    %mul3A_24 = vector.broadcast %sub3A_23 : vector<4608x1xf32> to vector<4608x128xf32>
    %mul3A_25 = arith.mulf %mul3A_24, %get3A_4 : vector<4608x128xf32>
    %add3A_26 = arith.addf %mul3A_21, %mul3A_25 : vector<4608x128xf32>
    %tanh3A = math.tanh %add3A_26 : vector<4608x128xf32>
    %slice3A = vector.extract_strided_slice %tanh3A {offsets = [0, 0], sizes = [2048, 128], strides = [1, 1]} : vector<4608x128xf32> to vector<2048x128xf32>
    %slice3A_27 = vector.extract_strided_slice %tanh3A {offsets = [2048, 0], sizes = [2048, 128], strides = [1, 1]} : vector<4608x128xf32> to vector<2048x128xf32>
    %concatenate3A = tpu.concatenate %slice3A, %slice3A_27 in 1 : vector<2048x128xf32>, vector<2048x128xf32> -> vector<2048x256xf32>
    %slice3A_28 = vector.extract_strided_slice %tanh3A {offsets = [4096, 0], sizes = [256, 128], strides = [1, 1]} : vector<4608x128xf32> to vector<256x128xf32>
    %slice3A_29 = vector.extract_strided_slice %tanh3A {offsets = [4352, 0], sizes = [256, 128], strides = [1, 1]} : vector<4608x128xf32> to vector<256x128xf32>
    %concatenate3A_30 = tpu.concatenate %slice3A_28, %slice3A_29 in 1 : vector<256x128xf32>, vector<256x128xf32> -> vector<256x256xf32>
    %concatenate3A_31 = tpu.concatenate %concatenate3A, %concatenate3A_30 in 0 : vector<2048x256xf32>, vector<256x256xf32> -> vector<2304x256xf32>
    %convert_element_type3A = arith.truncf %concatenate3A_31 : vector<2304x256xf32> to vector<2304x256xbf16>
    %get3A_32 = arith.constant 0 : index
    %get3A_33 = arith.constant 0 : index
    %get3A_34 = vector.load %arg4[%get3A_32, %get3A_33] : memref<512x256xf32, #tpu.memory_space<vmem>>, vector<512x256xf32>
    %convert_element_type3A_35 = arith.truncf %get3A_34 : vector<512x256xf32> to vector<512x256xbf16>
    %dot_general3A = arith.constant dense<0.000000e+00> : vector<2304x512xf32>
    %dot_general3A_36 = tpu.matmul %convert_element_type3A, %convert_element_type3A_35, %dot_general3A {dimension_numbers = #tpu.dot_dimension_numbers<[1], [1], [0], [0], [0, 0, 1, 0], [], []>, transpose_lhs_hint = false} : vector<2304x256xbf16>, vector<512x256xbf16>, vector<2304x512xf32> -> vector<2304x512xf32>
    %get3A_37 = arith.constant 0 : index
    %get3A_38 = arith.constant 0 : index
    %get3A_39 = vector.load %arg5[%get3A_37, %get3A_38] : memref<1x512xf32, #tpu.memory_space<vmem>>, vector<1x512xf32>
    %add3A_40 = vector.broadcast %get3A_39 : vector<1x512xf32> to vector<2304x512xf32>
    %add3A_41 = arith.addf %dot_general3A_36, %add3A_40 : vector<2304x512xf32>
    %max3A = arith.constant 0.000000e+00 : f32
    %max3A_42 = vector.broadcast %max3A : f32 to vector<2304x512xf32>
    %max3A_43 = arith.maximumf %add3A_41, %max3A_42 : vector<2304x512xf32>
    %convert_element_type3A_44 = arith.truncf %max3A_43 : vector<2304x512xf32> to vector<2304x512xbf16>
    %get3A_45 = arith.constant 0 : index
    %get3A_46 = arith.constant 0 : index
    %get3A_47 = vector.load %arg6[%get3A_45, %get3A_46] : memref<256x512xf32, #tpu.memory_space<vmem>>, vector<256x512xf32>
    %convert_element_type3A_48 = arith.truncf %get3A_47 : vector<256x512xf32> to vector<256x512xbf16>
    %dot_general3A_49 = arith.constant dense<0.000000e+00> : vector<2304x256xf32>
    %dot_general3A_50 = tpu.matmul %convert_element_type3A_44, %convert_element_type3A_48, %dot_general3A_49 {dimension_numbers = #tpu.dot_dimension_numbers<[1], [1], [0], [0], [0, 0, 1, 0], [], []>, transpose_lhs_hint = false} : vector<2304x512xbf16>, vector<256x512xbf16>, vector<2304x256xf32> -> vector<2304x256xf32>
    %get3A_51 = arith.constant 0 : index
    %get3A_52 = arith.constant 0 : index
    %get3A_53 = vector.load %arg7[%get3A_51, %get3A_52] : memref<1x256xf32, #tpu.memory_space<vmem>>, vector<1x256xf32>
    %add3A_54 = vector.broadcast %get3A_53 : vector<1x256xf32> to vector<2304x256xf32>
    %add3A_55 = arith.addf %dot_general3A_50, %add3A_54 : vector<2304x256xf32>
    %add3A_56 = arith.addf %add3A_55, %concatenate3A_31 : vector<2304x256xf32>
    %reduce_sum3A_57 = arith.constant dense<0.000000e+00> : vector<2304xf32>
    %reduce_sum3A_58 = vector.multi_reduction <add>, %add3A_56, %reduce_sum3A_57 [1] : vector<2304x256xf32> to vector<2304xf32>
    %broadcast_in_dim3A_59 = vector.shape_cast %reduce_sum3A_58 : vector<2304xf32> to vector<2304x1xf32>
    %div3A = arith.constant 2.560000e+02 : f32
    %div3A_60 = vector.broadcast %div3A : f32 to vector<2304x1xf32>
    %div3A_61 = arith.divf %broadcast_in_dim3A_59, %div3A_60 : vector<2304x1xf32>
    %sub3A_62 = vector.broadcast %div3A_61 : vector<2304x1xf32> to vector<2304x256xf32>
    %sub3A_63 = arith.subf %add3A_56, %sub3A_62 : vector<2304x256xf32>
    %mul3A_64 = arith.mulf %sub3A_63, %sub3A_63 : vector<2304x256xf32>
    %reduce_sum3A_65 = arith.constant dense<0.000000e+00> : vector<2304xf32>
    %reduce_sum3A_66 = vector.multi_reduction <add>, %mul3A_64, %reduce_sum3A_65 [1] : vector<2304x256xf32> to vector<2304xf32>
    %broadcast_in_dim3A_67 = vector.shape_cast %reduce_sum3A_66 : vector<2304xf32> to vector<2304x1xf32>
    %mul3A_68 = arith.constant 0.00392156886 : f32
    %mul3A_69 = vector.broadcast %mul3A_68 : f32 to vector<2304x1xf32>
    %mul3A_70 = arith.mulf %broadcast_in_dim3A_67, %mul3A_69 : vector<2304x1xf32>
    %sqrt3A = math.sqrt %mul3A_70 : vector<2304x1xf32>
    %add3A_71 = arith.constant 9.99999997E-7 : f32
    %add3A_72 = vector.broadcast %add3A_71 : f32 to vector<2304x1xf32>
    %add3A_73 = arith.addf %sqrt3A, %add3A_72 : vector<2304x1xf32>
    %div3A_74 = vector.broadcast %add3A_73 : vector<2304x1xf32> to vector<2304x256xf32>
    %div3A_75 = arith.divf %sub3A_63, %div3A_74 : vector<2304x256xf32>
    %get3A_76 = arith.constant 0 : index
    %get3A_77 = arith.constant 0 : index
    %get3A_78 = vector.load %arg8[%get3A_76, %get3A_77] : memref<1x256xf32, #tpu.memory_space<vmem>>, vector<1x256xf32>
    %mul3A_79 = vector.broadcast %get3A_78 : vector<1x256xf32> to vector<2304x256xf32>
    %mul3A_80 = arith.mulf %div3A_75, %mul3A_79 : vector<2304x256xf32>
    %get3A_81 = arith.constant 0 : index
    %get3A_82 = arith.constant 0 : index
    %get3A_83 = vector.load %arg9[%get3A_81, %get3A_82] : memref<1x256xf32, #tpu.memory_space<vmem>>, vector<1x256xf32>
    %add3A_84 = vector.broadcast %get3A_83 : vector<1x256xf32> to vector<2304x256xf32>
    %add3A_85 = arith.addf %mul3A_80, %add3A_84 : vector<2304x256xf32>
    %slice3A_86 = vector.extract_strided_slice %add3A_85 {offsets = [0, 0], sizes = [2048, 256], strides = [1, 1]} : vector<2304x256xf32> to vector<2048x256xf32>
    %swap3A = arith.constant 0 : index
    %swap3A_87 = arith.constant 0 : index
    %swap3A_88 = vector.load %arg10[%swap3A, %swap3A_87] : memref<2048x256xf32, #tpu.memory_space<vmem>>, vector<2048x256xf32>
    tpu.vector_store %arg10[%swap3A, %swap3A_87], %slice3A_86 {strides = array<i32>} : memref<2048x256xf32, #tpu.memory_space<vmem>>, vector<2048x256xf32>,
    %slice3A_89 = vector.extract_strided_slice %add3A_85 {offsets = [2048, 0], sizes = [256, 256], strides = [1, 1]} : vector<2304x256xf32> to vector<256x256xf32>
    %reduce_sum3A_90 = arith.constant dense<0.000000e+00> : vector<256xf32>
    %reduce_sum3A_91 = vector.multi_reduction <add>, %slice3A_89, %reduce_sum3A_90 [0] : vector<256x256xf32> to vector<256xf32>
    %broadcast_in_dim3A_92 = vector.shape_cast %reduce_sum3A_91 : vector<256xf32> to vector<1x256xf32>
    %div3A_93 = arith.constant 2.560000e+02 : f32
    %div3A_94 = vector.broadcast %div3A_93 : f32 to vector<1x256xf32>
    %div3A_95 = arith.divf %broadcast_in_dim3A_92, %div3A_94 : vector<1x256xf32>
    %swap3A_96 = arith.constant 0 : index
    %swap3A_97 = arith.constant 0 : index
    %swap3A_98 = vector.load %arg11[%swap3A_96, %swap3A_97] : memref<1x256xf32, #tpu.memory_space<vmem>>, vector<1x256xf32>
    tpu.vector_store %arg11[%swap3A_96, %swap3A_97], %div3A_95 {strides = array<i32>} : memref<1x256xf32, #tpu.memory_space<vmem>>, vector<1x256xf32>,
    return
  }
}

module attributes {stable_mosaic.version = 14 : i64} {
  func.func @_lstm_body(%arg0: i32, %arg1: memref<2048x256xf32, #tpu.memory_space<vmem>>, %arg2: memref<1x256xf32, #tpu.memory_space<vmem>>, %arg3: memref<1024x256xbf16, #tpu.memory_space<vmem>>, %arg4: memref<1024x256xbf16, #tpu.memory_space<vmem>>, %arg5: memref<1024x256xf32, #tpu.memory_space<vmem>>, %arg6: memref<1x1024xf32, #tpu.memory_space<vmem>>, %arg7: memref<1x1x2048xf32, #tpu.memory_space<vmem>>) attributes {dimension_semantics = [#tpu.dimension_semantics<arbitrary>], iteration_bounds = array<i64: 1>, scalar_prefetch = 0 : i64, scratch_operands = 0 : i64, tpu.core_type = #tpu.core_type<tc>, window_params = [{transform_indices = @transform_0, window_bounds = array<i64: 2048, 256>}, {pipeline_mode = #tpu.pipeline_mode<synchronous>, transform_indices = @transform_1, window_bounds = array<i64: 1, 256>}, {pipeline_mode = #tpu.pipeline_mode<synchronous>, transform_indices = @transform_2, window_bounds = array<i64: 1024, 256>}, {pipeline_mode = #tpu.pipeline_mode<synchronous>, transform_indices = @transform_3, window_bounds = array<i64: 1024, 256>}, {pipeline_mode = #tpu.pipeline_mode<synchronous>, transform_indices = @transform_4, window_bounds = array<i64: 1024, 256>}, {pipeline_mode = #tpu.pipeline_mode<synchronous>, transform_indices = @transform_5, window_bounds = array<i64: 1, 1024>}, {transform_indices = @transform_6, window_bounds = array<i64: 1, 1, 2048>}]} {
    %get3A = arith.constant 0 : index
    %get3A_0 = arith.constant 0 : index
    %get3A_1 = vector.load %arg1[%get3A, %get3A_0] : memref<2048x256xf32, #tpu.memory_space<vmem>>, vector<2048x256xf32>
    %get3A_2 = arith.constant 0 : index
    %get3A_3 = arith.constant 0 : index
    %get3A_4 = vector.load %arg2[%get3A_2, %get3A_3] : memref<1x256xf32, #tpu.memory_space<vmem>>, vector<1x256xf32>
    %convert_element_type3A = arith.truncf %get3A_1 : vector<2048x256xf32> to vector<2048x256xbf16>
    %get3A_5 = arith.constant 0 : index
    %get3A_6 = arith.constant 0 : index
    %get3A_7 = vector.load %arg3[%get3A_5, %get3A_6] : memref<1024x256xbf16, #tpu.memory_space<vmem>>, vector<1024x256xbf16>
    %dot_general3A = arith.constant dense<0.000000e+00> : vector<2048x1024xf32>
    %dot_general3A_8 = tpu.matmul %convert_element_type3A, %get3A_7, %dot_general3A {dimension_numbers = #tpu.dot_dimension_numbers<[1], [1], [0], [0], [0, 0, 1, 0], [], []>, transpose_lhs_hint = false} : vector<2048x256xbf16>, vector<1024x256xbf16>, vector<2048x1024xf32> -> vector<2048x1024xf32>
    %get3A_9 = arith.constant 0 : index
    %get3A_10 = arith.constant 0 : index
    %get3A_11 = vector.load %arg6[%get3A_9, %get3A_10] : memref<1x1024xf32, #tpu.memory_space<vmem>>, vector<1x1024xf32>
    %add3A = vector.broadcast %get3A_11 : vector<1x1024xf32> to vector<2048x1024xf32>
    %add3A_12 = arith.addf %dot_general3A_8, %add3A : vector<2048x1024xf32>
    %get3A_13 = arith.constant 0 : index
    %get3A_14 = arith.constant 0 : index
    %get3A_15 = vector.load %arg5[%get3A_13, %get3A_14] : memref<1024x256xf32, #tpu.memory_space<vmem>>, vector<1024x256xf32>
    %dot_general3A_16 = arith.constant dense<0.000000e+00> : vector<1x1024xf32>
    %dot_general3A_17 = tpu.matmul %get3A_4, %get3A_15, %dot_general3A_16 {dimension_numbers = #tpu.dot_dimension_numbers<[1], [1], [0], [0], [0, 0, 1, 0], [], []>, transpose_lhs_hint = false} : vector<1x256xf32>, vector<1024x256xf32>, vector<1x1024xf32> -> vector<1x1024xf32>
    %get3A_18 = arith.constant 0 : index
    %get3A_19 = arith.constant 0 : index
    %get3A_20 = vector.load %arg4[%get3A_18, %get3A_19] : memref<1024x256xbf16, #tpu.memory_space<vmem>>, vector<1024x256xbf16>
    %broadcast_in_dim3A = arith.constant 0.000000e+00 : f32
    %broadcast_in_dim3A_21 = vector.broadcast %broadcast_in_dim3A : f32 to vector<2048x256xf32>
    %slice3A = vector.extract_strided_slice %add3A_12 {offsets = [0, 0], sizes = [2048, 256], strides = [1, 1]} : vector<2048x1024xf32> to vector<2048x256xf32>
    %logistic3A = arith.negf %slice3A : vector<2048x256xf32>
    %logistic3A_22 = math.exp %logistic3A : vector<2048x256xf32>
    %logistic3A_23 = arith.constant 1.000000e+00 : f32
    %logistic3A_24 = vector.broadcast %logistic3A_23 : f32 to vector<2048x256xf32>
    %logistic3A_25 = arith.addf %logistic3A_24, %logistic3A_22 : vector<2048x256xf32>
    %logistic3A_26 = arith.divf %logistic3A_24, %logistic3A_25 : vector<2048x256xf32>
    %slice3A_27 = vector.extract_strided_slice %add3A_12 {offsets = [0, 256], sizes = [2048, 256], strides = [1, 1]} : vector<2048x1024xf32> to vector<2048x256xf32>
    %logistic3A_28 = arith.negf %slice3A_27 : vector<2048x256xf32>
    %logistic3A_29 = math.exp %logistic3A_28 : vector<2048x256xf32>
    %logistic3A_30 = arith.constant 1.000000e+00 : f32
    %logistic3A_31 = vector.broadcast %logistic3A_30 : f32 to vector<2048x256xf32>
    %logistic3A_32 = arith.addf %logistic3A_31, %logistic3A_29 : vector<2048x256xf32>
    %logistic3A_33 = arith.divf %logistic3A_31, %logistic3A_32 : vector<2048x256xf32>
    %slice3A_34 = vector.extract_strided_slice %add3A_12 {offsets = [0, 512], sizes = [2048, 256], strides = [1, 1]} : vector<2048x1024xf32> to vector<2048x256xf32>
    %tanh3A = math.tanh %slice3A_34 : vector<2048x256xf32>
    %slice3A_35 = vector.extract_strided_slice %add3A_12 {offsets = [0, 768], sizes = [2048, 256], strides = [1, 1]} : vector<2048x1024xf32> to vector<2048x256xf32>
    %logistic3A_36 = arith.negf %slice3A_35 : vector<2048x256xf32>
    %logistic3A_37 = math.exp %logistic3A_36 : vector<2048x256xf32>
    %logistic3A_38 = arith.constant 1.000000e+00 : f32
    %logistic3A_39 = vector.broadcast %logistic3A_38 : f32 to vector<2048x256xf32>
    %logistic3A_40 = arith.addf %logistic3A_39, %logistic3A_37 : vector<2048x256xf32>
    %logistic3A_41 = arith.divf %logistic3A_39, %logistic3A_40 : vector<2048x256xf32>
    %mul3A = arith.mulf %logistic3A_33, %broadcast_in_dim3A_21 : vector<2048x256xf32>
    %mul3A_42 = arith.mulf %logistic3A_26, %tanh3A : vector<2048x256xf32>
    %add3A_43 = arith.addf %mul3A, %mul3A_42 : vector<2048x256xf32>
    %tanh3A_44 = math.tanh %add3A_43 : vector<2048x256xf32>
    %mul3A_45 = arith.mulf %logistic3A_41, %tanh3A_44 : vector<2048x256xf32>
    %add3A_46 = arith.addf %get3A_1, %mul3A_45 : vector<2048x256xf32>
    %convert_element_type3A_47 = arith.truncf %add3A_46 : vector<2048x256xf32> to vector<2048x256xbf16>
    %dot_general3A_48 = arith.constant dense<0.000000e+00> : vector<2048x1024xf32>
    %dot_general3A_49 = tpu.matmul %convert_element_type3A_47, %get3A_20, %dot_general3A_48 {dimension_numbers = #tpu.dot_dimension_numbers<[1], [1], [0], [0], [0, 0, 1, 0], [], []>, transpose_lhs_hint = false} : vector<2048x256xbf16>, vector<1024x256xbf16>, vector<2048x1024xf32> -> vector<2048x1024xf32>
    %add3A_50 = arith.addf %add3A_12, %dot_general3A_49 : vector<2048x1024xf32>
    %add3A_51 = vector.broadcast %dot_general3A_17 : vector<1x1024xf32> to vector<2048x1024xf32>
    %add3A_52 = arith.addf %add3A_50, %add3A_51 : vector<2048x1024xf32>
    %slice3A_53 = vector.extract_strided_slice %add3A_52 {offsets = [0, 0], sizes = [2048, 256], strides = [1, 1]} : vector<2048x1024xf32> to vector<2048x256xf32>
    %logistic3A_54 = arith.negf %slice3A_53 : vector<2048x256xf32>
    %logistic3A_55 = math.exp %logistic3A_54 : vector<2048x256xf32>
    %logistic3A_56 = arith.constant 1.000000e+00 : f32
    %logistic3A_57 = vector.broadcast %logistic3A_56 : f32 to vector<2048x256xf32>
    %logistic3A_58 = arith.addf %logistic3A_57, %logistic3A_55 : vector<2048x256xf32>
    %logistic3A_59 = arith.divf %logistic3A_57, %logistic3A_58 : vector<2048x256xf32>
    %slice3A_60 = vector.extract_strided_slice %add3A_52 {offsets = [0, 256], sizes = [2048, 256], strides = [1, 1]} : vector<2048x1024xf32> to vector<2048x256xf32>
    %logistic3A_61 = arith.negf %slice3A_60 : vector<2048x256xf32>
    %logistic3A_62 = math.exp %logistic3A_61 : vector<2048x256xf32>
    %logistic3A_63 = arith.constant 1.000000e+00 : f32
    %logistic3A_64 = vector.broadcast %logistic3A_63 : f32 to vector<2048x256xf32>
    %logistic3A_65 = arith.addf %logistic3A_64, %logistic3A_62 : vector<2048x256xf32>
    %logistic3A_66 = arith.divf %logistic3A_64, %logistic3A_65 : vector<2048x256xf32>
    %slice3A_67 = vector.extract_strided_slice %add3A_52 {offsets = [0, 512], sizes = [2048, 256], strides = [1, 1]} : vector<2048x1024xf32> to vector<2048x256xf32>
    %tanh3A_68 = math.tanh %slice3A_67 : vector<2048x256xf32>
    %slice3A_69 = vector.extract_strided_slice %add3A_52 {offsets = [0, 768], sizes = [2048, 256], strides = [1, 1]} : vector<2048x1024xf32> to vector<2048x256xf32>
    %logistic3A_70 = arith.negf %slice3A_69 : vector<2048x256xf32>
    %logistic3A_71 = math.exp %logistic3A_70 : vector<2048x256xf32>
    %logistic3A_72 = arith.constant 1.000000e+00 : f32
    %logistic3A_73 = vector.broadcast %logistic3A_72 : f32 to vector<2048x256xf32>
    %logistic3A_74 = arith.addf %logistic3A_73, %logistic3A_71 : vector<2048x256xf32>
    %logistic3A_75 = arith.divf %logistic3A_73, %logistic3A_74 : vector<2048x256xf32>
    %mul3A_76 = arith.mulf %logistic3A_66, %add3A_43 : vector<2048x256xf32>
    %mul3A_77 = arith.mulf %logistic3A_59, %tanh3A_68 : vector<2048x256xf32>
    %add3A_78 = arith.addf %mul3A_76, %mul3A_77 : vector<2048x256xf32>
    %tanh3A_79 = math.tanh %add3A_78 : vector<2048x256xf32>
    %mul3A_80 = arith.mulf %logistic3A_75, %tanh3A_79 : vector<2048x256xf32>
    %add3A_81 = arith.addf %get3A_1, %mul3A_80 : vector<2048x256xf32>
    %convert_element_type3A_82 = arith.truncf %add3A_81 : vector<2048x256xf32> to vector<2048x256xbf16>
    %dot_general3A_83 = arith.constant dense<0.000000e+00> : vector<2048x1024xf32>
    %dot_general3A_84 = tpu.matmul %convert_element_type3A_82, %get3A_20, %dot_general3A_83 {dimension_numbers = #tpu.dot_dimension_numbers<[1], [1], [0], [0], [0, 0, 1, 0], [], []>, transpose_lhs_hint = false} : vector<2048x256xbf16>, vector<1024x256xbf16>, vector<2048x1024xf32> -> vector<2048x1024xf32>
    %add3A_85 = arith.addf %add3A_12, %dot_general3A_84 : vector<2048x1024xf32>
    %add3A_86 = vector.broadcast %dot_general3A_17 : vector<1x1024xf32> to vector<2048x1024xf32>
    %add3A_87 = arith.addf %add3A_85, %add3A_86 : vector<2048x1024xf32>
    %slice3A_88 = vector.extract_strided_slice %add3A_87 {offsets = [0, 0], sizes = [2048, 256], strides = [1, 1]} : vector<2048x1024xf32> to vector<2048x256xf32>
    %logistic3A_89 = arith.negf %slice3A_88 : vector<2048x256xf32>
    %logistic3A_90 = math.exp %logistic3A_89 : vector<2048x256xf32>
    %logistic3A_91 = arith.constant 1.000000e+00 : f32
    %logistic3A_92 = vector.broadcast %logistic3A_91 : f32 to vector<2048x256xf32>
    %logistic3A_93 = arith.addf %logistic3A_92, %logistic3A_90 : vector<2048x256xf32>
    %logistic3A_94 = arith.divf %logistic3A_92, %logistic3A_93 : vector<2048x256xf32>
    %slice3A_95 = vector.extract_strided_slice %add3A_87 {offsets = [0, 256], sizes = [2048, 256], strides = [1, 1]} : vector<2048x1024xf32> to vector<2048x256xf32>
    %logistic3A_96 = arith.negf %slice3A_95 : vector<2048x256xf32>
    %logistic3A_97 = math.exp %logistic3A_96 : vector<2048x256xf32>
    %logistic3A_98 = arith.constant 1.000000e+00 : f32
    %logistic3A_99 = vector.broadcast %logistic3A_98 : f32 to vector<2048x256xf32>
    %logistic3A_100 = arith.addf %logistic3A_99, %logistic3A_97 : vector<2048x256xf32>
    %logistic3A_101 = arith.divf %logistic3A_99, %logistic3A_100 : vector<2048x256xf32>
    %slice3A_102 = vector.extract_strided_slice %add3A_87 {offsets = [0, 512], sizes = [2048, 256], strides = [1, 1]} : vector<2048x1024xf32> to vector<2048x256xf32>
    %tanh3A_103 = math.tanh %slice3A_102 : vector<2048x256xf32>
    %slice3A_104 = vector.extract_strided_slice %add3A_87 {offsets = [0, 768], sizes = [2048, 256], strides = [1, 1]} : vector<2048x1024xf32> to vector<2048x256xf32>
    %logistic3A_105 = arith.negf %slice3A_104 : vector<2048x256xf32>
    %logistic3A_106 = math.exp %logistic3A_105 : vector<2048x256xf32>
    %logistic3A_107 = arith.constant 1.000000e+00 : f32
    %logistic3A_108 = vector.broadcast %logistic3A_107 : f32 to vector<2048x256xf32>
    %logistic3A_109 = arith.addf %logistic3A_108, %logistic3A_106 : vector<2048x256xf32>
    %logistic3A_110 = arith.divf %logistic3A_108, %logistic3A_109 : vector<2048x256xf32>
    %mul3A_111 = arith.mulf %logistic3A_101, %add3A_78 : vector<2048x256xf32>
    %mul3A_112 = arith.mulf %logistic3A_94, %tanh3A_103 : vector<2048x256xf32>
    %add3A_113 = arith.addf %mul3A_111, %mul3A_112 : vector<2048x256xf32>
    %tanh3A_114 = math.tanh %add3A_113 : vector<2048x256xf32>
    %mul3A_115 = arith.mulf %logistic3A_110, %tanh3A_114 : vector<2048x256xf32>
    %add3A_116 = arith.addf %get3A_1, %mul3A_115 : vector<2048x256xf32>
    %convert_element_type3A_117 = arith.truncf %add3A_116 : vector<2048x256xf32> to vector<2048x256xbf16>
    %dot_general3A_118 = arith.constant dense<0.000000e+00> : vector<2048x1024xf32>
    %dot_general3A_119 = tpu.matmul %convert_element_type3A_117, %get3A_20, %dot_general3A_118 {dimension_numbers = #tpu.dot_dimension_numbers<[1], [1], [0], [0], [0, 0, 1, 0], [], []>, transpose_lhs_hint = false} : vector<2048x256xbf16>, vector<1024x256xbf16>, vector<2048x1024xf32> -> vector<2048x1024xf32>
    %add3A_120 = arith.addf %add3A_12, %dot_general3A_119 : vector<2048x1024xf32>
    %add3A_121 = vector.broadcast %dot_general3A_17 : vector<1x1024xf32> to vector<2048x1024xf32>
    %add3A_122 = arith.addf %add3A_120, %add3A_121 : vector<2048x1024xf32>
    %slice3A_123 = vector.extract_strided_slice %add3A_122 {offsets = [0, 0], sizes = [2048, 256], strides = [1, 1]} : vector<2048x1024xf32> to vector<2048x256xf32>
    %logistic3A_124 = arith.negf %slice3A_123 : vector<2048x256xf32>
    %logistic3A_125 = math.exp %logistic3A_124 : vector<2048x256xf32>
    %logistic3A_126 = arith.constant 1.000000e+00 : f32
    %logistic3A_127 = vector.broadcast %logistic3A_126 : f32 to vector<2048x256xf32>
    %logistic3A_128 = arith.addf %logistic3A_127, %logistic3A_125 : vector<2048x256xf32>
    %logistic3A_129 = arith.divf %logistic3A_127, %logistic3A_128 : vector<2048x256xf32>
    %slice3A_130 = vector.extract_strided_slice %add3A_122 {offsets = [0, 256], sizes = [2048, 256], strides = [1, 1]} : vector<2048x1024xf32> to vector<2048x256xf32>
    %logistic3A_131 = arith.negf %slice3A_130 : vector<2048x256xf32>
    %logistic3A_132 = math.exp %logistic3A_131 : vector<2048x256xf32>
    %logistic3A_133 = arith.constant 1.000000e+00 : f32
    %logistic3A_134 = vector.broadcast %logistic3A_133 : f32 to vector<2048x256xf32>
    %logistic3A_135 = arith.addf %logistic3A_134, %logistic3A_132 : vector<2048x256xf32>
    %logistic3A_136 = arith.divf %logistic3A_134, %logistic3A_135 : vector<2048x256xf32>
    %slice3A_137 = vector.extract_strided_slice %add3A_122 {offsets = [0, 512], sizes = [2048, 256], strides = [1, 1]} : vector<2048x1024xf32> to vector<2048x256xf32>
    %tanh3A_138 = math.tanh %slice3A_137 : vector<2048x256xf32>
    %slice3A_139 = vector.extract_strided_slice %add3A_122 {offsets = [0, 768], sizes = [2048, 256], strides = [1, 1]} : vector<2048x1024xf32> to vector<2048x256xf32>
    %logistic3A_140 = arith.negf %slice3A_139 : vector<2048x256xf32>
    %logistic3A_141 = math.exp %logistic3A_140 : vector<2048x256xf32>
    %logistic3A_142 = arith.constant 1.000000e+00 : f32
    %logistic3A_143 = vector.broadcast %logistic3A_142 : f32 to vector<2048x256xf32>
    %logistic3A_144 = arith.addf %logistic3A_143, %logistic3A_141 : vector<2048x256xf32>
    %logistic3A_145 = arith.divf %logistic3A_143, %logistic3A_144 : vector<2048x256xf32>
    %mul3A_146 = arith.mulf %logistic3A_136, %add3A_113 : vector<2048x256xf32>
    %mul3A_147 = arith.mulf %logistic3A_129, %tanh3A_138 : vector<2048x256xf32>
    %add3A_148 = arith.addf %mul3A_146, %mul3A_147 : vector<2048x256xf32>
    %tanh3A_149 = math.tanh %add3A_148 : vector<2048x256xf32>
    %mul3A_150 = arith.mulf %logistic3A_145, %tanh3A_149 : vector<2048x256xf32>
    %add3A_151 = arith.addf %get3A_1, %mul3A_150 : vector<2048x256xf32>
    %mul3A_152 = vector.broadcast %get3A_4 : vector<1x256xf32> to vector<2048x256xf32>
    %mul3A_153 = arith.mulf %add3A_151, %mul3A_152 : vector<2048x256xf32>
    %reduce_sum3A = arith.constant dense<0.000000e+00> : vector<2048xf32>
    %reduce_sum3A_154 = vector.multi_reduction <add>, %mul3A_153, %reduce_sum3A [1] : vector<2048x256xf32> to vector<2048xf32>
    %reshape3A = vector.shape_cast %reduce_sum3A_154 : vector<2048xf32> to vector<1x1x2048xf32>
    %swap3A = arith.constant 0 : index
    %swap3A_155 = arith.constant 0 : index
    %swap3A_156 = arith.constant 0 : index
    %swap3A_157 = vector.load %arg7[%swap3A, %swap3A_155, %swap3A_156] : memref<1x1x2048xf32, #tpu.memory_space<vmem>>, vector<1x1x2048xf32>
    tpu.vector_store %arg7[%swap3A, %swap3A_155, %swap3A_156], %reshape3A {strides = array<i32>} : memref<1x1x2048xf32, #tpu.memory_space<vmem>>, vector<1x1x2048xf32>,
    return
  }
  func.func @transform_0(%arg0: i32) -> (i32, i32) {
    %c0_i32 = arith.constant 0 : i32
    %c0_i32_0 = arith.constant 0 : i32
    return %arg0, %c0_i32 : i32, i32
  }
  func.func @transform_1(%arg0: i32) -> (i32, i32) {
    %c0_i32 = arith.constant 0 : i32
    %c0_i32_0 = arith.constant 0 : i32
    %c0_i32_1 = arith.constant 0 : i32
    return %c0_i32, %c0_i32_0 : i32, i32
  }
  func.func @transform_2(%arg0: i32) -> (i32, i32) {
    %c0_i32 = arith.constant 0 : i32
    %c0_i32_0 = arith.constant 0 : i32
    %c0_i32_1 = arith.constant 0 : i32
    return %c0_i32, %c0_i32_0 : i32, i32
  }
  func.func @transform_3(%arg0: i32) -> (i32, i32) {
    %c0_i32 = arith.constant 0 : i32
    %c0_i32_0 = arith.constant 0 : i32
    %c0_i32_1 = arith.constant 0 : i32
    return %c0_i32, %c0_i32_0 : i32, i32
  }
  func.func @transform_4(%arg0: i32) -> (i32, i32) {
    %c0_i32 = arith.constant 0 : i32
    %c0_i32_0 = arith.constant 0 : i32
    %c0_i32_1 = arith.constant 0 : i32
    return %c0_i32, %c0_i32_0 : i32, i32
  }
  func.func @transform_5(%arg0: i32) -> (i32, i32) {
    %c0_i32 = arith.constant 0 : i32
    %c0_i32_0 = arith.constant 0 : i32
    %c0_i32_1 = arith.constant 0 : i32
    return %c0_i32, %c0_i32_0 : i32, i32
  }
  func.func @transform_6(%arg0: i32) -> (i32, i32, i32) {
    %c0_i32 = arith.constant 0 : i32
    %c0_i32_0 = arith.constant 0 : i32
    %c0_i32_1 = arith.constant 0 : i32
    return %arg0, %c0_i32, %c0_i32_0 : i32, i32, i32
  }
}

</mosaic_0001>

<sc_bundles>
// kernel: kernel.6.cloned.1.call-start
scs
__scs_entry_jumppad:
0x0: {  	(pc) =	sbr.rel $0x88, $3  }
0x1: {  	(tag) =	ssettag $0x0;
	lr =	simm.s32 $0x1  }
0x2: {  	[smem:$0x3F8A] =	sst lr;
	_ =	strace $0xD0000000  }
0x3: {  	_ = 	snop  }
0x4: {  	_ = 	snop  }
0x5: {  	_ = 	snop  }
0x6: {  	_ = 	snop  }
0x7: {  	_ = 	snop  }
__scs_overlays_trampoline_lowered:
0x8: {  	[smem:$0x3F99] =	sst s0  }
0x9: {  	[smem:$0x3F9A] =	sst s1  }
0xa: {  	[smem:$0x3F9B] =	sst s2  }
0xb: {  	[smem:$0x3F9C] =	sst s3  }
0xc: {  	[smem:$0x3F9D] =	sst s4  }
0xd: {  	[smem:$0x3F9E] =	sst s5  }
0xe: {  	[smem:$0x3F9F] =	sst s6  }
0xf: {  	[smem:$0x3FA0] =	sst s7  }
0x10: {  	[smem:$0x3FA1] =	sst s8  }
0x11: {  	[smem:$0x3FA2] =	sst s9;
	s0 =	simm.s32 @!p0 $0x0  }
0x12: {  	s1 =	sld [smem:$0x3F88];
	s0 =	simm.s32 @p0 $0x1  }
0x13: {  	[smem:$0x3FA3] =	sst s0;
	s0 =	simm.s32 @!p1 $0x0  }
0x14: {  	s2 =	sld [smem:$0x3F87];
	s0 =	simm.s32 @p1 $0x1  }
0x15: {  	[smem:$0x3FA4] =	sst s0;
	s0 =	simm.s32 @!p2 $0x0  }
0x16: {  	s3 =	sld [smem:$0x3FDB];
	s0 =	simm.s32 @p2 $0x1  }
0x17: {  	s4 =	simm.s32 $0x1BF5;
	[smem:$0x3FA6] =	sst s0  }
0x18: {  	s0 =	sld [smem:$0x3F89];
	_ =	swait.ge [sflag:s4], $0x0  }
0x19: {  	s7 =	sld [smem:$0x3F8A]  }
0x1a: {  	s8 =	sadd.s32 $0xFFFFE003, lr  }
0x1b: {  	s9 =	sadd.s32 $0xFFFFFEF7, lr;
	s5 =	simm.s32 $0xFFFFFFFF;
	p2 =	slt.u32 s8, $0xFFFFF086  }
0x1c: {  	p1 =	slt.u32 s9, $0xF7A;
	s5 =	simm.s32 @!p2 $0x0  }
0x1d: {  	s5 =	simm.s32 @p1 $0x1;
	p0 =	seq.s32 s7, s2  }
0x1e: {  	s7 =	smul.u32 @!p0 $0xF7A, s2;
	p2 =	seq.s32 @!p0 s5, $0x0  }
0x1f: {  	s9 =	smul.u32 $0xF7A, s1;
	s8 =	simm.s32 @!p0 $0x1BF5;
	p2 =	por !p2, p0  }
0x20: {  	[sflag:s8] =	ssyncset.s32 @!p0 $0xFFFFF086;
	s6 =	sadd.s32 @!p0 s3, s7;
	s7 =	simm.s32 @!p0 $0x108  }
0x21: {  	s3 =	sadd.s32 s3, s9;
	s6 =	sadd.s32 @!p0 $0x88, s6;
	s7 =	simm.s32 @p2 $0x1082  }
0x22: {  	[simem:s7], [sflag:s8] =	dma.local @!p0 [hbm:s6], $0xF7A  }
0x23: {  	s9 =	sor.u32 $0xD0000000, s2;
	s6 =	simm.s32 $0x108;
	_ =	swait.ge @!p0 [sflag:s8], $0x0  }
0x24: {  	s3 =	sadd.s32 $0x88, s3;
	s6 =	simm.s32 @!p1 $0x1082;
	[sflag:s4] =	ssyncset.s32 $0xFFFFF086  }
0x25: {  	[simem:s6], [sflag:s4] =	dma.local [hbm:s3], $0xF7A  }
0x26: {  	[smem:$0x3F8A] =	sst s1;
	(tag) =	ssettag s2;
	_ =	strace s9  }
0x27: {  	s1 =	sld [smem:$0x3F9A]  }
0x28: {  	s2 =	sld [smem:$0x3F9B]  }
0x29: {  	s4 =	sld [smem:$0x3F9D]  }
0x2a: {  	p0 =	seq.s32 s5, $0x0;
	s5 =	sld [smem:$0x3F9E]  }
0x2b: {  	s6 =	sld [smem:$0x3F9F]  }
0x2c: {  	s7 =	sld [smem:$0x3FA0]  }
0x2d: {  	s3 =	simm.s32 $0x108;
	s8 =	sld [smem:$0x3FA1]  }
0x2e: {  	s3 =	simm.s32 @!p0 $0x1082;
	s9 =	sld [smem:$0x3FA2]  }
0x2f: {  	lr =	sadd.s32 s0, s3;
	s0 =	sld [smem:$0x3F99]  }
0x30: {  	s3 =	sld [smem:$0x3F9C]  }
0x31: {  	[smem:$0x3FA5] =	sst s10  }
0x32: {  	s10 =	sld [smem:$0x3FA3];
	_ =	sdelay $0x3  }
0x33: {  	p0 =	seq.s32 s10, $0x1;
	s10 =	sld [smem:$0x3FA5];
	_ =	sdelay $0x3  }
0x34: {  	[smem:$0x3FA5] =	sst s10  }
0x35: {  	s10 =	sld [smem:$0x3FA4];
	_ =	sdelay $0x3  }
0x36: {  	p1 =	seq.s32 s10, $0x1;
	s10 =	sld [smem:$0x3FA5];
	_ =	sdelay $0x3  }
0x37: {  	[smem:$0x3FA5] =	sst s10  }
0x38: {  	s10 =	sld [smem:$0x3FA6]  }
0x39: {  	_ = 	snop;
	(pc) =	sbr.ind lr, $3  }
0x3a: {  	_ = 	snop  }
0x3b: {  	_ = 	snop  }
0x3c: {  	p2 =	seq.s32 s10, $0x1;
	s10 =	sld [smem:$0x3FA5]  }
0x3d: {  	_ =	shalt  }
0x3e: {  	_ =	shalt  }
0x3f: {  	_ =	shalt  }
0x40: {  	_ =	shalt  }
0x41: {  	_ =	shalt  }
0x42: {  	_ =	shalt  }
0x43: {  	_ =	shalt  }
0x44: {  	_ =	shalt  }
0x45: {  	_ =	shalt  }
0x46: {  	_ =	shalt  }
0x47: {  	_ =	shalt  }
0x48: {  	_ =	shalt  }
0x49: {  	_ =	shalt  }
0x4a: {  	_ =	shalt  }
0x4b: {  	_ =	shalt  }
0x4c: {  	_ =	shalt  }
0x4d: {  	_ =	shalt  }
0x4e: {  	_ =	shalt  }
0x4f: {  	_ =	shalt  }
0x50: {  	_ =	shalt  }
0x51: {  	_ =	shalt  }
0x52: {  	_ =	shalt  }
0x53: {  	_ =	shalt  }
0x54: {  	_ =	shalt  }
0x55: {  	_ =	shalt  }
0x56: {  	_ =	shalt  }
0x57: {  	_ =	shalt  }
0x58: {  	_ =	shalt  }
0x59: {  	_ =	shalt  }
0x5a: {  	_ =	shalt  }
0x5b: {  	_ =	shalt  }
0x5c: {  	_ =	shalt  }
0x5d: {  	_ =	shalt  }
0x5e: {  	_ =	shalt  }
0x5f: {  	_ =	shalt  }
0x60: {  	_ =	shalt  }
0x61: {  	_ =	shalt  }
0x62: {  	_ =	shalt  }
0x63: {  	_ =	shalt  }
0x64: {  	_ =	shalt  }
0x65: {  	_ =	shalt  }
0x66: {  	_ =	shalt  }
0x67: {  	_ =	shalt  }
0x68: {  	_ =	shalt  }
0x69: {  	_ =	shalt  }
0x6a: {  	_ =	shalt  }
0x6b: {  	_ =	shalt  }
0x6c: {  	_ =	shalt  }
0x6d: {  	_ =	shalt  }
0x6e: {  	_ =	shalt  }
0x6f: {  	_ =	shalt  }
0x70: {  	_ =	shalt  }
0x71: {  	_ =	shalt  }
0x72: {  	_ =	shalt  }
0x73: {  	_ =	shalt  }
0x74: {  	_ =	shalt  }
0x75: {  	_ =	shalt  }
0x76: {  	_ =	shalt  }
0x77: {  	_ =	shalt  }
0x78: {  	_ =	shalt  }
0x79: {  	_ =	shalt  }
0x7a: {  	_ =	shalt  }
0x7b: {  	_ =	shalt  }
0x7c: {  	_ =	shalt  }
0x7d: {  	_ =	shalt  }
0x7e: {  	_ =	shalt  }
0x7f: {  	_ =	shalt  }
0x80: {  	_ =	shalt  }
0x81: {  	_ =	shalt  }
0x82: {  	_ =	shalt  }
0x83: {  	_ =	shalt  }
0x84: {  	_ =	shalt  }
0x85: {  	_ =	shalt  }
0x86: {  	_ =	shalt  }
0x87: {  	_ =	shalt  }
.Lfunc_end0:
.L_simem_size_0:
called_computation_lowered:
.L_overlay_start_0:
0x88: {  	s2 =	sld [smem:$0x3FD9]  }
0x89: {  	s3 =	sld [smem:$0x3FFE];
	_ =	sdelay $0x1  }
0x8a: {  	s1 =	srdreg.scid  }
0x8b: {  	s0 =	sand.u32 $0x1, s1  }
0x8c: {  	s17 =	sshll.u32 s0, $0xA;
	s2 =	sadd.s32 s3, s2  }
0x8d: {  	s2 =	sadd.s32 s2, s17  }
0x8e: {  	[smem:$0x3FB1] =	sst s2  }
0x8f: {  	_ = 	snop  }
0x90: {  	s2 =	sld [smem:$0x3FC3];
	(tm) =	ssettm $0x1  }
0x91: {  	s18 =	sld [smem:$0x3FFB];
	_ =	sdelay $0x3  }
0x92: {  	_ =	strace s18  }
0x93: {  	s3 =	sld [smem:$0x3FFC];
	_ =	sdelay $0x3  }
0x94: {  	_ =	strace s3  }
0x95: {  	s3 =	sld [smem:$0x3FFD];
	_ =	sdelay $0x3  }
0x96: {  	_ =	strace s3  }
0x97: {  	_ =	strace $0x8FFFFFFF  }
0x98: {  	s19 =	sld [smem:$0x3FDB];
	_ =	sdelay $0x1  }
0x99: {  	s4 =	simm.s32 $_scs_section_size  }
0x9a: {  	s5 =	simm.s32 $_size__tile_overlayer_lowered;
	s6 =	simm.s32 $_tile_overlayer_lowered  }
0x9b: {  	s22 =	simm.s32 $0x1BFF;
	s21 =	sshll.u32 s6, $0x1;
	s3 =	sadd.s32 s4, s19  }
0x9c: {  	s7 =	simm.s32 $0x0;
	s20 =	sshll.u32 s5, $0x1;
	s5 =	sadd.s32 s21, s3  }
0x9d: {  	[timem:s7], [sflag:s22] =	dma.local [hbm:s5], s20  }
0x9e: {  	_ =	swait.ge [sflag:s22], s20  }
0x9f: {  	s4 =	ssub.s32 $0x0, s20;
	[sflag:s22] =	ssyncset.done $0x0  }
0xa0: {  	[sflag:s22] =	ssyncadd.s32 s4;
	_ =	sdelay $0x1  }
0xa1: {  	s23 =	simm.s32 $0x1B8B  }
0xa2: {  	_ =	swait.ge [sflag:s23], $0x1  }
0xa3: {  	[sflag:s23] =	ssyncset.done $0x0  }
0xa4: {  	s25 =	simm.s32 $0x1B8E;
	s24 =	sld [smem:$0x3FFE];
	[sflag:s23] =	ssyncadd.s32 $0xFFFFFFFF  }
0xa5: {  	s26 =	simm.s32 $execute0_lowered;
	[smem:$0x3FD2] =	sst s25  }
0xa6: {  	s5 =	sshll.u32 s26, $0x1;
	_ =	strace $0x80000046;
	[dreg:$0x1] =	wrdreg $0xFFFFFFFF  }
0xa7: {  	s28 =	simm.s32 $_size_execute0_lowered;
	s3 =	sadd.s32 s3, s5;
	[dreg:$0x0] =	wrdreg $0x0  }
0xa8: {  	s5 =	sshll.u32 s28, $0x1;
	[dreg:$0x2] =	wrdreg s3  }
0xa9: {  	[dreg:$0x3] =	wrdreg s5  }
0xaa: {  	[dreg:$0x4] =	wrdreg $0xC0  }
0xab: {  	_ =	task [dreg:s7], $0x5FFFF  }
0xac: {  	[dreg:$0x1] =	wrdreg $0xFFFFFFFF  }
0xad: {  	[dreg:$0x0] =	wrdreg $0x60  }
0xae: {  	[dreg:$0x2] =	wrdreg s24  }
0xaf: {  	[dreg:$0x3] =	wrdreg s2  }
0xb0: {  	[dreg:$0x4] =	wrdreg $0x9  }
0xb1: {  	_ =	task.clear_ibuf [dreg:s7], $0x5FFFF;
	_ =	strace $0x90000046  }
0xb2: {  	s29 =	simm.s32 $0x9;
	_ =	strace $0x80000048  }
0xb3: {  	_ =	swait.ge [sflag:s29], $0x1  }
0xb4: {  	[sflag:s29] =	ssyncadd.s32 $0xFFFFFFFF  }
0xb5: {  	_ =	strace $0x90000048  }
0xb6: {  	_ =	sfence  }
0xb7: {  	s30 =	sld [smem:$0x0];
	_ =	sdelay $0x2  }
0xb8: {  	s31 =	sshll.u32 s1, $0xD;
	s1 =	sshrl.u32 s1, $0x2  }
0xb9: {  	s3 =	sand.u32 $0x4000, s31;
	s1 =	sadd.s32 s1, s30  }
0xba: {  	s0 =	sor.u32 s3, s0;
	s1 =	sshll.u32 s1, $0x11  }
0xbb: {  	s0 =	sor.u32 s1, s0  }
0xbc: {  	s0 =	sadd.s32 $0x8F2B, s0  }
0xbd: {  	[sflag:s0] =	ssyncadd.remote.s32 $0x1  }
0xbe: {  	_ =	sfence.sel $0xFFFF  }
0xbf: {  	[dreg:$0x0] =	wrdreg $0xFFFFFFFF;
	(pc) =	sbr.abs _section_cstart, $3  }
0xc0: {  	[dreg:$0x1] =	wrdreg $0xFFFFFFFF  }
0xc1: {  	_ =	task.clear_ibuf [dreg:s7], $0x2FFFF;
	_ =	strace $0x9FFFFFFF  }
0xc2: {  	(tm) =	ssettm $0x7FFFFFFF  }
0xc3: {  	_ =	shalt  }
tec
execute0_lowered:
.L_overlay_start_1:
0x0: {  	(tag) =	ssettag $0x1  }
0x1: {  	s0 =	rddreg [dreg:$0x0]  }
0x2: {  	s2 =	rddreg [dreg:$0x1]  }
0x3: {  	s1 =	srdreg.scid;
	s4 =	stileid.u32  }
0x4: {  	s3 =	simm.s32 $0x0;
	s11 =	simm.s32 $0x2400;
	s12 =	simm.s32 $0x4800  }
0x5: {  	s13 =	simm.s32 $0x1;
	s14 =	simm.s32 $0x2;
	s15 =	simm.s32 $0x80  }
0x6: {  	s18 =	simm.s32 $0x8900;
	s19 =	simm.s32 $0x2480;
	s20 =	simm.s32 $0x10900  }
0x7: {  	s21 =	simm.s32 $0x3;
	s22 =	simm.s32 $0x48;
	s23 =	simm.s32 $0x19100  }
0x8: {  	s24 =	simm.s32 $0x4880;
	s1 =	sand.u32 $0x1, s1;
	s4 =	sshll.u32 s4, $0x1  }
0x9: {  	s25 =	simm.s32 $0x1B500;
	s26 =	simm.s32 $0x4;
	s5 =	sor.u32 s1, s4  }
0xa: {  	s28 =	simm.s32 $0x14900;
	[smem:$0x7FF] =	sst s3;
	s6 =	smul.u32 $0x480, s5  }
0xb: {  	s29 =	simm.s32 $0x0;
	_ =	strace $0x80000047;
	s7 =	smul.u32 $0x900, s5  }
.Ltmp0:
0xc: {  	s1 =	ssub.s32 $0x2, s1;
	s5 =	sshll.u32 s5, $0x5;
	(pc) =	sbr.rel .LBB2_1-.Ltmp0, $4  }
0xd: {  	s4 =	sadd.s32 $0x16000, s0;
	s8 =	sshrl.u32 s1, $0x1;
	s9 =	sadd.s32 s5, s0  }
0xe: {  	s1 =	ssub.s32 s1, s8;
	s6 =	sadd.s32 s6, s0;
	s0 =	sadd.s32 s7, s0  }
0xf: {  	s7 =	sadd.s32 $0x3C00, s9;
	s5 =	sadd.s32 $0x4000, s6;
	s6 =	sadd.s32 $0xD000, s6  }
0x10: {  	s10 =	smax.u32 s1, $0x1;
	s8 =	sadd.s32 $0x1AEC00, s0;
	s9 =	sadd.s32 $0x19CC00, s0  }
.LBB2_12:
0x11: {  	s29 =	sadd.s32 $0x1, s29  }
0x12: {  	p0 =	sne.s32 s29, s10  }
.Ltmp1:
0x13: {  	_ = 	snop;
	(pc) =	sbr.rel @!p0 .LBB2_13-.Ltmp1, $4  }
0x14: {  	[hbm4b:s9+s3] =	stream.linear.scatter [tilespmem:s28], [sflag:$0x4], $0x4800, $0x38;
	[tilespmem:$0x1D900] =	vst v63  }
0x15: {  	_ =	swait.ge [sflag:s26], $0x4800  }
0x16: {  	[sflag:s26] =	ssyncset.done $0x0  }
0x17: {  	[sflag:s26] =	ssyncadd.s32 $0xFFFFB800  }
.LBB2_1:
0x18: {  	[tilespmem:s3], [sflag:$0x1] =	stream.linear.gather [hbm4b:s5+s3], $0x2400, $0x38;
	[tilespmem:$0x1D900] =	vst v63  }
0x19: {  	_ = 	snop  }
0x1a: {  	[tilespmem:s11], [sflag:$0x2] =	stream.linear.gather [hbm4b:s6+s3], $0x2400, $0x38;
	[tilespmem:$0x1D900] =	vst v63  }
0x1b: {  	_ = 	snop  }
0x1c: {  	[tilespmem:s12], [sflag:$0x3] =	stream.linear.gather [hbm4b:s7+s3], $0x100, $0x38;
	[tilespmem:$0x1D900] =	vst v63  }
0x1d: {  	_ =	swait.ge [sflag:s13], $0x2400  }
0x1e: {  	[sflag:s13] =	ssyncset.done $0x0  }
0x1f: {  	[sflag:s13] =	ssyncadd.s32 $0xFFFFDC00  }
0x20: {  	_ =	swait.ge [sflag:s14], $0x2400  }
0x21: {  	[sflag:s14] =	ssyncset.done $0x0  }
0x22: {  	s0 =	simm.s32 $0x4900;
	[sflag:s14] =	ssyncadd.s32 $0xFFFFDC00  }
0x23: {  	[tilespmem:s0], [sflag:$0x1] =	stream.indirect.gather [hbm4b:s4+s15], $0x80, s3, s15, $0xb8;
	[tilespmem:$0x1D900] =	vst v63  }
0x24: {  	s31 =	simm.s32 $0xC900  }
0x25: {  	[tilespmem:s31], [sflag:$0x1] =	stream.indirect.gather [hbm4b:s4+s15], $0x80, s11, s15, $0xb8;
	[tilespmem:$0x1D900] =	vst v63  }
0x26: {  	_ = 	snop  }
0x27: {  	[tilespmem:s18], [sflag:$0x2] =	stream.indirect.gather [hbm4b:s4+s15], $0x80, s15, s15, $0xb8;
	[tilespmem:$0x1D900] =	vst v63  }
0x28: {  	_ = 	snop  }
0x29: {  	[tilespmem:s20], [sflag:$0x2] =	stream.indirect.gather [hbm4b:s4+s15], $0x80, s19, s15, $0xb8;
	[tilespmem:$0x1D900] =	vst v63  }
0x2a: {  	_ =	swait.ge [sflag:s21], $0x100  }
0x2b: {  	[sflag:s21] =	ssyncset.done $0x0  }
0x2c: {  	[sflag:s21] =	ssyncadd.s32 $0xFFFFFF00  }
0x2d: {  	[tilespmem:s23], [sflag:$0x3] =	stream.indirect.gather [hbm4b:s2+s22], $0x80, s12, s22, $0xb8;
	[tilespmem:$0x1D900] =	vst v63  }
0x2e: {  	_ =	swait.ge [sflag:s21], $0x2400  }
0x2f: {  	[sflag:s21] =	ssyncset.done $0x0  }
0x30: {  	[sflag:s21] =	ssyncadd.s32 $0xFFFFDC00  }
0x31: {  	[tilespmem:s25], [sflag:$0x3] =	stream.indirect.gather [hbm4b:s2+s22], $0x80, s24, s22, $0xb8;
	[tilespmem:$0x1D900] =	vst v63  }
0x32: {  	_ =	swait.ge [sflag:s21], $0x2400  }
0x33: {  	[sflag:s21] =	ssyncset.done $0x0  }
0x34: {  	[sflag:s21] =	ssyncadd.s32 $0xFFFFDC00  }
0x35: {  	[hbm4b:s8+s3] =	stream.linear.scatter [tilespmem:s23], [sflag:$0x4], $0x4800, $0x38;
	[tilespmem:$0x1D900] =	vst v63  }
0x36: {  	_ =	swait.ge [sflag:s26], $0x4800  }
0x37: {  	[sflag:s26] =	ssyncset.done $0x0  }
0x38: {  	s30 =	simm.s32 $0x0;
	[sflag:s26] =	ssyncadd.s32 $0xFFFFB800  }
.LBB2_2:
0x39: {  	_ =	swait.ge [sflag:s13], $0x4000  }
0x3a: {  	[sflag:s13] =	ssyncset.done $0x0  }
0x3b: {  	[sflag:s13] =	ssyncadd.s32 $0xFFFFC000  }
0x3c: {  	_ =	swait.ge [sflag:s13], $0x4000  }
0x3d: {  	[sflag:s13] =	ssyncset.done $0x0  }
0x3e: {  	s1 =	simm.s32 $0x0;
	[sflag:s13] =	ssyncadd.s32 $0xFFFFC000  }
0x3f: {  	v0 =	vld [tilespmem:s1+$0x4970]  }
0x40: {  	v1 =	vld [tilespmem:s1+$0xC970]  }
0x41: {  	v2 =	vld [tilespmem:s1+$0x4900]  }
0x42: {  	v3 =	vld [tilespmem:s1+$0xC900]  }
0x43: {  	v4 =	vld [tilespmem:s1+$0x4910]  }
0x44: {  	v5 =	vld [tilespmem:s1+$0xC910]  }
0x45: {  	v6 =	vld [tilespmem:s1+$0x4920]  }
0x46: {  	v7 =	vld [tilespmem:s1+$0xC920]  }
0x47: {  	v9 =	vld [tilespmem:s1+$0xC930]  }
0x48: {  	v18 =	vld [tilespmem:s1+$0xC940];
	v0 =	vshll.u32 v0, $0x10;
	v1 =	vand.u32 $0xFFFF0000, v1  }
0x49: {  	v2 =	vshll.u32 v2, $0x10;
	v3 =	vand.u32 $0xFFFF0000, v3;
	v8 =	vshll.u32 v4, $0x10  }
0x4a: {  	v5 =	vand.u32 $0xFFFF0000, v5;
	v6 =	vshll.u32 v6, $0x10;
	v0 =	vadd.f32 v1, v0;
	v1 =	vld [tilespmem:s1+$0x4930]  }
0x4b: {  	v7 =	vand.u32 $0xFFFF0000, v7;
	v2 =	vadd.f32 v3, v2;
	v3 =	vld [tilespmem:s1+$0x4940];
	v5 =	vadd.f32 v5, v8  }
0x4c: {  	v4 =	vimm.f32 $0.0e+00;
	v8 =	vadd.f32 v7, v6;
	v10 =	vmul.f32 $9.999999770e-03, v0  }
0x4d: {  	v18 =	vand.u32 $0xFFFF0000, v18;
	v7 =	vand.u32 $0xFFFF0000, v9;
	v6 =	vmul.f32 $9.999999770e-03, v5  }
0x4e: {  	v11 =	vld [tilespmem:s1+$0x4950];
	v15 =	vmul.f32 $9.999999770e-03, v8;
	v0 =	vmax.f32 v0, v10;
	v10 =	vmul.f32 $9.999999770e-03, v2  }
0x4f: {  	v14 =	vld [tilespmem:s1+$0xC950];
	v17 =	vmax.f32 v5, v6;
	v6 =	vimm.f32 $0.0e+00;
	v5 =	vimm.f32 $0.0e+00  }
0x50: {  	v12 =	vld [tilespmem:s1+$0x4960];
	v0 =	vadd.f32 v0, v4;
	v1 =	vshll.u32 v1, $0x10;
	v16 =	vshll.u32 v3, $0x10  }
0x51: {  	s0 =	simm.s32 $0x80;
	v13 =	vld [tilespmem:s1+$0xC960];
	v3 =	vimm.f32 $0.0e+00;
	v2 =	vmax.f32 v2, v10;
	v10 =	vadd.f32 v7, v1  }
0x52: {  	v9 =	vld [tilespmem:s0+$0x4970];
	s1 =	simm.s32 $0x400;
	v7 =	vimm.f32 $0.0e+00;
	v1 =	vadd.f32 v2, v4;
	v2 =	vimm.f32 $0.0e+00  }
.LBB2_3:
0x53: {  	p0 =	sne.s32 s1, $0x7E00;
	v19 =	vld [tilespmem:s0+$0xC970];
	v20 =	vmul.f32 $9.999999770e-03, v10;
	v16 =	vadd.f32 v18, v16;
	v11 =	vshll.u32 v11, $0x10  }
0x54: {  	v4 =	vadd.f32 v17, v4;
	v8 =	vmax.f32 v8, v15;
	v18 =	vld [tilespmem:s0+$0x4900];
	v14 =	vand.u32 $0xFFFF0000, v14  }
0x55: {  	v15 =	vld [tilespmem:s0+$0xC900];
	v17 =	vmul.f32 $9.999999770e-03, v16;
	v11 =	vadd.f32 v14, v11;
	v12 =	vshll.u32 v12, $0x10  }
0x56: {  	v7 =	vadd.f32 v8, v7;
	v8 =	vmax.f32 v10, v20;
	v14 =	vld [tilespmem:s0+$0x4910];
	v10 =	vand.u32 $0xFFFF0000, v13  }
0x57: {  	v13 =	vld [tilespmem:s0+$0xC910];
	v16 =	vmax.f32 v16, v17;
	v17 =	vmul.f32 $9.999999770e-03, v11;
	v10 =	vadd.f32 v10, v12  }
0x58: {  	v6 =	vadd.f32 v8, v6;
	v9 =	vshll.u32 v9, $0x10;
	v12 =	vld [tilespmem:s0+$0x4920];
	v19 =	vand.u32 $0xFFFF0000, v19  }
0x59: {  	v8 =	vshll.u32 v18, $0x10;
	v18 =	vld [tilespmem:s0+$0xC920];
	v9 =	vadd.f32 v19, v9;
	v19 =	vmul.f32 $9.999999770e-03, v10  }
0x5a: {  	v5 =	vadd.f32 v16, v5;
	v11 =	vmax.f32 v11, v17;
	v15 =	vand.u32 $0xFFFF0000, v15;
	v20 =	vld [tilespmem:s0+$0x4930]  }
0x5b: {  	v15 =	vadd.f32 v15, v8;
	v8 =	vshll.u32 v14, $0x10;
	v16 =	vld [tilespmem:s0+$0xC930];
	v14 =	vmul.f32 $9.999999770e-03, v9  }
0x5c: {  	v3 =	vadd.f32 v11, v3;
	v10 =	vmax.f32 v10, v19;
	v13 =	vand.u32 $0xFFFF0000, v13;
	v17 =	vld [tilespmem:s0+$0x4940]  }
0x5d: {  	v19 =	vadd.f32 v13, v8;
	v8 =	vshll.u32 v12, $0x10;
	v21 =	vld [tilespmem:s0+$0xC940];
	v9 =	vmax.f32 v9, v14  }
.Ltmp2:
0x5e: {  	v12 =	vmul.f32 $9.999999770e-03, v15;
	v13 =	vand.u32 $0xFFFF0000, v18;
	v11 =	vld [tilespmem:s0+$0x4950];
	v0 =	vadd.f32 v9, v0;
	(pc) =	sbr.rel @p0 .LBB2_3-.Ltmp2, $4  }
0x5f: {  	v18 =	vmul.f32 $9.999999770e-03, v19;
	v8 =	vadd.f32 v13, v8;
	v9 =	vshll.u32 v20, $0x10;
	v14 =	vld [tilespmem:s0+$0xC950]  }
0x60: {  	v2 =	vadd.f32 v10, v2;
	v20 =	vmax.f32 v15, v12;
	v13 =	vand.u32 $0xFFFF0000, v16;
	v12 =	vld [tilespmem:s0+$0x4960]  }
0x61: {  	v15 =	vmul.f32 $9.999999770e-03, v8;
	v10 =	vadd.f32 v13, v9;
	v16 =	vshll.u32 v17, $0x10;
	v13 =	vld [tilespmem:s0+$0xC960];
	s0 =	sshra.s32 s1, $0x2  }
0x62: {  	v1 =	vadd.f32 v20, v1;
	s1 =	sadd.s32 $0x200, s1;
	v17 =	vmax.f32 v19, v18;
	v9 =	vld [tilespmem:s0+$0x4970];
	v18 =	vand.u32 $0xFFFF0000, v21  }
0x63: {  	v19 =	vld [tilespmem:s0+$0xC970]  }
0x64: {  	v20 =	vmul.f32 $9.999999770e-03, v10;
	v16 =	vadd.f32 v18, v16;
	v18 =	vld [tilespmem:s0+$0x4900];
	v11 =	vshll.u32 v11, $0x10  }
0x65: {  	v4 =	vadd.f32 v17, v4;
	v17 =	vld [tilespmem:s0+$0xC900];
	v8 =	vmax.f32 v8, v15;
	v14 =	vand.u32 $0xFFFF0000, v14  }
0x66: {  	v7 =	vadd.f32 v8, v7;
	v15 =	vmul.f32 $9.999999770e-03, v16;
	v11 =	vadd.f32 v14, v11;
	v14 =	vld [tilespmem:s0+$0x4910]  }
0x67: {  	v12 =	vshll.u32 v12, $0x10;
	v8 =	vmax.f32 v10, v20;
	v10 =	vld [tilespmem:s0+$0xC910];
	v13 =	vand.u32 $0xFFFF0000, v13  }
0x68: {  	v20 =	vld [tilespmem:s0+$0x4920];
	v6 =	vadd.f32 v8, v6;
	v15 =	vmax.f32 v16, v15;
	v16 =	vmul.f32 $9.999999770e-03, v11  }
0x69: {  	v12 =	vadd.f32 v13, v12;
	v9 =	vshll.u32 v9, $0x10;
	v13 =	vand.u32 $0xFFFF0000, v19;
	v19 =	vld [tilespmem:s0+$0xC920]  }
0x6a: {  	v8 =	vshll.u32 v18, $0x10;
	v17 =	vand.u32 $0xFFFF0000, v17;
	v5 =	vadd.f32 v15, v5;
	v15 =	vld [tilespmem:s0+$0xC930]  }
0x6b: {  	v9 =	vadd.f32 v13, v9;
	v13 =	vld [tilespmem:s0+$0x4930];
	v18 =	vmul.f32 $9.999999770e-03, v12;
	v8 =	vadd.f32 v17, v8  }
0x6c: {  	v11 =	vmax.f32 v11, v16;
	v16 =	vld [tilespmem:s0+$0x4940];
	v14 =	vshll.u32 v14, $0x10;
	v10 =	vand.u32 $0xFFFF0000, v10  }
0x6d: {  	v3 =	vadd.f32 v11, v3;
	v11 =	vmax.f32 v12, v18;
	v12 =	vld [tilespmem:s0+$0xC940];
	v18 =	vmul.f32 $9.999999770e-03, v8  }
0x6e: {  	v17 =	vshll.u32 v20, $0x10;
	v10 =	vadd.f32 v10, v14;
	v14 =	vmul.f32 $9.999999770e-03, v9  }
0x6f: {  	v20 =	vld [tilespmem:s0+$0x4950];
	v2 =	vadd.f32 v11, v2;
	v19 =	vand.u32 $0xFFFF0000, v19;
	v8 =	vmax.f32 v8, v18  }
0x70: {  	v15 =	vand.u32 $0xFFFF0000, v15;
	v11 =	vmul.f32 $9.999999770e-03, v10;
	v17 =	vadd.f32 v19, v17;
	v19 =	vld [tilespmem:s0+$0xC950]  }
0x71: {  	v18 =	vld [tilespmem:s0+$0x4960];
	v13 =	vshll.u32 v13, $0x10;
	v16 =	vshll.u32 v16, $0x10;
	v1 =	vadd.f32 v8, v1  }
0x72: {  	v13 =	vadd.f32 v15, v13;
	v15 =	vld [tilespmem:s0+$0xC960];
	v10 =	vmax.f32 v10, v11;
	v8 =	vand.u32 $0xFFFF0000, v12  }
0x73: {  	v12 =	vmul.f32 $9.999999770e-03, v17;
	v4 =	vadd.f32 v10, v4;
	v1 =	vmul.f32 $1.562500000e-02, v1  }
0x74: {  	v8 =	vadd.f32 v8, v16;
	v11 =	vmul.f32 $9.999999770e-03, v13;
	v16 =	vshll.u32 v20, $0x10  }
0x75: {  	v10 =	vmax.f32 v17, v12;
	v4 =	vmul.f32 $1.562500000e-02, v4;
	v12 =	vand.u32 $0xFFFF0000, v19  }
0x76: {  	v17 =	vmul.f32 $9.999999770e-03, v8;
	v7 =	vadd.f32 v10, v7;
	v10 =	vmax.f32 v13, v11  }
0x77: {  	s17 =	sshll.u32 s30, $0xB;
	v12 =	vadd.f32 v12, v16;
	v16 =	vshll.u32 v18, $0x10;
	v15 =	vand.u32 $0xFFFF0000, v15  }
0x78: {  	s31 =	sshra.s32 s17, $0x2;
	v6 =	vadd.f32 v10, v6;
	v11 =	vadd.f32 v15, v16;
	v8 =	vmax.f32 v8, v17  }
0x79: {  	[tilespmem:s31+$0x14900] =	vst v1;
	v1 =	vmul.f32 $1.562500000e-02, v7;
	v13 =	vmul.f32 $9.999999770e-03, v12;
	v5 =	vadd.f32 v8, v5  }
0x7a: {  	[tilespmem:s31+$0x14910] =	vst v4;
	v4 =	vmul.f32 $1.562500000e-02, v6;
	v6 =	vmax.f32 v9, v14;
	v10 =	vmul.f32 $9.999999770e-03, v11  }
0x7b: {  	v0 =	vadd.f32 v6, v0;
	v8 =	vmax.f32 v12, v13  }
0x7c: {  	[tilespmem:s31+$0x14920] =	vst v1;
	v1 =	vmul.f32 $1.562500000e-02, v5;
	v3 =	vadd.f32 v8, v3;
	v7 =	vmax.f32 v11, v10  }
0x7d: {  	[tilespmem:s31+$0x14930] =	vst v4;
	v0 =	vmul.f32 $1.562500000e-02, v0;
	v2 =	vadd.f32 v7, v2  }
0x7e: {  	[tilespmem:s31+$0x14940] =	vst v1;
	v3 =	vmul.f32 $1.562500000e-02, v3  }
0x7f: {  	[tilespmem:s31+$0x14970] =	vst v0;
	v1 =	vmul.f32 $1.562500000e-02, v2  }
0x80: {  	[tilespmem:s31+$0x14950] =	vst v3  }
0x81: {  	s1 =	simm.s32 $0x0;
	[tilespmem:s31+$0x14960] =	vst v1  }
0x82: {  	v0 =	vld [tilespmem:s1+$0x6970]  }
0x83: {  	v1 =	vld [tilespmem:s1+$0xE970]  }
0x84: {  	v2 =	vld [tilespmem:s1+$0x6900]  }
0x85: {  	v3 =	vld [tilespmem:s1+$0xE900]  }
0x86: {  	v4 =	vld [tilespmem:s1+$0x6910]  }
0x87: {  	v5 =	vld [tilespmem:s1+$0xE910]  }
0x88: {  	v6 =	vld [tilespmem:s1+$0x6920]  }
0x89: {  	v7 =	vld [tilespmem:s1+$0xE920]  }
0x8a: {  	v9 =	vld [tilespmem:s1+$0xE930]  }
0x8b: {  	v18 =	vld [tilespmem:s1+$0xE940];
	v0 =	vshll.u32 v0, $0x10;
	v1 =	vand.u32 $0xFFFF0000, v1  }
0x8c: {  	v2 =	vshll.u32 v2, $0x10;
	v3 =	vand.u32 $0xFFFF0000, v3;
	v8 =	vshll.u32 v4, $0x10  }
0x8d: {  	v5 =	vand.u32 $0xFFFF0000, v5;
	v6 =	vshll.u32 v6, $0x10;
	v0 =	vadd.f32 v1, v0;
	v1 =	vld [tilespmem:s1+$0x6930]  }
0x8e: {  	v7 =	vand.u32 $0xFFFF0000, v7;
	v2 =	vadd.f32 v3, v2;
	v3 =	vld [tilespmem:s1+$0x6940];
	v5 =	vadd.f32 v5, v8  }
0x8f: {  	v4 =	vimm.f32 $0.0e+00;
	v8 =	vadd.f32 v7, v6;
	v10 =	vmul.f32 $9.999999770e-03, v0  }
0x90: {  	v18 =	vand.u32 $0xFFFF0000, v18;
	v7 =	vand.u32 $0xFFFF0000, v9;
	v6 =	vmul.f32 $9.999999770e-03, v5  }
0x91: {  	v11 =	vld [tilespmem:s1+$0x6950];
	v15 =	vmul.f32 $9.999999770e-03, v8;
	v0 =	vmax.f32 v0, v10;
	v10 =	vmul.f32 $9.999999770e-03, v2  }
0x92: {  	v14 =	vld [tilespmem:s1+$0xE950];
	v17 =	vmax.f32 v5, v6;
	v6 =	vimm.f32 $0.0e+00;
	v5 =	vimm.f32 $0.0e+00  }
0x93: {  	v12 =	vld [tilespmem:s1+$0x6960];
	v0 =	vadd.f32 v0, v4;
	v1 =	vshll.u32 v1, $0x10;
	v16 =	vshll.u32 v3, $0x10  }
0x94: {  	s0 =	simm.s32 $0x80;
	v13 =	vld [tilespmem:s1+$0xE960];
	v3 =	vimm.f32 $0.0e+00;
	v2 =	vmax.f32 v2, v10;
	v10 =	vadd.f32 v7, v1  }
0x95: {  	v9 =	vld [tilespmem:s0+$0x6970];
	s1 =	simm.s32 $0x400;
	v7 =	vimm.f32 $0.0e+00;
	v1 =	vadd.f32 v2, v4;
	v2 =	vimm.f32 $0.0e+00  }
.LBB2_5:
0x96: {  	p0 =	sne.s32 s1, $0x7E00;
	v19 =	vld [tilespmem:s0+$0xE970];
	v20 =	vmul.f32 $9.999999770e-03, v10;
	v16 =	vadd.f32 v18, v16;
	v11 =	vshll.u32 v11, $0x10  }
0x97: {  	v4 =	vadd.f32 v17, v4;
	v8 =	vmax.f32 v8, v15;
	v18 =	vld [tilespmem:s0+$0x6900];
	v14 =	vand.u32 $0xFFFF0000, v14  }
0x98: {  	v15 =	vld [tilespmem:s0+$0xE900];
	v17 =	vmul.f32 $9.999999770e-03, v16;
	v11 =	vadd.f32 v14, v11;
	v12 =	vshll.u32 v12, $0x10  }
0x99: {  	v7 =	vadd.f32 v8, v7;
	v8 =	vmax.f32 v10, v20;
	v14 =	vld [tilespmem:s0+$0x6910];
	v10 =	vand.u32 $0xFFFF0000, v13  }
0x9a: {  	v13 =	vld [tilespmem:s0+$0xE910];
	v16 =	vmax.f32 v16, v17;
	v17 =	vmul.f32 $9.999999770e-03, v11;
	v10 =	vadd.f32 v10, v12  }
0x9b: {  	v6 =	vadd.f32 v8, v6;
	v9 =	vshll.u32 v9, $0x10;
	v12 =	vld [tilespmem:s0+$0x6920];
	v19 =	vand.u32 $0xFFFF0000, v19  }
0x9c: {  	v8 =	vshll.u32 v18, $0x10;
	v18 =	vld [tilespmem:s0+$0xE920];
	v9 =	vadd.f32 v19, v9;
	v19 =	vmul.f32 $9.999999770e-03, v10  }
0x9d: {  	v5 =	vadd.f32 v16, v5;
	v11 =	vmax.f32 v11, v17;
	v15 =	vand.u32 $0xFFFF0000, v15;
	v20 =	vld [tilespmem:s0+$0x6930]  }
0x9e: {  	v15 =	vadd.f32 v15, v8;
	v8 =	vshll.u32 v14, $0x10;
	v16 =	vld [tilespmem:s0+$0xE930];
	v14 =	vmul.f32 $9.999999770e-03, v9  }
0x9f: {  	v3 =	vadd.f32 v11, v3;
	v10 =	vmax.f32 v10, v19;
	v13 =	vand.u32 $0xFFFF0000, v13;
	v17 =	vld [tilespmem:s0+$0x6940]  }
0xa0: {  	v19 =	vadd.f32 v13, v8;
	v8 =	vshll.u32 v12, $0x10;
	v21 =	vld [tilespmem:s0+$0xE940];
	v9 =	vmax.f32 v9, v14  }
.Ltmp3:
0xa1: {  	v12 =	vmul.f32 $9.999999770e-03, v15;
	v13 =	vand.u32 $0xFFFF0000, v18;
	v11 =	vld [tilespmem:s0+$0x6950];
	v0 =	vadd.f32 v9, v0;
	(pc) =	sbr.rel @p0 .LBB2_5-.Ltmp3, $4  }
0xa2: {  	v18 =	vmul.f32 $9.999999770e-03, v19;
	v8 =	vadd.f32 v13, v8;
	v9 =	vshll.u32 v20, $0x10;
	v14 =	vld [tilespmem:s0+$0xE950]  }
0xa3: {  	v2 =	vadd.f32 v10, v2;
	v20 =	vmax.f32 v15, v12;
	v13 =	vand.u32 $0xFFFF0000, v16;
	v12 =	vld [tilespmem:s0+$0x6960]  }
0xa4: {  	v15 =	vmul.f32 $9.999999770e-03, v8;
	v10 =	vadd.f32 v13, v9;
	v16 =	vshll.u32 v17, $0x10;
	v13 =	vld [tilespmem:s0+$0xE960];
	s0 =	sshra.s32 s1, $0x2  }
0xa5: {  	v1 =	vadd.f32 v20, v1;
	s1 =	sadd.s32 $0x200, s1;
	v17 =	vmax.f32 v19, v18;
	v9 =	vld [tilespmem:s0+$0x6970];
	v18 =	vand.u32 $0xFFFF0000, v21  }
0xa6: {  	v19 =	vld [tilespmem:s0+$0xE970]  }
0xa7: {  	v20 =	vmul.f32 $9.999999770e-03, v10;
	v16 =	vadd.f32 v18, v16;
	v18 =	vld [tilespmem:s0+$0x6900];
	v11 =	vshll.u32 v11, $0x10  }
0xa8: {  	v4 =	vadd.f32 v17, v4;
	v17 =	vld [tilespmem:s0+$0xE900];
	v8 =	vmax.f32 v8, v15;
	v14 =	vand.u32 $0xFFFF0000, v14  }
0xa9: {  	v7 =	vadd.f32 v8, v7;
	v15 =	vmul.f32 $9.999999770e-03, v16;
	v11 =	vadd.f32 v14, v11;
	v14 =	vld [tilespmem:s0+$0x6910]  }
0xaa: {  	v12 =	vshll.u32 v12, $0x10;
	v8 =	vmax.f32 v10, v20;
	v10 =	vld [tilespmem:s0+$0xE910];
	v13 =	vand.u32 $0xFFFF0000, v13  }
0xab: {  	v20 =	vld [tilespmem:s0+$0x6920];
	v6 =	vadd.f32 v8, v6;
	v15 =	vmax.f32 v16, v15;
	v16 =	vmul.f32 $9.999999770e-03, v11  }
0xac: {  	v12 =	vadd.f32 v13, v12;
	v9 =	vshll.u32 v9, $0x10;
	v13 =	vand.u32 $0xFFFF0000, v19;
	v19 =	vld [tilespmem:s0+$0xE920]  }
0xad: {  	v8 =	vshll.u32 v18, $0x10;
	v17 =	vand.u32 $0xFFFF0000, v17;
	v5 =	vadd.f32 v15, v5;
	v15 =	vld [tilespmem:s0+$0xE930]  }
0xae: {  	v9 =	vadd.f32 v13, v9;
	v13 =	vld [tilespmem:s0+$0x6930];
	v18 =	vmul.f32 $9.999999770e-03, v12;
	v8 =	vadd.f32 v17, v8  }
0xaf: {  	v11 =	vmax.f32 v11, v16;
	v16 =	vld [tilespmem:s0+$0x6940];
	v14 =	vshll.u32 v14, $0x10;
	v10 =	vand.u32 $0xFFFF0000, v10  }
0xb0: {  	v3 =	vadd.f32 v11, v3;
	v11 =	vmax.f32 v12, v18;
	v12 =	vld [tilespmem:s0+$0xE940];
	v18 =	vmul.f32 $9.999999770e-03, v8  }
0xb1: {  	v17 =	vshll.u32 v20, $0x10;
	v10 =	vadd.f32 v10, v14;
	v14 =	vmul.f32 $9.999999770e-03, v9  }
0xb2: {  	v20 =	vld [tilespmem:s0+$0x6950];
	v2 =	vadd.f32 v11, v2;
	v19 =	vand.u32 $0xFFFF0000, v19;
	v8 =	vmax.f32 v8, v18  }
0xb3: {  	v15 =	vand.u32 $0xFFFF0000, v15;
	v11 =	vmul.f32 $9.999999770e-03, v10;
	v17 =	vadd.f32 v19, v17;
	v19 =	vld [tilespmem:s0+$0xE950]  }
0xb4: {  	v18 =	vld [tilespmem:s0+$0x6960];
	v13 =	vshll.u32 v13, $0x10;
	v16 =	vshll.u32 v16, $0x10;
	v1 =	vadd.f32 v8, v1  }
0xb5: {  	v13 =	vadd.f32 v15, v13;
	v15 =	vld [tilespmem:s0+$0xE960];
	v10 =	vmax.f32 v10, v11;
	v8 =	vand.u32 $0xFFFF0000, v12  }
0xb6: {  	v12 =	vmul.f32 $9.999999770e-03, v17;
	v4 =	vadd.f32 v10, v4;
	v1 =	vmul.f32 $1.562500000e-02, v1  }
0xb7: {  	v8 =	vadd.f32 v8, v16;
	v11 =	vmul.f32 $9.999999770e-03, v13;
	v16 =	vshll.u32 v20, $0x10  }
0xb8: {  	v10 =	vmax.f32 v17, v12;
	v4 =	vmul.f32 $1.562500000e-02, v4;
	v12 =	vand.u32 $0xFFFF0000, v19  }
0xb9: {  	v17 =	vmul.f32 $9.999999770e-03, v8;
	v7 =	vadd.f32 v10, v7;
	v10 =	vmax.f32 v13, v11  }
0xba: {  	v12 =	vadd.f32 v12, v16;
	v16 =	vshll.u32 v18, $0x10;
	v15 =	vand.u32 $0xFFFF0000, v15  }
0xbb: {  	v6 =	vadd.f32 v10, v6;
	v11 =	vadd.f32 v15, v16;
	v8 =	vmax.f32 v8, v17  }
0xbc: {  	[tilespmem:s31+$0x14980] =	vst v1;
	v1 =	vmul.f32 $1.562500000e-02, v7;
	v13 =	vmul.f32 $9.999999770e-03, v12;
	v5 =	vadd.f32 v8, v5  }
0xbd: {  	[tilespmem:s31+$0x14990] =	vst v4;
	v4 =	vmul.f32 $1.562500000e-02, v6;
	v6 =	vmax.f32 v9, v14;
	v10 =	vmul.f32 $9.999999770e-03, v11  }
0xbe: {  	v0 =	vadd.f32 v6, v0;
	v8 =	vmax.f32 v12, v13  }
0xbf: {  	[tilespmem:s31+$0x149A0] =	vst v1;
	v1 =	vmul.f32 $1.562500000e-02, v5;
	v3 =	vadd.f32 v8, v3;
	v7 =	vmax.f32 v11, v10  }
0xc0: {  	[tilespmem:s31+$0x149B0] =	vst v4;
	v0 =	vmul.f32 $1.562500000e-02, v0;
	v2 =	vadd.f32 v7, v2  }
0xc1: {  	[tilespmem:s31+$0x149C0] =	vst v1;
	v3 =	vmul.f32 $1.562500000e-02, v3  }
0xc2: {  	[tilespmem:s31+$0x149F0] =	vst v0;
	v1 =	vmul.f32 $1.562500000e-02, v2  }
0xc3: {  	p0 =	seq.s32 s30, $0x23;
	s0 =	sshll.u32 s30, $0x8;
	[tilespmem:s31+$0x149D0] =	vst v3  }
0xc4: {  	s16 =	simm.s32 @!p0 $0x80;
	s17 =	simm.s32 @!p0 $0x4900;
	s1 =	sadd.s32 @!p0 $0x100, s0;
	[tilespmem:s31+$0x149E0] =	vst v1  }
0xc5: {  	[tilespmem:s17], [sflag:$0x1] =	stream.indirect.gather @!p0 [hbm4b:s4+s16], $0x80, s1, s16, $0xb8;
	[tilespmem:$0x1D900] =	vst v63  }
0xc6: {  	s1 =	sadd.s32 @!p0 $0x2500, s0;
	s17 =	simm.s32 @!p0 $0xC900  }
0xc7: {  	[tilespmem:s17], [sflag:$0x1] =	stream.indirect.gather @!p0 [hbm4b:s4+s16], $0x80, s1, s16, $0xb8;
	[tilespmem:$0x1D900] =	vst v63  }
0xc8: {  	_ =	swait.ge [sflag:s14], $0x4000  }
0xc9: {  	[sflag:s14] =	ssyncset.done $0x0  }
0xca: {  	[sflag:s14] =	ssyncadd.s32 $0xFFFFC000  }
0xcb: {  	_ =	swait.ge [sflag:s14], $0x4000  }
0xcc: {  	[sflag:s14] =	ssyncset.done $0x0  }
0xcd: {  	s17 =	simm.s32 $0x0;
	[sflag:s14] =	ssyncadd.s32 $0xFFFFC000  }
0xce: {  	v0 =	vld [tilespmem:s17+$0x8970]  }
0xcf: {  	v1 =	vld [tilespmem:s17+$0x10970]  }
0xd0: {  	v2 =	vld [tilespmem:s17+$0x8900]  }
0xd1: {  	v3 =	vld [tilespmem:s17+$0x10900]  }
0xd2: {  	v4 =	vld [tilespmem:s17+$0x8910]  }
0xd3: {  	v5 =	vld [tilespmem:s17+$0x10910]  }
0xd4: {  	v6 =	vld [tilespmem:s17+$0x8920]  }
0xd5: {  	v7 =	vld [tilespmem:s17+$0x10920]  }
0xd6: {  	v9 =	vld [tilespmem:s17+$0x10930]  }
0xd7: {  	v18 =	vld [tilespmem:s17+$0x10940];
	v0 =	vshll.u32 v0, $0x10;
	v1 =	vand.u32 $0xFFFF0000, v1  }
0xd8: {  	v2 =	vshll.u32 v2, $0x10;
	v3 =	vand.u32 $0xFFFF0000, v3;
	v8 =	vshll.u32 v4, $0x10  }
0xd9: {  	v5 =	vand.u32 $0xFFFF0000, v5;
	v6 =	vshll.u32 v6, $0x10;
	v0 =	vadd.f32 v1, v0;
	v1 =	vld [tilespmem:s17+$0x8930]  }
0xda: {  	v7 =	vand.u32 $0xFFFF0000, v7;
	v2 =	vadd.f32 v3, v2;
	v3 =	vld [tilespmem:s17+$0x8940];
	v5 =	vadd.f32 v5, v8  }
0xdb: {  	v4 =	vimm.f32 $0.0e+00;
	v8 =	vadd.f32 v7, v6;
	v10 =	vmul.f32 $9.999999770e-03, v0  }
0xdc: {  	v18 =	vand.u32 $0xFFFF0000, v18;
	v7 =	vand.u32 $0xFFFF0000, v9;
	v6 =	vmul.f32 $9.999999770e-03, v5  }
0xdd: {  	v11 =	vld [tilespmem:s17+$0x8950];
	v15 =	vmul.f32 $9.999999770e-03, v8;
	v0 =	vmax.f32 v0, v10;
	v10 =	vmul.f32 $9.999999770e-03, v2  }
0xde: {  	v14 =	vld [tilespmem:s17+$0x10950];
	v17 =	vmax.f32 v5, v6;
	v6 =	vimm.f32 $0.0e+00;
	v5 =	vimm.f32 $0.0e+00  }
0xdf: {  	v12 =	vld [tilespmem:s17+$0x8960];
	v0 =	vadd.f32 v0, v4;
	v1 =	vshll.u32 v1, $0x10;
	v16 =	vshll.u32 v3, $0x10  }
0xe0: {  	s1 =	simm.s32 $0x80;
	v13 =	vld [tilespmem:s17+$0x10960];
	v3 =	vimm.f32 $0.0e+00;
	v2 =	vmax.f32 v2, v10;
	v10 =	vadd.f32 v7, v1  }
0xe1: {  	s16 =	simm.s32 $0x400;
	v9 =	vld [tilespmem:s1+$0x8970];
	v7 =	vimm.f32 $0.0e+00;
	v1 =	vadd.f32 v2, v4;
	v2 =	vimm.f32 $0.0e+00  }
.LBB2_7:
0xe2: {  	p1 =	sne.s32 s16, $0x7E00;
	v19 =	vld [tilespmem:s1+$0x10970];
	v20 =	vmul.f32 $9.999999770e-03, v10;
	v16 =	vadd.f32 v18, v16;
	v11 =	vshll.u32 v11, $0x10  }
0xe3: {  	v4 =	vadd.f32 v17, v4;
	v8 =	vmax.f32 v8, v15;
	v18 =	vld [tilespmem:s1+$0x8900];
	v14 =	vand.u32 $0xFFFF0000, v14  }
0xe4: {  	v15 =	vld [tilespmem:s1+$0x10900];
	v17 =	vmul.f32 $9.999999770e-03, v16;
	v11 =	vadd.f32 v14, v11;
	v12 =	vshll.u32 v12, $0x10  }
0xe5: {  	v7 =	vadd.f32 v8, v7;
	v8 =	vmax.f32 v10, v20;
	v14 =	vld [tilespmem:s1+$0x8910];
	v10 =	vand.u32 $0xFFFF0000, v13  }
0xe6: {  	v13 =	vld [tilespmem:s1+$0x10910];
	v16 =	vmax.f32 v16, v17;
	v17 =	vmul.f32 $9.999999770e-03, v11;
	v10 =	vadd.f32 v10, v12  }
0xe7: {  	v6 =	vadd.f32 v8, v6;
	v9 =	vshll.u32 v9, $0x10;
	v12 =	vld [tilespmem:s1+$0x8920];
	v19 =	vand.u32 $0xFFFF0000, v19  }
0xe8: {  	v8 =	vshll.u32 v18, $0x10;
	v18 =	vld [tilespmem:s1+$0x10920];
	v9 =	vadd.f32 v19, v9;
	v19 =	vmul.f32 $9.999999770e-03, v10  }
0xe9: {  	v5 =	vadd.f32 v16, v5;
	v11 =	vmax.f32 v11, v17;
	v15 =	vand.u32 $0xFFFF0000, v15;
	v20 =	vld [tilespmem:s1+$0x8930]  }
0xea: {  	v15 =	vadd.f32 v15, v8;
	v8 =	vshll.u32 v14, $0x10;
	v16 =	vld [tilespmem:s1+$0x10930];
	v14 =	vmul.f32 $9.999999770e-03, v9  }
0xeb: {  	v3 =	vadd.f32 v11, v3;
	v10 =	vmax.f32 v10, v19;
	v13 =	vand.u32 $0xFFFF0000, v13;
	v17 =	vld [tilespmem:s1+$0x8940]  }
0xec: {  	v19 =	vadd.f32 v13, v8;
	v8 =	vshll.u32 v12, $0x10;
	v21 =	vld [tilespmem:s1+$0x10940];
	v9 =	vmax.f32 v9, v14  }
.Ltmp4:
0xed: {  	v12 =	vmul.f32 $9.999999770e-03, v15;
	v13 =	vand.u32 $0xFFFF0000, v18;
	v11 =	vld [tilespmem:s1+$0x8950];
	v0 =	vadd.f32 v9, v0;
	(pc) =	sbr.rel @p1 .LBB2_7-.Ltmp4, $4  }
0xee: {  	v18 =	vmul.f32 $9.999999770e-03, v19;
	v8 =	vadd.f32 v13, v8;
	v9 =	vshll.u32 v20, $0x10;
	v14 =	vld [tilespmem:s1+$0x10950]  }
0xef: {  	v2 =	vadd.f32 v10, v2;
	v20 =	vmax.f32 v15, v12;
	v13 =	vand.u32 $0xFFFF0000, v16;
	v12 =	vld [tilespmem:s1+$0x8960]  }
0xf0: {  	v15 =	vmul.f32 $9.999999770e-03, v8;
	v10 =	vadd.f32 v13, v9;
	v16 =	vshll.u32 v17, $0x10;
	v13 =	vld [tilespmem:s1+$0x10960];
	s1 =	sshra.s32 s16, $0x2  }
0xf1: {  	v1 =	vadd.f32 v20, v1;
	s16 =	sadd.s32 $0x200, s16;
	v17 =	vmax.f32 v19, v18;
	v9 =	vld [tilespmem:s1+$0x8970];
	v18 =	vand.u32 $0xFFFF0000, v21  }
0xf2: {  	v19 =	vld [tilespmem:s1+$0x10970]  }
0xf3: {  	v20 =	vmul.f32 $9.999999770e-03, v10;
	v16 =	vadd.f32 v18, v16;
	v18 =	vld [tilespmem:s1+$0x8900];
	v11 =	vshll.u32 v11, $0x10  }
0xf4: {  	v4 =	vadd.f32 v17, v4;
	v17 =	vld [tilespmem:s1+$0x10900];
	v8 =	vmax.f32 v8, v15;
	v14 =	vand.u32 $0xFFFF0000, v14  }
0xf5: {  	v7 =	vadd.f32 v8, v7;
	v15 =	vmul.f32 $9.999999770e-03, v16;
	v11 =	vadd.f32 v14, v11;
	v14 =	vld [tilespmem:s1+$0x8910]  }
0xf6: {  	v12 =	vshll.u32 v12, $0x10;
	v8 =	vmax.f32 v10, v20;
	v10 =	vld [tilespmem:s1+$0x10910];
	v13 =	vand.u32 $0xFFFF0000, v13  }
0xf7: {  	v20 =	vld [tilespmem:s1+$0x8920];
	v6 =	vadd.f32 v8, v6;
	v15 =	vmax.f32 v16, v15;
	v16 =	vmul.f32 $9.999999770e-03, v11  }
0xf8: {  	v12 =	vadd.f32 v13, v12;
	v9 =	vshll.u32 v9, $0x10;
	v13 =	vand.u32 $0xFFFF0000, v19;
	v19 =	vld [tilespmem:s1+$0x10920]  }
0xf9: {  	v8 =	vshll.u32 v18, $0x10;
	v17 =	vand.u32 $0xFFFF0000, v17;
	v5 =	vadd.f32 v15, v5;
	v15 =	vld [tilespmem:s1+$0x10930]  }
0xfa: {  	v9 =	vadd.f32 v13, v9;
	v13 =	vld [tilespmem:s1+$0x8930];
	v18 =	vmul.f32 $9.999999770e-03, v12;
	v8 =	vadd.f32 v17, v8  }
0xfb: {  	v11 =	vmax.f32 v11, v16;
	v16 =	vld [tilespmem:s1+$0x8940];
	v14 =	vshll.u32 v14, $0x10;
	v10 =	vand.u32 $0xFFFF0000, v10  }
0xfc: {  	v3 =	vadd.f32 v11, v3;
	v11 =	vmax.f32 v12, v18;
	v12 =	vld [tilespmem:s1+$0x10940];
	v18 =	vmul.f32 $9.999999770e-03, v8  }
0xfd: {  	v17 =	vshll.u32 v20, $0x10;
	v10 =	vadd.f32 v10, v14;
	v14 =	vmul.f32 $9.999999770e-03, v9  }
0xfe: {  	v20 =	vld [tilespmem:s1+$0x8950];
	v2 =	vadd.f32 v11, v2;
	v19 =	vand.u32 $0xFFFF0000, v19;
	v8 =	vmax.f32 v8, v18  }
0xff: {  	v15 =	vand.u32 $0xFFFF0000, v15;
	v11 =	vmul.f32 $9.999999770e-03, v10;
	v17 =	vadd.f32 v19, v17;
	v19 =	vld [tilespmem:s1+$0x10950]  }
0x100: {  	v18 =	vld [tilespmem:s1+$0x8960];
	v13 =	vshll.u32 v13, $0x10;
	v16 =	vshll.u32 v16, $0x10;
	v1 =	vadd.f32 v8, v1  }
0x101: {  	v13 =	vadd.f32 v15, v13;
	v15 =	vld [tilespmem:s1+$0x10960];
	v10 =	vmax.f32 v10, v11;
	v8 =	vand.u32 $0xFFFF0000, v12  }
0x102: {  	v12 =	vmul.f32 $9.999999770e-03, v17;
	v4 =	vadd.f32 v10, v4;
	v1 =	vmul.f32 $1.562500000e-02, v1  }
0x103: {  	v8 =	vadd.f32 v8, v16;
	v11 =	vmul.f32 $9.999999770e-03, v13;
	v16 =	vshll.u32 v20, $0x10  }
0x104: {  	v10 =	vmax.f32 v17, v12;
	v4 =	vmul.f32 $1.562500000e-02, v4;
	v12 =	vand.u32 $0xFFFF0000, v19  }
0x105: {  	v17 =	vmul.f32 $9.999999770e-03, v8;
	v7 =	vadd.f32 v10, v7;
	v10 =	vmax.f32 v13, v11  }
0x106: {  	v12 =	vadd.f32 v12, v16;
	v16 =	vshll.u32 v18, $0x10;
	v15 =	vand.u32 $0xFFFF0000, v15  }
0x107: {  	v6 =	vadd.f32 v10, v6;
	v11 =	vadd.f32 v15, v16;
	v8 =	vmax.f32 v8, v17  }
0x108: {  	[tilespmem:s31+$0x14A00] =	vst v1;
	v1 =	vmul.f32 $1.562500000e-02, v7;
	v13 =	vmul.f32 $9.999999770e-03, v12;
	v5 =	vadd.f32 v8, v5  }
0x109: {  	[tilespmem:s31+$0x14A10] =	vst v4;
	v4 =	vmul.f32 $1.562500000e-02, v6;
	v6 =	vmax.f32 v9, v14;
	v10 =	vmul.f32 $9.999999770e-03, v11  }
0x10a: {  	v0 =	vadd.f32 v6, v0;
	v8 =	vmax.f32 v12, v13  }
0x10b: {  	[tilespmem:s31+$0x14A20] =	vst v1;
	v1 =	vmul.f32 $1.562500000e-02, v5;
	v3 =	vadd.f32 v8, v3;
	v7 =	vmax.f32 v11, v10  }
0x10c: {  	[tilespmem:s31+$0x14A30] =	vst v4;
	v0 =	vmul.f32 $1.562500000e-02, v0;
	v2 =	vadd.f32 v7, v2  }
0x10d: {  	[tilespmem:s31+$0x14A40] =	vst v1;
	v3 =	vmul.f32 $1.562500000e-02, v3  }
0x10e: {  	[tilespmem:s31+$0x14A70] =	vst v0;
	v1 =	vmul.f32 $1.562500000e-02, v2  }
0x10f: {  	[tilespmem:s31+$0x14A50] =	vst v3  }
0x110: {  	s16 =	simm.s32 $0x0;
	[tilespmem:s31+$0x14A60] =	vst v1  }
0x111: {  	v0 =	vld [tilespmem:s16+$0xA970]  }
0x112: {  	v1 =	vld [tilespmem:s16+$0x12970]  }
0x113: {  	v2 =	vld [tilespmem:s16+$0xA900]  }
0x114: {  	v3 =	vld [tilespmem:s16+$0x12900]  }
0x115: {  	v4 =	vld [tilespmem:s16+$0xA910]  }
0x116: {  	v5 =	vld [tilespmem:s16+$0x12910]  }
0x117: {  	v6 =	vld [tilespmem:s16+$0xA920]  }
0x118: {  	v7 =	vld [tilespmem:s16+$0x12920]  }
0x119: {  	v9 =	vld [tilespmem:s16+$0x12930]  }
0x11a: {  	v18 =	vld [tilespmem:s16+$0x12940];
	v0 =	vshll.u32 v0, $0x10;
	v1 =	vand.u32 $0xFFFF0000, v1  }
0x11b: {  	v2 =	vshll.u32 v2, $0x10;
	v3 =	vand.u32 $0xFFFF0000, v3;
	v8 =	vshll.u32 v4, $0x10  }
0x11c: {  	v5 =	vand.u32 $0xFFFF0000, v5;
	v6 =	vshll.u32 v6, $0x10;
	v0 =	vadd.f32 v1, v0;
	v1 =	vld [tilespmem:s16+$0xA930]  }
0x11d: {  	v7 =	vand.u32 $0xFFFF0000, v7;
	v2 =	vadd.f32 v3, v2;
	v3 =	vld [tilespmem:s16+$0xA940];
	v5 =	vadd.f32 v5, v8  }
0x11e: {  	v4 =	vimm.f32 $0.0e+00;
	v8 =	vadd.f32 v7, v6;
	v10 =	vmul.f32 $9.999999770e-03, v0  }
0x11f: {  	v18 =	vand.u32 $0xFFFF0000, v18;
	v7 =	vand.u32 $0xFFFF0000, v9;
	v6 =	vmul.f32 $9.999999770e-03, v5  }
0x120: {  	v11 =	vld [tilespmem:s16+$0xA950];
	v15 =	vmul.f32 $9.999999770e-03, v8;
	v0 =	vmax.f32 v0, v10;
	v10 =	vmul.f32 $9.999999770e-03, v2  }
0x121: {  	v14 =	vld [tilespmem:s16+$0x12950];
	v17 =	vmax.f32 v5, v6;
	v6 =	vimm.f32 $0.0e+00;
	v5 =	vimm.f32 $0.0e+00  }
0x122: {  	v12 =	vld [tilespmem:s16+$0xA960];
	v0 =	vadd.f32 v0, v4;
	v1 =	vshll.u32 v1, $0x10;
	v16 =	vshll.u32 v3, $0x10  }
0x123: {  	s1 =	simm.s32 $0x80;
	v13 =	vld [tilespmem:s16+$0x12960];
	v3 =	vimm.f32 $0.0e+00;
	v2 =	vmax.f32 v2, v10;
	v10 =	vadd.f32 v7, v1  }
0x124: {  	v9 =	vld [tilespmem:s1+$0xA970];
	s16 =	simm.s32 $0x400;
	v7 =	vimm.f32 $0.0e+00;
	v1 =	vadd.f32 v2, v4;
	v2 =	vimm.f32 $0.0e+00  }
.LBB2_9:
0x125: {  	p1 =	sne.s32 s16, $0x7E00;
	v19 =	vld [tilespmem:s1+$0x12970];
	v20 =	vmul.f32 $9.999999770e-03, v10;
	v16 =	vadd.f32 v18, v16;
	v11 =	vshll.u32 v11, $0x10  }
0x126: {  	v4 =	vadd.f32 v17, v4;
	v8 =	vmax.f32 v8, v15;
	v18 =	vld [tilespmem:s1+$0xA900];
	v14 =	vand.u32 $0xFFFF0000, v14  }
0x127: {  	v15 =	vld [tilespmem:s1+$0x12900];
	v17 =	vmul.f32 $9.999999770e-03, v16;
	v11 =	vadd.f32 v14, v11;
	v12 =	vshll.u32 v12, $0x10  }
0x128: {  	v7 =	vadd.f32 v8, v7;
	v8 =	vmax.f32 v10, v20;
	v14 =	vld [tilespmem:s1+$0xA910];
	v10 =	vand.u32 $0xFFFF0000, v13  }
0x129: {  	v13 =	vld [tilespmem:s1+$0x12910];
	v16 =	vmax.f32 v16, v17;
	v17 =	vmul.f32 $9.999999770e-03, v11;
	v10 =	vadd.f32 v10, v12  }
0x12a: {  	v6 =	vadd.f32 v8, v6;
	v9 =	vshll.u32 v9, $0x10;
	v12 =	vld [tilespmem:s1+$0xA920];
	v19 =	vand.u32 $0xFFFF0000, v19  }
0x12b: {  	v8 =	vshll.u32 v18, $0x10;
	v18 =	vld [tilespmem:s1+$0x12920];
	v9 =	vadd.f32 v19, v9;
	v19 =	vmul.f32 $9.999999770e-03, v10  }
0x12c: {  	v5 =	vadd.f32 v16, v5;
	v11 =	vmax.f32 v11, v17;
	v15 =	vand.u32 $0xFFFF0000, v15;
	v20 =	vld [tilespmem:s1+$0xA930]  }
0x12d: {  	v15 =	vadd.f32 v15, v8;
	v8 =	vshll.u32 v14, $0x10;
	v16 =	vld [tilespmem:s1+$0x12930];
	v14 =	vmul.f32 $9.999999770e-03, v9  }
0x12e: {  	v3 =	vadd.f32 v11, v3;
	v10 =	vmax.f32 v10, v19;
	v13 =	vand.u32 $0xFFFF0000, v13;
	v17 =	vld [tilespmem:s1+$0xA940]  }
0x12f: {  	v19 =	vadd.f32 v13, v8;
	v8 =	vshll.u32 v12, $0x10;
	v21 =	vld [tilespmem:s1+$0x12940];
	v9 =	vmax.f32 v9, v14  }
.Ltmp5:
0x130: {  	v12 =	vmul.f32 $9.999999770e-03, v15;
	v13 =	vand.u32 $0xFFFF0000, v18;
	v11 =	vld [tilespmem:s1+$0xA950];
	v0 =	vadd.f32 v9, v0;
	(pc) =	sbr.rel @p1 .LBB2_9-.Ltmp5, $4  }
0x131: {  	v18 =	vmul.f32 $9.999999770e-03, v19;
	v8 =	vadd.f32 v13, v8;
	v9 =	vshll.u32 v20, $0x10;
	v14 =	vld [tilespmem:s1+$0x12950]  }
0x132: {  	v2 =	vadd.f32 v10, v2;
	v20 =	vmax.f32 v15, v12;
	v13 =	vand.u32 $0xFFFF0000, v16;
	v12 =	vld [tilespmem:s1+$0xA960]  }
0x133: {  	v15 =	vmul.f32 $9.999999770e-03, v8;
	v10 =	vadd.f32 v13, v9;
	v16 =	vshll.u32 v17, $0x10;
	v13 =	vld [tilespmem:s1+$0x12960];
	s1 =	sshra.s32 s16, $0x2  }
0x134: {  	v1 =	vadd.f32 v20, v1;
	s16 =	sadd.s32 $0x200, s16;
	v17 =	vmax.f32 v19, v18;
	v9 =	vld [tilespmem:s1+$0xA970];
	v18 =	vand.u32 $0xFFFF0000, v21  }
0x135: {  	v19 =	vld [tilespmem:s1+$0x12970]  }
0x136: {  	v60 =	vld [tilespmem:s1+$0xA900]  }
0x137: {  	v61 =	vld [tilespmem:s1+$0x12900]  }
0x138: {  	v63 =	vld [tilespmem:s1+$0xA910]  }
0x139: {  	v25 =	vld [tilespmem:s1+$0x12910]  }
0x13a: {  	v27 =	vld [tilespmem:s1+$0xA920]  }
0x13b: {  	v29 =	vld [tilespmem:s1+$0x12920]  }
0x13c: {  	v31 =	vld [tilespmem:s1+$0xA930]  }
0x13d: {  	v20 =	vmul.f32 $9.999999770e-03, v10;
	v16 =	vadd.f32 v18, v16;
	v33 =	vld [tilespmem:s1+$0x12930]  }
0x13e: {  	v11 =	vshll.u32 v11, $0x10;
	v4 =	vadd.f32 v17, v4;
	v8 =	vmax.f32 v8, v15;
	v34 =	vld [tilespmem:s1+$0xA940]  }
0x13f: {  	v36 =	vld [tilespmem:s1+$0x12940];
	v14 =	vand.u32 $0xFFFF0000, v14;
	v7 =	vadd.f32 v8, v7;
	v62 =	vmul.f32 $9.999999770e-03, v16  }
0x140: {  	v39 =	vld [tilespmem:s1+$0xA950];
	v11 =	vadd.f32 v14, v11;
	v12 =	vshll.u32 v12, $0x10;
	v24 =	vmax.f32 v10, v20  }
0x141: {  	v41 =	vld [tilespmem:s1+$0x12950];
	v13 =	vand.u32 $0xFFFF0000, v13;
	v6 =	vadd.f32 v24, v6;
	v15 =	vmax.f32 v16, v62  }
0x142: {  	v42 =	vld [tilespmem:s1+$0xA960];
	v26 =	vmul.f32 $9.999999770e-03, v11;
	v12 =	vadd.f32 v13, v12;
	v9 =	vshll.u32 v9, $0x10  }
0x143: {  	v28 =	vand.u32 $0xFFFF0000, v19;
	v30 =	vshll.u32 v60, $0x10;
	v17 =	vand.u32 $0xFFFF0000, v61  }
0x144: {  	v5 =	vadd.f32 v15, v5;
	v14 =	vshll.u32 v63, $0x10;
	v10 =	vand.u32 $0xFFFF0000, v25  }
0x145: {  	v44 =	vld [tilespmem:s1+$0x12960];
	v37 =	vshll.u32 v27, $0x10;
	v19 =	vand.u32 $0xFFFF0000, v29;
	v13 =	vshll.u32 v31, $0x10  }
0x146: {  	v15 =	vand.u32 $0xFFFF0000, v33;
	v16 =	vshll.u32 v34, $0x10;
	v45 =	vand.u32 $0xFFFF0000, v36  }
0x147: {  	v48 =	vshll.u32 v39, $0x10;
	v50 =	vand.u32 $0xFFFF0000, v41;
	v52 =	vshll.u32 v42, $0x10  }
0x148: {  	v9 =	vadd.f32 v28, v9;
	v32 =	vmul.f32 $9.999999770e-03, v12;
	v8 =	vadd.f32 v17, v30  }
0x149: {  	v11 =	vmax.f32 v11, v26;
	v10 =	vadd.f32 v10, v14;
	v17 =	vadd.f32 v19, v37  }
0x14a: {  	v13 =	vadd.f32 v15, v13;
	v15 =	vand.u32 $0xFFFF0000, v44;
	v3 =	vadd.f32 v11, v3  }
0x14b: {  	v54 =	vadd.f32 v15, v52;
	v38 =	vmul.f32 $9.999999770e-03, v8;
	v40 =	vmul.f32 $9.999999770e-03, v9  }
0x14c: {  	v35 =	vmax.f32 v12, v32;
	v43 =	vmul.f32 $9.999999770e-03, v10;
	v46 =	vmul.f32 $9.999999770e-03, v17  }
0x14d: {  	v47 =	vmul.f32 $9.999999770e-03, v13;
	v12 =	vadd.f32 v50, v48;
	v2 =	vadd.f32 v35, v2  }
0x14e: {  	v56 =	vmul.f32 $9.999999770e-03, v54;
	v8 =	vmax.f32 v8, v38;
	v10 =	vmax.f32 v10, v43  }
0x14f: {  	v49 =	vmax.f32 v17, v46;
	v53 =	vmax.f32 v13, v47;
	v1 =	vadd.f32 v8, v1  }
0x150: {  	v55 =	vmul.f32 $9.999999770e-03, v12;
	v61 =	vmax.f32 v9, v40;
	v4 =	vadd.f32 v10, v4  }
0x151: {  	v8 =	vadd.f32 v45, v16;
	v7 =	vadd.f32 v49, v7;
	v1 =	vmul.f32 $1.562500000e-02, v1  }
0x152: {  	v6 =	vadd.f32 v53, v6;
	v59 =	vmax.f32 v54, v56;
	v4 =	vmul.f32 $1.562500000e-02, v4  }
0x153: {  	v0 =	vadd.f32 v61, v0;
	v51 =	vmul.f32 $9.999999770e-03, v8;
	v58 =	vmul.f32 $1.562500000e-02, v7;
	[tilespmem:s31+$0x14A80] =	vst v1  }
0x154: {  	v57 =	vmax.f32 v12, v55;
	v2 =	vadd.f32 v59, v2;
	v60 =	vmul.f32 $1.562500000e-02, v6;
	[tilespmem:s31+$0x14A90] =	vst v4  }
0x155: {  	v3 =	vadd.f32 v57, v3;
	v0 =	vmul.f32 $1.562500000e-02, v0;
	v8 =	vmax.f32 v8, v51;
	[tilespmem:s31+$0x14AA0] =	vst v58  }
.Ltmp6:
0x156: {  	v63 =	vmul.f32 $1.562500000e-02, v2;
	[tilespmem:s31+$0x14AB0] =	vst v60;
	v5 =	vadd.f32 v8, v5;
	(pc) =	sbr.rel @p0 .LBB2_12-.Ltmp6, $4  }
0x157: {  	v3 =	vmul.f32 $1.562500000e-02, v3;
	[tilespmem:s31+$0x14AF0] =	vst v0  }
0x158: {  	[tilespmem:s31+$0x14AE0] =	vst v63;
	v62 =	vmul.f32 $1.562500000e-02, v5  }
0x159: {  	[tilespmem:s31+$0x14AD0] =	vst v3  }
0x15a: {  	[tilespmem:s31+$0x14AC0] =	vst v62  }
.Ltmp7:
0x15b: {  	(pc) =	sbr.rel .LBB2_2-.Ltmp7, $4  }
0x15c: {  	s1 =	sadd.s32 $0x180, s0  }
0x15d: {  	[tilespmem:s18], [sflag:$0x2] =	stream.indirect.gather [hbm4b:s4+s15], $0x80, s1, s15, $0xb8;
	[tilespmem:$0x1D900] =	vst v63  }
0x15e: {  	s31 =	sadd.s32 $0x2580, s0;
	s30 =	sadd.s32 $0x1, s30  }
0x15f: {  	[tilespmem:s20], [sflag:$0x2] =	stream.indirect.gather [hbm4b:s4+s15], $0x80, s31, s15, $0xb8;
	[tilespmem:$0x1D900] =	vst v63  }
.LBB2_13:
0x160: {  	_ =	sfence.sel $0x180000  }
0x161: {  	[bflag:$0x0] =	sbarrier.arrive $0xFFFF  }
0x162: {  	_ =	strace $0x90000047  }
0x163: {  	s0 =	stileid.u32;
	[bflag:$0x2] =	sbarrier.arrive $0xFFFF  }
0x164: {  	p0 =	sne.s32 s0, $0x0;
	s0 =	rddreg [dreg:$0x2]  }
0x165: {  	s0 =	sadd.s32 @!p0 $0x100000, s0  }
0x166: {  	[sflag:s0] =	ssyncadd.tile.s32 @!p0 $0x1;
	_ =	shalt  }
.Lfunc_end2:
_tile_overlayer_lowered:
.L_overlay_start_2:
0x167: {  	(tag) =	ssettag $0x2  }
0x168: {  	s0 =	rddreg [dreg:$0x0];
	s2 =	stileid.u32  }
0x169: {  	s1 =	rddreg [dreg:$0x1];
	p0 =	sne.s32 s2, $0x0  }
0x16a: {  	s3 =	rddreg [dreg:$0x2];
	[bflag:$0x3] =	sbarrier.arrive $0xFFFF;
	s2 =	simm.s32 @!p0 $0x1C04  }
0x16b: {  	[timem:s3], [sflag:s2] =	dma.local @!p0 [hbm:s0], s1  }
0x16c: {  	s0 =	simm.s32 @!p0 $0x4  }
0x16d: {  	_ =	swait.ge @!p0 [sflag:s0], s1  }
0x16e: {  	s1 =	ssub.s32 @!p0 $0x0, s1;
	[sflag:s0] =	ssyncset.done @!p0 $0x0  }
0x16f: {  	[sflag:s0] =	ssyncadd.s32 @!p0 s1  }
0x170: {  	[bflag:$0x3] =	sbarrier.arrive $0xFFFF  }
0x171: {  	_ =	shalt  }

</sc_bundles>
